<compile_context>
chip_gen: v7x
topology: tpu7x:2x2x1
jax: 0.10.2.dev20260603
libtpu: 0.0.44.dev20260713+nightly
codegen_flags: <defaults>
</compile_context>

<pallas_src>
import jax
import jax.numpy as jnp
from jax import lax
from jax.experimental import pallas as pl
from jax.experimental.pallas import tpu as pltpu
from jax.experimental.pallas import tpu_sc as plsc

N = 327680
V = 100000
T = 3
D = 64

NC = 2
NS = 16
NW = NC * NS
L = 16

C = N // NW
CB = 1024
G = C // CB
K = 128
LOG2K = 7
NBK = CB + K


def _body(nt_hbm, ni_hbm, et_hbm, t0_hbm, t1_hbm, t2_hbm, out_hbm,
          tvm, ivm, etf, idxb, metab, av, oc, gsem0, gsem1, wsem):
    wid = lax.axis_index("s") * NC + lax.axis_index("c")

    pltpu.sync_copy(et_hbm, etf)
    lanes = lax.iota(jnp.int32, L)

    def block(b, _):
        base = wid * C + b * CB
        pltpu.sync_copy(nt_hbm.at[pl.ds(base, CB)], tvm)
        pltpu.sync_copy(ni_hbm.at[pl.ds(base, CB)], ivm)

        @plsc.parallel_loop(0, CB // L, carry=(jnp.int32(0), jnp.int32(0),
                                               jnp.int32(0)))
        def compact(i, offs):
            t16 = tvm[pl.ds(i * L, L)]
            d16 = ivm[pl.ds(i * L, L)]
            pair = lax.shift_right_logical(d16, 1)
            meta = (i * L + lanes) * 2 + lax.bitwise_and(d16, 1)
            new_offs = []
            for t in range(T):
                m = t16 == t
                cs = plsc.cumsum(m.astype(jnp.int32))
                o = t * NBK + offs[t] + cs - 1
                plsc.store_scatter(idxb, [o], pair, mask=m)
                plsc.store_scatter(metab, [o], meta, mask=m)
                new_offs.append(offs[t] + jnp.max(cs))
            return tuple(new_offs)

        offs = compact

        zeros16 = jnp.zeros((L,), jnp.int32)
        trash16 = jnp.full((L,), 2 * CB, jnp.int32)

        nbs = []
        for t in range(T):
            off = offs[t]
            nb = lax.shift_right_logical(off + (K - 1), LOG2K)
            padded = lax.shift_left(nb, LOG2K)
            nbs.append(nb)
            for q in range(K // L):
                o = off + q * L + lanes
                m = o < padded
                pad_idx = (wid * 577 + b * 131 + o * 7) & 16383
                plsc.store_scatter(idxb, [t * NBK + o], pad_idx, mask=m)
                plsc.store_scatter(metab, [t * NBK + o], trash16, mask=m)

        nb0, nb1, nb2 = nbs
        n01 = nb0 + nb1
        total = n01 + nb2

        def batch_loc(q):
            tq = (q >= nb0).astype(jnp.int32) + (q >= n01).astype(jnp.int32)
            sq = jnp.where(q < nb0, q * K,
                           jnp.where(q < n01, NBK + (q - nb0) * K,
                                     2 * NBK + (q - n01) * K))
            return tq, sq

        sems = (gsem0, gsem1)
        tbls = (t0_hbm, t1_hbm, t2_hbm)

        def fire(q, buf):
            tq, sq = batch_loc(q)
            for tt in range(T):
                @pl.when(tq == tt)
                def _fire():
                    pltpu.async_copy(tbls[tt].at[idxb.at[pl.ds(sq, K)]],
                                     av.at[buf], sems[buf])

        @pl.when(b > 0)
        def _wait_wb():
            pltpu.make_async_copy(out_hbm.at[pl.ds(0, CB * D)],
                                  oc.at[pl.ds(0, CB * D)], wsem).wait()

        fire(jnp.int32(0), 0)

        def batch(q, _):
            p = lax.bitwise_and(q, 1)
            tq, sq = batch_loc(q)

            for bb in range(2):
                @pl.when(p == bb)
                def _wait():
                    pltpu.make_async_copy(tbls[0].at[idxb.at[pl.ds(0, K)]],
                                          av.at[bb], sems[bb]).wait()

                @pl.when((q + 1 < total) & (p == bb))
                def _fire_next():
                    fire(q + 1, 1 - bb)

            bufs = jnp.full((L,), p, jnp.int32)
            rowi = []
            half = []
            posi = []
            for g in range(K // L):
                meta16 = metab[pl.ds(sq + g * L, L)]
                rowi.append(g * L + lanes)
                half.append(lax.bitwise_and(meta16, 1) * D)
                posi.append(lax.shift_right_logical(meta16, 1) * D)
            etbase = tq * D

            @plsc.parallel_loop(0, D, unroll=2)
            def col(c):
                cr = lax.bitwise_and(c + lanes, D - 1)
                etc = plsc.load_gather(etf, [etbase + cr])
                for g in range(K // L):
                    x = plsc.load_gather(av, [bufs, rowi[g], half[g] + cr])
                    plsc.store_scatter(oc, [posi[g] + cr], x + etc)

            return _

        lax.fori_loop(0, total, batch, 0)

        pltpu.async_copy(oc.at[pl.ds(0, CB * D)],
                         out_hbm.at[pl.ds(base * D, CB * D)], wsem)
        return _

    lax.fori_loop(0, G, block, 0)
    pltpu.make_async_copy(oc.at[pl.ds(0, CB * D)],
                          out_hbm.at[pl.ds(0, CB * D)], wsem).wait()


@jax.jit
def _run(node_type, node_id, embed_type, table0, table1, table2):
    mesh = plsc.VectorSubcoreMesh(core_axis_name="c", subcore_axis_name="s",
                                  num_cores=NC, num_subcores=NS)
    out = pl.kernel(
        _body,
        out_type=jax.ShapeDtypeStruct((N * D,), jnp.float32),
        mesh=mesh,
        compiler_params=pltpu.CompilerParams(needs_layout_passes=False),
        scratch_types=[
            pltpu.VMEM((CB,), jnp.int32),
            pltpu.VMEM((CB,), jnp.int32),
            pltpu.VMEM((T * D,), jnp.float32),
            pltpu.VMEM((T * NBK,), jnp.int32),
            pltpu.VMEM((T * NBK,), jnp.int32),
            pltpu.VMEM((2, K, 2 * D), jnp.float32),
            pltpu.VMEM(((CB + 1) * D,), jnp.float32),
            pltpu.SemaphoreType.DMA,
            pltpu.SemaphoreType.DMA,
            pltpu.SemaphoreType.DMA,
        ],
    )(node_type, node_id, embed_type.reshape(T * D),
      table0.reshape(V // 2, 2 * D), table1.reshape(V // 2, 2 * D),
      table2.reshape(V // 2, 2 * D))
    return out.reshape(N, D)


def kernel(node_type, node_id, embed_type, table0, table1, table2):
    return _run(node_type.astype(jnp.int32), node_id.astype(jnp.int32),
                embed_type, table0, table1, table2)

# --- scband reference (transcript-rebuilt; emitter-appended) ---
"""Pipeline reference for scband-token-embedding-6554120094285 (READ-ONLY COPY).

The authoritative reference and input builder live on the scoring server;
editing this copy changes nothing except your own understanding.
"""

import jax, jax.numpy as jnp
import numpy as np

N = 327680
V = 100000
T = 3
D = 64


def setup_inputs(seed: int = 0) -> dict:
    key = jax.random.key(seed)
    k1, k2, k3, k4, k5, k6 = jax.random.split(key, 6)
    node_type = jax.random.randint(k1, (N,), 0, T)
    node_id = jax.random.randint(k2, (N,), 0, V)
    embed_type = jax.random.normal(k3, (T, D), dtype=jnp.float32) * 0.02
    table0 = jax.random.normal(k4, (V, D), dtype=jnp.float32) * 0.02
    table1 = jax.random.normal(k5, (V, D), dtype=jnp.float32) * 0.02
    table2 = jax.random.normal(k6, (V, D), dtype=jnp.float32) * 0.02
    return {"node_type": node_type, "node_id": node_id, "embed_type": embed_type,
            "table0": table0, "table1": table1, "table2": table2}


def reference(node_type, node_id, embed_type, table0, table1, table2):
    # feat = self.embed_type(node_type)
    feat = jnp.take(embed_type, node_type, axis=0)
    # for each type-specific table: feat[mask] += embed(node_id[mask])
    # (all tables share num_embeddings=V so a masked full gather is exactly equivalent)
    for i, tbl in enumerate([table0, table1, table2]):
        mask = (node_type == i).astype(feat.dtype)[:, None]
        feat = feat + jnp.take(tbl, node_id, axis=0) * mask
    # the trailing while-loop in the original forward reads scalar ids but its
    # conditional body is empty (only docstrings), so it contributes nothing.
    return feat

if __name__ == "__main__":
    import jax
    _d = setup_inputs()
    print(jax.jit(kernel)(*tuple(_d.values())))

</pallas_src>

<mosaic_0001>
#map = affine_map<(d0, d1) -> (0)>
#map1 = affine_map<(d0, d1) -> (0, 0)>
module attributes {stable_mosaic.version = 14 : i64} {
  func.func @_body(%arg0: i32, %arg1: i32, %arg2: memref<327680xi32, #tpu.memory_space<hbm>>, %arg3: memref<327680xi32, #tpu.memory_space<hbm>>, %arg4: memref<192xf32, #tpu.memory_space<hbm>>, %arg5: memref<50000x128xf32, #tpu.memory_space<hbm>>, %arg6: memref<50000x128xf32, #tpu.memory_space<hbm>>, %arg7: memref<50000x128xf32, #tpu.memory_space<hbm>>, %arg8: memref<20971520xf32, #tpu.memory_space<hbm>>, %arg9: memref<1024xi32, #tpu.memory_space<vmem>>, %arg10: memref<1024xi32, #tpu.memory_space<vmem>>, %arg11: memref<192xf32, #tpu.memory_space<vmem>>, %arg12: memref<3456xi32, #tpu.memory_space<vmem>>, %arg13: memref<3456xi32, #tpu.memory_space<vmem>>, %arg14: memref<2x128x128xf32, #tpu.memory_space<vmem>>, %arg15: memref<65600xf32, #tpu.memory_space<vmem>>, %arg16: memref<!tpu.dma_semaphore, #tpu.memory_space<semaphore_mem>>, %arg17: memref<!tpu.dma_semaphore, #tpu.memory_space<semaphore_mem>>, %arg18: memref<!tpu.dma_semaphore, #tpu.memory_space<semaphore_mem>>) attributes {dimension_semantics = [#tpu.dimension_semantics<core_parallel>, #tpu.dimension_semantics<subcore_parallel>], iteration_bounds = array<i64: 2, 16>, scalar_prefetch = 0 : i64, scratch_operands = 10 : i64, tpu.core_type = #tpu.core_type<sc_vector_subcore>, window_params = [{transform_indices = #map}, {transform_indices = #map}, {transform_indices = #map}, {transform_indices = #map1}, {transform_indices = #map1}, {transform_indices = #map1}, {transform_indices = #map}]} {
    %mul3A = arith.constant 2 : i32
    %mul3A_0 = arith.muli %arg1, %mul3A : i32
    %add3A = arith.addi %mul3A_0, %arg0 : i32
    "tpu.region"() ({
      %run_scoped3A = tpu.sem_alloc : memref<!tpu.dma_semaphore, #tpu.memory_space<semaphore_mem>>
      tpu.enqueue_dma source(%arg4 : memref<192xf32, #tpu.memory_space<hbm>>) target(%arg11 : memref<192xf32, #tpu.memory_space<vmem>>) target_semaphore(%run_scoped3A : memref<!tpu.dma_semaphore, #tpu.memory_space<semaphore_mem>>)
      tpu.wait_dma2 semaphore(%run_scoped3A : memref<!tpu.dma_semaphore, #tpu.memory_space<semaphore_mem>>) src(%arg4 : memref<192xf32, #tpu.memory_space<hbm>>) dst(%arg11 : memref<192xf32, #tpu.memory_space<vmem>>)
      tpu.yield
    }) : () -> ()
    %iota3A = tpu.iota {dimensions = array<i32: 0>} : vector<16xi32>
    %scan3A = arith.constant 0 : i32
    %scan3A_1 = arith.constant 0 : i32
    %scan3A_2 = arith.constant 10 : i32
    %scan3A_3 = arith.addi %scan3A_1, %scan3A_2 : i32
    %scan3A_4 = arith.constant 1 : i32
    scf.for %scan3A_13 = %scan3A_1 to %scan3A_3 step %scan3A_4  : i32 {
      %mul3A_14 = arith.constant 10240 : i32
      %mul3A_15 = arith.muli %add3A, %mul3A_14 : i32
      %mul3A_16 = arith.constant 1024 : i32
      %mul3A_17 = arith.muli %scan3A_13, %mul3A_16 : i32
      %add3A_18 = arith.addi %mul3A_15, %mul3A_17 : i32
      "tpu.region"() ({
        %run_scoped3A = tpu.sem_alloc : memref<!tpu.dma_semaphore, #tpu.memory_space<semaphore_mem>>
        %dma_start3A_701 = tpu.memref_slice %arg2[%add3A_18] : memref<327680xi32, #tpu.memory_space<hbm>> -> memref<1024xi32, #tpu.memory_space<hbm>>
        %dma_start3A_702 = tpu.memref_slice %arg2[%add3A_18] : memref<327680xi32, #tpu.memory_space<hbm>> -> memref<1024xi32, #tpu.memory_space<hbm>>
        tpu.enqueue_dma source(%dma_start3A_702 : memref<1024xi32, #tpu.memory_space<hbm>>) target(%arg9 : memref<1024xi32, #tpu.memory_space<vmem>>) target_semaphore(%run_scoped3A : memref<!tpu.dma_semaphore, #tpu.memory_space<semaphore_mem>>)
        %dma_wait3A_703 = tpu.memref_slice %arg2[%add3A_18] : memref<327680xi32, #tpu.memory_space<hbm>> -> memref<1024xi32, #tpu.memory_space<hbm>>
        %dma_wait3A_704 = tpu.memref_slice %arg2[%add3A_18] : memref<327680xi32, #tpu.memory_space<hbm>> -> memref<1024xi32, #tpu.memory_space<hbm>>
        tpu.wait_dma2 semaphore(%run_scoped3A : memref<!tpu.dma_semaphore, #tpu.memory_space<semaphore_mem>>) src(%dma_wait3A_704 : memref<1024xi32, #tpu.memory_space<hbm>>) dst(%arg9 : memref<1024xi32, #tpu.memory_space<vmem>>)
        tpu.yield
      }) : () -> ()
      "tpu.region"() ({
        %run_scoped3A = tpu.sem_alloc : memref<!tpu.dma_semaphore, #tpu.memory_space<semaphore_mem>>
        %dma_start3A_701 = tpu.memref_slice %arg3[%add3A_18] : memref<327680xi32, #tpu.memory_space<hbm>> -> memref<1024xi32, #tpu.memory_space<hbm>>
        %dma_start3A_702 = tpu.memref_slice %arg3[%add3A_18] : memref<327680xi32, #tpu.memory_space<hbm>> -> memref<1024xi32, #tpu.memory_space<hbm>>
        tpu.enqueue_dma source(%dma_start3A_702 : memref<1024xi32, #tpu.memory_space<hbm>>) target(%arg10 : memref<1024xi32, #tpu.memory_space<vmem>>) target_semaphore(%run_scoped3A : memref<!tpu.dma_semaphore, #tpu.memory_space<semaphore_mem>>)
        %dma_wait3A_703 = tpu.memref_slice %arg3[%add3A_18] : memref<327680xi32, #tpu.memory_space<hbm>> -> memref<1024xi32, #tpu.memory_space<hbm>>
        %dma_wait3A_704 = tpu.memref_slice %arg3[%add3A_18] : memref<327680xi32, #tpu.memory_space<hbm>> -> memref<1024xi32, #tpu.memory_space<hbm>>
        tpu.wait_dma2 semaphore(%run_scoped3A : memref<!tpu.dma_semaphore, #tpu.memory_space<semaphore_mem>>) src(%dma_wait3A_704 : memref<1024xi32, #tpu.memory_space<hbm>>) dst(%arg10 : memref<1024xi32, #tpu.memory_space<vmem>>)
        tpu.yield
      }) : () -> ()
      %parallel_loop3A = arith.constant 0 : i32
      %parallel_loop3A_19 = arith.constant 64 : i32
      %parallel_loop3A_20 = arith.constant 1 : i32
      %parallel_loop3A_21 = arith.constant 0 : i32
      %parallel_loop3A_22 = arith.constant 0 : i32
      %parallel_loop3A_23 = arith.constant 0 : i32
      %parallel_loop3A_24:3 = scf.for %parallel_loop3A_701 = %parallel_loop3A to %parallel_loop3A_19 step %parallel_loop3A_20 iter_args(%parallel_loop3A_702 = %parallel_loop3A_21, %parallel_loop3A_703 = %parallel_loop3A_22, %parallel_loop3A_704 = %parallel_loop3A_23) -> (i32, i32, i32)  : i32 {
        %parallel_loop3A_705 = arith.constant 16 : i32
        %parallel_loop3A_706 = arith.muli %parallel_loop3A_701, %parallel_loop3A_705 : i32
        %parallel_loop3A_707 = arith.index_cast %parallel_loop3A_706 : i32 to index
        %parallel_loop3A_708 = tpu.vector_load %arg9[%parallel_loop3A_707] {strides = array<i32>} : memref<1024xi32, #tpu.memory_space<vmem>>, vector<16xi32>,
        %parallel_loop3A_709 = arith.constant 16 : i32
        %parallel_loop3A_710 = arith.muli %parallel_loop3A_701, %parallel_loop3A_709 : i32
        %parallel_loop3A_711 = arith.index_cast %parallel_loop3A_710 : i32 to index
        %parallel_loop3A_712 = tpu.vector_load %arg10[%parallel_loop3A_711] {strides = array<i32>} : memref<1024xi32, #tpu.memory_space<vmem>>, vector<16xi32>,
        %parallel_loop3A_713 = arith.constant 1 : i32
        %parallel_loop3A_714 = vector.broadcast %parallel_loop3A_713 : i32 to vector<16xi32>
        %parallel_loop3A_715 = arith.shrui %parallel_loop3A_712, %parallel_loop3A_714 : vector<16xi32>
        %parallel_loop3A_716 = arith.constant 16 : i32
        %parallel_loop3A_717 = arith.muli %parallel_loop3A_701, %parallel_loop3A_716 : i32
        %parallel_loop3A_718 = vector.broadcast %parallel_loop3A_717 : i32 to vector<16xi32>
        %parallel_loop3A_719 = arith.addi %parallel_loop3A_718, %iota3A : vector<16xi32>
        %parallel_loop3A_720 = arith.constant 2 : i32
        %parallel_loop3A_721 = vector.broadcast %parallel_loop3A_720 : i32 to vector<16xi32>
        %parallel_loop3A_722 = arith.muli %parallel_loop3A_719, %parallel_loop3A_721 : vector<16xi32>
        %parallel_loop3A_723 = arith.constant 1 : i32
        %parallel_loop3A_724 = vector.broadcast %parallel_loop3A_723 : i32 to vector<16xi32>
        %parallel_loop3A_725 = arith.andi %parallel_loop3A_712, %parallel_loop3A_724 : vector<16xi32>
        %parallel_loop3A_726 = arith.addi %parallel_loop3A_722, %parallel_loop3A_725 : vector<16xi32>
        %parallel_loop3A_727 = arith.constant 0 : i32
        %parallel_loop3A_728 = vector.broadcast %parallel_loop3A_727 : i32 to vector<16xi32>
        %parallel_loop3A_729 = arith.cmpi eq, %parallel_loop3A_708, %parallel_loop3A_728 : vector<16xi32>
        %parallel_loop3A_730 = arith.extui %parallel_loop3A_729 : vector<16xi1> to vector<16xi32>
        %parallel_loop3A_731 = arith.constant true
        %parallel_loop3A_732 = vector.broadcast %parallel_loop3A_731 : i1 to vector<16xi1>
        %parallel_loop3A_733 = tpu.scan <sum>, %parallel_loop3A_730 masked %parallel_loop3A_732 : vector<16xi32>, vector<16xi1> -> vector<16xi32>
        %parallel_loop3A_734 = arith.constant 0 : i32
        %parallel_loop3A_735 = arith.addi %parallel_loop3A_734, %parallel_loop3A_702 : i32
        %parallel_loop3A_736 = vector.broadcast %parallel_loop3A_735 : i32 to vector<16xi32>
        %parallel_loop3A_737 = arith.addi %parallel_loop3A_736, %parallel_loop3A_733 : vector<16xi32>
        %parallel_loop3A_738 = arith.constant 1 : i32
        %parallel_loop3A_739 = vector.broadcast %parallel_loop3A_738 : i32 to vector<16xi32>
        %parallel_loop3A_740 = arith.subi %parallel_loop3A_737, %parallel_loop3A_739 : vector<16xi32>
        tpu.vector_store_idx %arg12[%parallel_loop3A_740], %parallel_loop3A_715 masked %parallel_loop3A_729 : memref<3456xi32, #tpu.memory_space<vmem>>[vector<16xi32>], vector<16xi32>, vector<16xi1>
        tpu.vector_store_idx %arg13[%parallel_loop3A_740], %parallel_loop3A_726 masked %parallel_loop3A_729 : memref<3456xi32, #tpu.memory_space<vmem>>[vector<16xi32>], vector<16xi32>, vector<16xi1>
        %parallel_loop3A_741 = arith.constant true
        %parallel_loop3A_742 = vector.broadcast %parallel_loop3A_741 : i1 to vector<16xi1>
        %parallel_loop3A_743 = arith.constant -2147483648 : i32
        %parallel_loop3A_744 = vector.broadcast %parallel_loop3A_743 : i32 to vector<16xi32>
        %parallel_loop3A_745 = arith.xori %parallel_loop3A_733, %parallel_loop3A_744 : vector<16xi32>
        %parallel_loop3A_746 = tpu.scan <max>, %parallel_loop3A_745 masked %parallel_loop3A_742 : vector<16xi32>, vector<16xi1> -> vector<16xi32>
        %parallel_loop3A_747 = arith.xori %parallel_loop3A_746, %parallel_loop3A_744 : vector<16xi32>
        %parallel_loop3A_748 = vector.extract %parallel_loop3A_747[15] : i32 from vector<16xi32>
        %parallel_loop3A_749 = arith.addi %parallel_loop3A_702, %parallel_loop3A_748 : i32
        %parallel_loop3A_750 = arith.constant 1 : i32
        %parallel_loop3A_751 = vector.broadcast %parallel_loop3A_750 : i32 to vector<16xi32>
        %parallel_loop3A_752 = arith.cmpi eq, %parallel_loop3A_708, %parallel_loop3A_751 : vector<16xi32>
        %parallel_loop3A_753 = arith.extui %parallel_loop3A_752 : vector<16xi1> to vector<16xi32>
        %parallel_loop3A_754 = arith.constant true
        %parallel_loop3A_755 = vector.broadcast %parallel_loop3A_754 : i1 to vector<16xi1>
        %parallel_loop3A_756 = tpu.scan <sum>, %parallel_loop3A_753 masked %parallel_loop3A_755 : vector<16xi32>, vector<16xi1> -> vector<16xi32>
        %parallel_loop3A_757 = arith.constant 1152 : i32
        %parallel_loop3A_758 = arith.addi %parallel_loop3A_757, %parallel_loop3A_703 : i32
        %parallel_loop3A_759 = vector.broadcast %parallel_loop3A_758 : i32 to vector<16xi32>
        %parallel_loop3A_760 = arith.addi %parallel_loop3A_759, %parallel_loop3A_756 : vector<16xi32>
        %parallel_loop3A_761 = arith.constant 1 : i32
        %parallel_loop3A_762 = vector.broadcast %parallel_loop3A_761 : i32 to vector<16xi32>
        %parallel_loop3A_763 = arith.subi %parallel_loop3A_760, %parallel_loop3A_762 : vector<16xi32>
        tpu.vector_store_idx %arg12[%parallel_loop3A_763], %parallel_loop3A_715 masked %parallel_loop3A_752 : memref<3456xi32, #tpu.memory_space<vmem>>[vector<16xi32>], vector<16xi32>, vector<16xi1>
        tpu.vector_store_idx %arg13[%parallel_loop3A_763], %parallel_loop3A_726 masked %parallel_loop3A_752 : memref<3456xi32, #tpu.memory_space<vmem>>[vector<16xi32>], vector<16xi32>, vector<16xi1>
        %parallel_loop3A_764 = arith.constant true
        %parallel_loop3A_765 = vector.broadcast %parallel_loop3A_764 : i1 to vector<16xi1>
        %parallel_loop3A_766 = arith.constant -2147483648 : i32
        %parallel_loop3A_767 = vector.broadcast %parallel_loop3A_766 : i32 to vector<16xi32>
        %parallel_loop3A_768 = arith.xori %parallel_loop3A_756, %parallel_loop3A_767 : vector<16xi32>
        %parallel_loop3A_769 = tpu.scan <max>, %parallel_loop3A_768 masked %parallel_loop3A_765 : vector<16xi32>, vector<16xi1> -> vector<16xi32>
        %parallel_loop3A_770 = arith.xori %parallel_loop3A_769, %parallel_loop3A_767 : vector<16xi32>
        %parallel_loop3A_771 = vector.extract %parallel_loop3A_770[15] : i32 from vector<16xi32>
        %parallel_loop3A_772 = arith.addi %parallel_loop3A_703, %parallel_loop3A_771 : i32
        %parallel_loop3A_773 = arith.constant 2 : i32
        %parallel_loop3A_774 = vector.broadcast %parallel_loop3A_773 : i32 to vector<16xi32>
        %parallel_loop3A_775 = arith.cmpi eq, %parallel_loop3A_708, %parallel_loop3A_774 : vector<16xi32>
        %parallel_loop3A_776 = arith.extui %parallel_loop3A_775 : vector<16xi1> to vector<16xi32>
        %parallel_loop3A_777 = arith.constant true
        %parallel_loop3A_778 = vector.broadcast %parallel_loop3A_777 : i1 to vector<16xi1>
        %parallel_loop3A_779 = tpu.scan <sum>, %parallel_loop3A_776 masked %parallel_loop3A_778 : vector<16xi32>, vector<16xi1> -> vector<16xi32>
        %parallel_loop3A_780 = arith.constant 2304 : i32
        %parallel_loop3A_781 = arith.addi %parallel_loop3A_780, %parallel_loop3A_704 : i32
        %parallel_loop3A_782 = vector.broadcast %parallel_loop3A_781 : i32 to vector<16xi32>
        %parallel_loop3A_783 = arith.addi %parallel_loop3A_782, %parallel_loop3A_779 : vector<16xi32>
        %parallel_loop3A_784 = arith.constant 1 : i32
        %parallel_loop3A_785 = vector.broadcast %parallel_loop3A_784 : i32 to vector<16xi32>
        %parallel_loop3A_786 = arith.subi %parallel_loop3A_783, %parallel_loop3A_785 : vector<16xi32>
        tpu.vector_store_idx %arg12[%parallel_loop3A_786], %parallel_loop3A_715 masked %parallel_loop3A_775 : memref<3456xi32, #tpu.memory_space<vmem>>[vector<16xi32>], vector<16xi32>, vector<16xi1>
        tpu.vector_store_idx %arg13[%parallel_loop3A_786], %parallel_loop3A_726 masked %parallel_loop3A_775 : memref<3456xi32, #tpu.memory_space<vmem>>[vector<16xi32>], vector<16xi32>, vector<16xi1>
        %parallel_loop3A_787 = arith.constant true
        %parallel_loop3A_788 = vector.broadcast %parallel_loop3A_787 : i1 to vector<16xi1>
        %parallel_loop3A_789 = arith.constant -2147483648 : i32
        %parallel_loop3A_790 = vector.broadcast %parallel_loop3A_789 : i32 to vector<16xi32>
        %parallel_loop3A_791 = arith.xori %parallel_loop3A_779, %parallel_loop3A_790 : vector<16xi32>
        %parallel_loop3A_792 = tpu.scan <max>, %parallel_loop3A_791 masked %parallel_loop3A_788 : vector<16xi32>, vector<16xi1> -> vector<16xi32>
        %parallel_loop3A_793 = arith.xori %parallel_loop3A_792, %parallel_loop3A_790 : vector<16xi32>
        %parallel_loop3A_794 = vector.extract %parallel_loop3A_793[15] : i32 from vector<16xi32>
        %parallel_loop3A_795 = arith.addi %parallel_loop3A_704, %parallel_loop3A_794 : i32
        scf.yield %parallel_loop3A_749, %parallel_loop3A_772, %parallel_loop3A_795 : i32, i32, i32
      } {sc.loop_unroll_factor = 1 : i64, sc.parallel_access}
      %broadcast_in_dim3A = arith.constant 0 : i32
      %broadcast_in_dim3A_25 = vector.broadcast %broadcast_in_dim3A : i32 to vector<16xi32>
      %broadcast_in_dim3A_26 = arith.constant 2048 : i32
      %broadcast_in_dim3A_27 = vector.broadcast %broadcast_in_dim3A_26 : i32 to vector<16xi32>
      %add3A_28 = arith.constant 127 : i32
      %add3A_29 = arith.addi %parallel_loop3A_24#0, %add3A_28 : i32
      %shift_right_logical3A = arith.constant 7 : i32
      %shift_right_logical3A_30 = arith.shrui %add3A_29, %shift_right_logical3A : i32
      %shift_left3A = arith.constant 7 : i32
      %shift_left3A_31 = arith.shli %shift_right_logical3A_30, %shift_left3A : i32
      %add3A_32 = arith.constant 0 : i32
      %add3A_33 = arith.addi %parallel_loop3A_24#0, %add3A_32 : i32
      %add3A_34 = vector.broadcast %add3A_33 : i32 to vector<16xi32>
      %add3A_35 = arith.addi %add3A_34, %iota3A : vector<16xi32>
      %lt3A = vector.broadcast %shift_left3A_31 : i32 to vector<16xi32>
      %lt3A_36 = arith.cmpi slt, %add3A_35, %lt3A : vector<16xi32>
      %mul3A_37 = arith.constant 577 : i32
      %mul3A_38 = arith.muli %add3A, %mul3A_37 : i32
      %mul3A_39 = arith.constant 131 : i32
      %mul3A_40 = arith.muli %scan3A_13, %mul3A_39 : i32
      %add3A_41 = arith.addi %mul3A_38, %mul3A_40 : i32
      %mul3A_42 = arith.constant 7 : i32
      %mul3A_43 = vector.broadcast %mul3A_42 : i32 to vector<16xi32>
      %mul3A_44 = arith.muli %add3A_35, %mul3A_43 : vector<16xi32>
      %add3A_45 = vector.broadcast %add3A_41 : i32 to vector<16xi32>
      %add3A_46 = arith.addi %add3A_45, %mul3A_44 : vector<16xi32>
      %and3A = arith.constant 16383 : i32
      %and3A_47 = vector.broadcast %and3A : i32 to vector<16xi32>
      %and3A_48 = arith.andi %add3A_46, %and3A_47 : vector<16xi32>
      %add3A_49 = arith.constant 0 : i32
      %add3A_50 = vector.broadcast %add3A_49 : i32 to vector<16xi32>
      %add3A_51 = arith.addi %add3A_50, %add3A_35 : vector<16xi32>
      tpu.vector_store_idx %arg12[%add3A_51], %and3A_48 masked %lt3A_36 : memref<3456xi32, #tpu.memory_space<vmem>>[vector<16xi32>], vector<16xi32>, vector<16xi1>
      %add3A_52 = arith.constant 0 : i32
      %add3A_53 = vector.broadcast %add3A_52 : i32 to vector<16xi32>
      %add3A_54 = arith.addi %add3A_53, %add3A_35 : vector<16xi32>
      tpu.vector_store_idx %arg13[%add3A_54], %broadcast_in_dim3A_27 masked %lt3A_36 : memref<3456xi32, #tpu.memory_space<vmem>>[vector<16xi32>], vector<16xi32>, vector<16xi1>
      %add3A_55 = arith.constant 16 : i32
      %add3A_56 = arith.addi %parallel_loop3A_24#0, %add3A_55 : i32
      %add3A_57 = vector.broadcast %add3A_56 : i32 to vector<16xi32>
      %add3A_58 = arith.addi %add3A_57, %iota3A : vector<16xi32>
      %lt3A_59 = vector.broadcast %shift_left3A_31 : i32 to vector<16xi32>
      %lt3A_60 = arith.cmpi slt, %add3A_58, %lt3A_59 : vector<16xi32>
      %mul3A_61 = arith.constant 577 : i32
      %mul3A_62 = arith.muli %add3A, %mul3A_61 : i32
      %mul3A_63 = arith.constant 131 : i32
      %mul3A_64 = arith.muli %scan3A_13, %mul3A_63 : i32
      %add3A_65 = arith.addi %mul3A_62, %mul3A_64 : i32
      %mul3A_66 = arith.constant 7 : i32
      %mul3A_67 = vector.broadcast %mul3A_66 : i32 to vector<16xi32>
      %mul3A_68 = arith.muli %add3A_58, %mul3A_67 : vector<16xi32>
      %add3A_69 = vector.broadcast %add3A_65 : i32 to vector<16xi32>
      %add3A_70 = arith.addi %add3A_69, %mul3A_68 : vector<16xi32>
      %and3A_71 = arith.constant 16383 : i32
      %and3A_72 = vector.broadcast %and3A_71 : i32 to vector<16xi32>
      %and3A_73 = arith.andi %add3A_70, %and3A_72 : vector<16xi32>
      %add3A_74 = arith.constant 0 : i32
      %add3A_75 = vector.broadcast %add3A_74 : i32 to vector<16xi32>
      %add3A_76 = arith.addi %add3A_75, %add3A_58 : vector<16xi32>
      tpu.vector_store_idx %arg12[%add3A_76], %and3A_73 masked %lt3A_60 : memref<3456xi32, #tpu.memory_space<vmem>>[vector<16xi32>], vector<16xi32>, vector<16xi1>
      %add3A_77 = arith.constant 0 : i32
      %add3A_78 = vector.broadcast %add3A_77 : i32 to vector<16xi32>
      %add3A_79 = arith.addi %add3A_78, %add3A_58 : vector<16xi32>
      tpu.vector_store_idx %arg13[%add3A_79], %broadcast_in_dim3A_27 masked %lt3A_60 : memref<3456xi32, #tpu.memory_space<vmem>>[vector<16xi32>], vector<16xi32>, vector<16xi1>
      %add3A_80 = arith.constant 32 : i32
      %add3A_81 = arith.addi %parallel_loop3A_24#0, %add3A_80 : i32
      %add3A_82 = vector.broadcast %add3A_81 : i32 to vector<16xi32>
      %add3A_83 = arith.addi %add3A_82, %iota3A : vector<16xi32>
      %lt3A_84 = vector.broadcast %shift_left3A_31 : i32 to vector<16xi32>
      %lt3A_85 = arith.cmpi slt, %add3A_83, %lt3A_84 : vector<16xi32>
      %mul3A_86 = arith.constant 577 : i32
      %mul3A_87 = arith.muli %add3A, %mul3A_86 : i32
      %mul3A_88 = arith.constant 131 : i32
      %mul3A_89 = arith.muli %scan3A_13, %mul3A_88 : i32
      %add3A_90 = arith.addi %mul3A_87, %mul3A_89 : i32
      %mul3A_91 = arith.constant 7 : i32
      %mul3A_92 = vector.broadcast %mul3A_91 : i32 to vector<16xi32>
      %mul3A_93 = arith.muli %add3A_83, %mul3A_92 : vector<16xi32>
      %add3A_94 = vector.broadcast %add3A_90 : i32 to vector<16xi32>
      %add3A_95 = arith.addi %add3A_94, %mul3A_93 : vector<16xi32>
      %and3A_96 = arith.constant 16383 : i32
      %and3A_97 = vector.broadcast %and3A_96 : i32 to vector<16xi32>
      %and3A_98 = arith.andi %add3A_95, %and3A_97 : vector<16xi32>
      %add3A_99 = arith.constant 0 : i32
      %add3A_100 = vector.broadcast %add3A_99 : i32 to vector<16xi32>
      %add3A_101 = arith.addi %add3A_100, %add3A_83 : vector<16xi32>
      tpu.vector_store_idx %arg12[%add3A_101], %and3A_98 masked %lt3A_85 : memref<3456xi32, #tpu.memory_space<vmem>>[vector<16xi32>], vector<16xi32>, vector<16xi1>
      %add3A_102 = arith.constant 0 : i32
      %add3A_103 = vector.broadcast %add3A_102 : i32 to vector<16xi32>
      %add3A_104 = arith.addi %add3A_103, %add3A_83 : vector<16xi32>
      tpu.vector_store_idx %arg13[%add3A_104], %broadcast_in_dim3A_27 masked %lt3A_85 : memref<3456xi32, #tpu.memory_space<vmem>>[vector<16xi32>], vector<16xi32>, vector<16xi1>
      %add3A_105 = arith.constant 48 : i32
      %add3A_106 = arith.addi %parallel_loop3A_24#0, %add3A_105 : i32
      %add3A_107 = vector.broadcast %add3A_106 : i32 to vector<16xi32>
      %add3A_108 = arith.addi %add3A_107, %iota3A : vector<16xi32>
      %lt3A_109 = vector.broadcast %shift_left3A_31 : i32 to vector<16xi32>
      %lt3A_110 = arith.cmpi slt, %add3A_108, %lt3A_109 : vector<16xi32>
      %mul3A_111 = arith.constant 577 : i32
      %mul3A_112 = arith.muli %add3A, %mul3A_111 : i32
      %mul3A_113 = arith.constant 131 : i32
      %mul3A_114 = arith.muli %scan3A_13, %mul3A_113 : i32
      %add3A_115 = arith.addi %mul3A_112, %mul3A_114 : i32
      %mul3A_116 = arith.constant 7 : i32
      %mul3A_117 = vector.broadcast %mul3A_116 : i32 to vector<16xi32>
      %mul3A_118 = arith.muli %add3A_108, %mul3A_117 : vector<16xi32>
      %add3A_119 = vector.broadcast %add3A_115 : i32 to vector<16xi32>
      %add3A_120 = arith.addi %add3A_119, %mul3A_118 : vector<16xi32>
      %and3A_121 = arith.constant 16383 : i32
      %and3A_122 = vector.broadcast %and3A_121 : i32 to vector<16xi32>
      %and3A_123 = arith.andi %add3A_120, %and3A_122 : vector<16xi32>
      %add3A_124 = arith.constant 0 : i32
      %add3A_125 = vector.broadcast %add3A_124 : i32 to vector<16xi32>
      %add3A_126 = arith.addi %add3A_125, %add3A_108 : vector<16xi32>
      tpu.vector_store_idx %arg12[%add3A_126], %and3A_123 masked %lt3A_110 : memref<3456xi32, #tpu.memory_space<vmem>>[vector<16xi32>], vector<16xi32>, vector<16xi1>
      %add3A_127 = arith.constant 0 : i32
      %add3A_128 = vector.broadcast %add3A_127 : i32 to vector<16xi32>
      %add3A_129 = arith.addi %add3A_128, %add3A_108 : vector<16xi32>
      tpu.vector_store_idx %arg13[%add3A_129], %broadcast_in_dim3A_27 masked %lt3A_110 : memref<3456xi32, #tpu.memory_space<vmem>>[vector<16xi32>], vector<16xi32>, vector<16xi1>
      %add3A_130 = arith.constant 64 : i32
      %add3A_131 = arith.addi %parallel_loop3A_24#0, %add3A_130 : i32
      %add3A_132 = vector.broadcast %add3A_131 : i32 to vector<16xi32>
      %add3A_133 = arith.addi %add3A_132, %iota3A : vector<16xi32>
      %lt3A_134 = vector.broadcast %shift_left3A_31 : i32 to vector<16xi32>
      %lt3A_135 = arith.cmpi slt, %add3A_133, %lt3A_134 : vector<16xi32>
      %mul3A_136 = arith.constant 577 : i32
      %mul3A_137 = arith.muli %add3A, %mul3A_136 : i32
      %mul3A_138 = arith.constant 131 : i32
      %mul3A_139 = arith.muli %scan3A_13, %mul3A_138 : i32
      %add3A_140 = arith.addi %mul3A_137, %mul3A_139 : i32
      %mul3A_141 = arith.constant 7 : i32
      %mul3A_142 = vector.broadcast %mul3A_141 : i32 to vector<16xi32>
      %mul3A_143 = arith.muli %add3A_133, %mul3A_142 : vector<16xi32>
      %add3A_144 = vector.broadcast %add3A_140 : i32 to vector<16xi32>
      %add3A_145 = arith.addi %add3A_144, %mul3A_143 : vector<16xi32>
      %and3A_146 = arith.constant 16383 : i32
      %and3A_147 = vector.broadcast %and3A_146 : i32 to vector<16xi32>
      %and3A_148 = arith.andi %add3A_145, %and3A_147 : vector<16xi32>
      %add3A_149 = arith.constant 0 : i32
      %add3A_150 = vector.broadcast %add3A_149 : i32 to vector<16xi32>
      %add3A_151 = arith.addi %add3A_150, %add3A_133 : vector<16xi32>
      tpu.vector_store_idx %arg12[%add3A_151], %and3A_148 masked %lt3A_135 : memref<3456xi32, #tpu.memory_space<vmem>>[vector<16xi32>], vector<16xi32>, vector<16xi1>
      %add3A_152 = arith.constant 0 : i32
      %add3A_153 = vector.broadcast %add3A_152 : i32 to vector<16xi32>
      %add3A_154 = arith.addi %add3A_153, %add3A_133 : vector<16xi32>
      tpu.vector_store_idx %arg13[%add3A_154], %broadcast_in_dim3A_27 masked %lt3A_135 : memref<3456xi32, #tpu.memory_space<vmem>>[vector<16xi32>], vector<16xi32>, vector<16xi1>
      %add3A_155 = arith.constant 80 : i32
      %add3A_156 = arith.addi %parallel_loop3A_24#0, %add3A_155 : i32
      %add3A_157 = vector.broadcast %add3A_156 : i32 to vector<16xi32>
      %add3A_158 = arith.addi %add3A_157, %iota3A : vector<16xi32>
      %lt3A_159 = vector.broadcast %shift_left3A_31 : i32 to vector<16xi32>
      %lt3A_160 = arith.cmpi slt, %add3A_158, %lt3A_159 : vector<16xi32>
      %mul3A_161 = arith.constant 577 : i32
      %mul3A_162 = arith.muli %add3A, %mul3A_161 : i32
      %mul3A_163 = arith.constant 131 : i32
      %mul3A_164 = arith.muli %scan3A_13, %mul3A_163 : i32
      %add3A_165 = arith.addi %mul3A_162, %mul3A_164 : i32
      %mul3A_166 = arith.constant 7 : i32
      %mul3A_167 = vector.broadcast %mul3A_166 : i32 to vector<16xi32>
      %mul3A_168 = arith.muli %add3A_158, %mul3A_167 : vector<16xi32>
      %add3A_169 = vector.broadcast %add3A_165 : i32 to vector<16xi32>
      %add3A_170 = arith.addi %add3A_169, %mul3A_168 : vector<16xi32>
      %and3A_171 = arith.constant 16383 : i32
      %and3A_172 = vector.broadcast %and3A_171 : i32 to vector<16xi32>
      %and3A_173 = arith.andi %add3A_170, %and3A_172 : vector<16xi32>
      %add3A_174 = arith.constant 0 : i32
      %add3A_175 = vector.broadcast %add3A_174 : i32 to vector<16xi32>
      %add3A_176 = arith.addi %add3A_175, %add3A_158 : vector<16xi32>
      tpu.vector_store_idx %arg12[%add3A_176], %and3A_173 masked %lt3A_160 : memref<3456xi32, #tpu.memory_space<vmem>>[vector<16xi32>], vector<16xi32>, vector<16xi1>
      %add3A_177 = arith.constant 0 : i32
      %add3A_178 = vector.broadcast %add3A_177 : i32 to vector<16xi32>
      %add3A_179 = arith.addi %add3A_178, %add3A_158 : vector<16xi32>
      tpu.vector_store_idx %arg13[%add3A_179], %broadcast_in_dim3A_27 masked %lt3A_160 : memref<3456xi32, #tpu.memory_space<vmem>>[vector<16xi32>], vector<16xi32>, vector<16xi1>
      %add3A_180 = arith.constant 96 : i32
      %add3A_181 = arith.addi %parallel_loop3A_24#0, %add3A_180 : i32
      %add3A_182 = vector.broadcast %add3A_181 : i32 to vector<16xi32>
      %add3A_183 = arith.addi %add3A_182, %iota3A : vector<16xi32>
      %lt3A_184 = vector.broadcast %shift_left3A_31 : i32 to vector<16xi32>
      %lt3A_185 = arith.cmpi slt, %add3A_183, %lt3A_184 : vector<16xi32>
      %mul3A_186 = arith.constant 577 : i32
      %mul3A_187 = arith.muli %add3A, %mul3A_186 : i32
      %mul3A_188 = arith.constant 131 : i32
      %mul3A_189 = arith.muli %scan3A_13, %mul3A_188 : i32
      %add3A_190 = arith.addi %mul3A_187, %mul3A_189 : i32
      %mul3A_191 = arith.constant 7 : i32
      %mul3A_192 = vector.broadcast %mul3A_191 : i32 to vector<16xi32>
      %mul3A_193 = arith.muli %add3A_183, %mul3A_192 : vector<16xi32>
      %add3A_194 = vector.broadcast %add3A_190 : i32 to vector<16xi32>
      %add3A_195 = arith.addi %add3A_194, %mul3A_193 : vector<16xi32>
      %and3A_196 = arith.constant 16383 : i32
      %and3A_197 = vector.broadcast %and3A_196 : i32 to vector<16xi32>
      %and3A_198 = arith.andi %add3A_195, %and3A_197 : vector<16xi32>
      %add3A_199 = arith.constant 0 : i32
      %add3A_200 = vector.broadcast %add3A_199 : i32 to vector<16xi32>
      %add3A_201 = arith.addi %add3A_200, %add3A_183 : vector<16xi32>
      tpu.vector_store_idx %arg12[%add3A_201], %and3A_198 masked %lt3A_185 : memref<3456xi32, #tpu.memory_space<vmem>>[vector<16xi32>], vector<16xi32>, vector<16xi1>
      %add3A_202 = arith.constant 0 : i32
      %add3A_203 = vector.broadcast %add3A_202 : i32 to vector<16xi32>
      %add3A_204 = arith.addi %add3A_203, %add3A_183 : vector<16xi32>
      tpu.vector_store_idx %arg13[%add3A_204], %broadcast_in_dim3A_27 masked %lt3A_185 : memref<3456xi32, #tpu.memory_space<vmem>>[vector<16xi32>], vector<16xi32>, vector<16xi1>
      %add3A_205 = arith.constant 112 : i32
      %add3A_206 = arith.addi %parallel_loop3A_24#0, %add3A_205 : i32
      %add3A_207 = vector.broadcast %add3A_206 : i32 to vector<16xi32>
      %add3A_208 = arith.addi %add3A_207, %iota3A : vector<16xi32>
      %lt3A_209 = vector.broadcast %shift_left3A_31 : i32 to vector<16xi32>
      %lt3A_210 = arith.cmpi slt, %add3A_208, %lt3A_209 : vector<16xi32>
      %mul3A_211 = arith.constant 577 : i32
      %mul3A_212 = arith.muli %add3A, %mul3A_211 : i32
      %mul3A_213 = arith.constant 131 : i32
      %mul3A_214 = arith.muli %scan3A_13, %mul3A_213 : i32
      %add3A_215 = arith.addi %mul3A_212, %mul3A_214 : i32
      %mul3A_216 = arith.constant 7 : i32
      %mul3A_217 = vector.broadcast %mul3A_216 : i32 to vector<16xi32>
      %mul3A_218 = arith.muli %add3A_208, %mul3A_217 : vector<16xi32>
      %add3A_219 = vector.broadcast %add3A_215 : i32 to vector<16xi32>
      %add3A_220 = arith.addi %add3A_219, %mul3A_218 : vector<16xi32>
      %and3A_221 = arith.constant 16383 : i32
      %and3A_222 = vector.broadcast %and3A_221 : i32 to vector<16xi32>
      %and3A_223 = arith.andi %add3A_220, %and3A_222 : vector<16xi32>
      %add3A_224 = arith.constant 0 : i32
      %add3A_225 = vector.broadcast %add3A_224 : i32 to vector<16xi32>
      %add3A_226 = arith.addi %add3A_225, %add3A_208 : vector<16xi32>
      tpu.vector_store_idx %arg12[%add3A_226], %and3A_223 masked %lt3A_210 : memref<3456xi32, #tpu.memory_space<vmem>>[vector<16xi32>], vector<16xi32>, vector<16xi1>
      %add3A_227 = arith.constant 0 : i32
      %add3A_228 = vector.broadcast %add3A_227 : i32 to vector<16xi32>
      %add3A_229 = arith.addi %add3A_228, %add3A_208 : vector<16xi32>
      tpu.vector_store_idx %arg13[%add3A_229], %broadcast_in_dim3A_27 masked %lt3A_210 : memref<3456xi32, #tpu.memory_space<vmem>>[vector<16xi32>], vector<16xi32>, vector<16xi1>
      %add3A_230 = arith.constant 127 : i32
      %add3A_231 = arith.addi %parallel_loop3A_24#1, %add3A_230 : i32
      %shift_right_logical3A_232 = arith.constant 7 : i32
      %shift_right_logical3A_233 = arith.shrui %add3A_231, %shift_right_logical3A_232 : i32
      %shift_left3A_234 = arith.constant 7 : i32
      %shift_left3A_235 = arith.shli %shift_right_logical3A_233, %shift_left3A_234 : i32
      %add3A_236 = arith.constant 0 : i32
      %add3A_237 = arith.addi %parallel_loop3A_24#1, %add3A_236 : i32
      %add3A_238 = vector.broadcast %add3A_237 : i32 to vector<16xi32>
      %add3A_239 = arith.addi %add3A_238, %iota3A : vector<16xi32>
      %lt3A_240 = vector.broadcast %shift_left3A_235 : i32 to vector<16xi32>
      %lt3A_241 = arith.cmpi slt, %add3A_239, %lt3A_240 : vector<16xi32>
      %mul3A_242 = arith.constant 577 : i32
      %mul3A_243 = arith.muli %add3A, %mul3A_242 : i32
      %mul3A_244 = arith.constant 131 : i32
      %mul3A_245 = arith.muli %scan3A_13, %mul3A_244 : i32
      %add3A_246 = arith.addi %mul3A_243, %mul3A_245 : i32
      %mul3A_247 = arith.constant 7 : i32
      %mul3A_248 = vector.broadcast %mul3A_247 : i32 to vector<16xi32>
      %mul3A_249 = arith.muli %add3A_239, %mul3A_248 : vector<16xi32>
      %add3A_250 = vector.broadcast %add3A_246 : i32 to vector<16xi32>
      %add3A_251 = arith.addi %add3A_250, %mul3A_249 : vector<16xi32>
      %and3A_252 = arith.constant 16383 : i32
      %and3A_253 = vector.broadcast %and3A_252 : i32 to vector<16xi32>
      %and3A_254 = arith.andi %add3A_251, %and3A_253 : vector<16xi32>
      %add3A_255 = arith.constant 1152 : i32
      %add3A_256 = vector.broadcast %add3A_255 : i32 to vector<16xi32>
      %add3A_257 = arith.addi %add3A_256, %add3A_239 : vector<16xi32>
      tpu.vector_store_idx %arg12[%add3A_257], %and3A_254 masked %lt3A_241 : memref<3456xi32, #tpu.memory_space<vmem>>[vector<16xi32>], vector<16xi32>, vector<16xi1>
      %add3A_258 = arith.constant 1152 : i32
      %add3A_259 = vector.broadcast %add3A_258 : i32 to vector<16xi32>
      %add3A_260 = arith.addi %add3A_259, %add3A_239 : vector<16xi32>
      tpu.vector_store_idx %arg13[%add3A_260], %broadcast_in_dim3A_27 masked %lt3A_241 : memref<3456xi32, #tpu.memory_space<vmem>>[vector<16xi32>], vector<16xi32>, vector<16xi1>
      %add3A_261 = arith.constant 16 : i32
      %add3A_262 = arith.addi %parallel_loop3A_24#1, %add3A_261 : i32
      %add3A_263 = vector.broadcast %add3A_262 : i32 to vector<16xi32>
      %add3A_264 = arith.addi %add3A_263, %iota3A : vector<16xi32>
      %lt3A_265 = vector.broadcast %shift_left3A_235 : i32 to vector<16xi32>
      %lt3A_266 = arith.cmpi slt, %add3A_264, %lt3A_265 : vector<16xi32>
      %mul3A_267 = arith.constant 577 : i32
      %mul3A_268 = arith.muli %add3A, %mul3A_267 : i32
      %mul3A_269 = arith.constant 131 : i32
      %mul3A_270 = arith.muli %scan3A_13, %mul3A_269 : i32
      %add3A_271 = arith.addi %mul3A_268, %mul3A_270 : i32
      %mul3A_272 = arith.constant 7 : i32
      %mul3A_273 = vector.broadcast %mul3A_272 : i32 to vector<16xi32>
      %mul3A_274 = arith.muli %add3A_264, %mul3A_273 : vector<16xi32>
      %add3A_275 = vector.broadcast %add3A_271 : i32 to vector<16xi32>
      %add3A_276 = arith.addi %add3A_275, %mul3A_274 : vector<16xi32>
      %and3A_277 = arith.constant 16383 : i32
      %and3A_278 = vector.broadcast %and3A_277 : i32 to vector<16xi32>
      %and3A_279 = arith.andi %add3A_276, %and3A_278 : vector<16xi32>
      %add3A_280 = arith.constant 1152 : i32
      %add3A_281 = vector.broadcast %add3A_280 : i32 to vector<16xi32>
      %add3A_282 = arith.addi %add3A_281, %add3A_264 : vector<16xi32>
      tpu.vector_store_idx %arg12[%add3A_282], %and3A_279 masked %lt3A_266 : memref<3456xi32, #tpu.memory_space<vmem>>[vector<16xi32>], vector<16xi32>, vector<16xi1>
      %add3A_283 = arith.constant 1152 : i32
      %add3A_284 = vector.broadcast %add3A_283 : i32 to vector<16xi32>
      %add3A_285 = arith.addi %add3A_284, %add3A_264 : vector<16xi32>
      tpu.vector_store_idx %arg13[%add3A_285], %broadcast_in_dim3A_27 masked %lt3A_266 : memref<3456xi32, #tpu.memory_space<vmem>>[vector<16xi32>], vector<16xi32>, vector<16xi1>
      %add3A_286 = arith.constant 32 : i32
      %add3A_287 = arith.addi %parallel_loop3A_24#1, %add3A_286 : i32
      %add3A_288 = vector.broadcast %add3A_287 : i32 to vector<16xi32>
      %add3A_289 = arith.addi %add3A_288, %iota3A : vector<16xi32>
      %lt3A_290 = vector.broadcast %shift_left3A_235 : i32 to vector<16xi32>
      %lt3A_291 = arith.cmpi slt, %add3A_289, %lt3A_290 : vector<16xi32>
      %mul3A_292 = arith.constant 577 : i32
      %mul3A_293 = arith.muli %add3A, %mul3A_292 : i32
      %mul3A_294 = arith.constant 131 : i32
      %mul3A_295 = arith.muli %scan3A_13, %mul3A_294 : i32
      %add3A_296 = arith.addi %mul3A_293, %mul3A_295 : i32
      %mul3A_297 = arith.constant 7 : i32
      %mul3A_298 = vector.broadcast %mul3A_297 : i32 to vector<16xi32>
      %mul3A_299 = arith.muli %add3A_289, %mul3A_298 : vector<16xi32>
      %add3A_300 = vector.broadcast %add3A_296 : i32 to vector<16xi32>
      %add3A_301 = arith.addi %add3A_300, %mul3A_299 : vector<16xi32>
      %and3A_302 = arith.constant 16383 : i32
      %and3A_303 = vector.broadcast %and3A_302 : i32 to vector<16xi32>
      %and3A_304 = arith.andi %add3A_301, %and3A_303 : vector<16xi32>
      %add3A_305 = arith.constant 1152 : i32
      %add3A_306 = vector.broadcast %add3A_305 : i32 to vector<16xi32>
      %add3A_307 = arith.addi %add3A_306, %add3A_289 : vector<16xi32>
      tpu.vector_store_idx %arg12[%add3A_307], %and3A_304 masked %lt3A_291 : memref<3456xi32, #tpu.memory_space<vmem>>[vector<16xi32>], vector<16xi32>, vector<16xi1>
      %add3A_308 = arith.constant 1152 : i32
      %add3A_309 = vector.broadcast %add3A_308 : i32 to vector<16xi32>
      %add3A_310 = arith.addi %add3A_309, %add3A_289 : vector<16xi32>
      tpu.vector_store_idx %arg13[%add3A_310], %broadcast_in_dim3A_27 masked %lt3A_291 : memref<3456xi32, #tpu.memory_space<vmem>>[vector<16xi32>], vector<16xi32>, vector<16xi1>
      %add3A_311 = arith.constant 48 : i32
      %add3A_312 = arith.addi %parallel_loop3A_24#1, %add3A_311 : i32
      %add3A_313 = vector.broadcast %add3A_312 : i32 to vector<16xi32>
      %add3A_314 = arith.addi %add3A_313, %iota3A : vector<16xi32>
      %lt3A_315 = vector.broadcast %shift_left3A_235 : i32 to vector<16xi32>
      %lt3A_316 = arith.cmpi slt, %add3A_314, %lt3A_315 : vector<16xi32>
      %mul3A_317 = arith.constant 577 : i32
      %mul3A_318 = arith.muli %add3A, %mul3A_317 : i32
      %mul3A_319 = arith.constant 131 : i32
      %mul3A_320 = arith.muli %scan3A_13, %mul3A_319 : i32
      %add3A_321 = arith.addi %mul3A_318, %mul3A_320 : i32
      %mul3A_322 = arith.constant 7 : i32
      %mul3A_323 = vector.broadcast %mul3A_322 : i32 to vector<16xi32>
      %mul3A_324 = arith.muli %add3A_314, %mul3A_323 : vector<16xi32>
      %add3A_325 = vector.broadcast %add3A_321 : i32 to vector<16xi32>
      %add3A_326 = arith.addi %add3A_325, %mul3A_324 : vector<16xi32>
      %and3A_327 = arith.constant 16383 : i32
      %and3A_328 = vector.broadcast %and3A_327 : i32 to vector<16xi32>
      %and3A_329 = arith.andi %add3A_326, %and3A_328 : vector<16xi32>
      %add3A_330 = arith.constant 1152 : i32
      %add3A_331 = vector.broadcast %add3A_330 : i32 to vector<16xi32>
      %add3A_332 = arith.addi %add3A_331, %add3A_314 : vector<16xi32>
      tpu.vector_store_idx %arg12[%add3A_332], %and3A_329 masked %lt3A_316 : memref<3456xi32, #tpu.memory_space<vmem>>[vector<16xi32>], vector<16xi32>, vector<16xi1>
      %add3A_333 = arith.constant 1152 : i32
      %add3A_334 = vector.broadcast %add3A_333 : i32 to vector<16xi32>
      %add3A_335 = arith.addi %add3A_334, %add3A_314 : vector<16xi32>
      tpu.vector_store_idx %arg13[%add3A_335], %broadcast_in_dim3A_27 masked %lt3A_316 : memref<3456xi32, #tpu.memory_space<vmem>>[vector<16xi32>], vector<16xi32>, vector<16xi1>
      %add3A_336 = arith.constant 64 : i32
      %add3A_337 = arith.addi %parallel_loop3A_24#1, %add3A_336 : i32
      %add3A_338 = vector.broadcast %add3A_337 : i32 to vector<16xi32>
      %add3A_339 = arith.addi %add3A_338, %iota3A : vector<16xi32>
      %lt3A_340 = vector.broadcast %shift_left3A_235 : i32 to vector<16xi32>
      %lt3A_341 = arith.cmpi slt, %add3A_339, %lt3A_340 : vector<16xi32>
      %mul3A_342 = arith.constant 577 : i32
      %mul3A_343 = arith.muli %add3A, %mul3A_342 : i32
      %mul3A_344 = arith.constant 131 : i32
      %mul3A_345 = arith.muli %scan3A_13, %mul3A_344 : i32
      %add3A_346 = arith.addi %mul3A_343, %mul3A_345 : i32
      %mul3A_347 = arith.constant 7 : i32
      %mul3A_348 = vector.broadcast %mul3A_347 : i32 to vector<16xi32>
      %mul3A_349 = arith.muli %add3A_339, %mul3A_348 : vector<16xi32>
      %add3A_350 = vector.broadcast %add3A_346 : i32 to vector<16xi32>
      %add3A_351 = arith.addi %add3A_350, %mul3A_349 : vector<16xi32>
      %and3A_352 = arith.constant 16383 : i32
      %and3A_353 = vector.broadcast %and3A_352 : i32 to vector<16xi32>
      %and3A_354 = arith.andi %add3A_351, %and3A_353 : vector<16xi32>
      %add3A_355 = arith.constant 1152 : i32
      %add3A_356 = vector.broadcast %add3A_355 : i32 to vector<16xi32>
      %add3A_357 = arith.addi %add3A_356, %add3A_339 : vector<16xi32>
      tpu.vector_store_idx %arg12[%add3A_357], %and3A_354 masked %lt3A_341 : memref<3456xi32, #tpu.memory_space<vmem>>[vector<16xi32>], vector<16xi32>, vector<16xi1>
      %add3A_358 = arith.constant 1152 : i32
      %add3A_359 = vector.broadcast %add3A_358 : i32 to vector<16xi32>
      %add3A_360 = arith.addi %add3A_359, %add3A_339 : vector<16xi32>
      tpu.vector_store_idx %arg13[%add3A_360], %broadcast_in_dim3A_27 masked %lt3A_341 : memref<3456xi32, #tpu.memory_space<vmem>>[vector<16xi32>], vector<16xi32>, vector<16xi1>
      %add3A_361 = arith.constant 80 : i32
      %add3A_362 = arith.addi %parallel_loop3A_24#1, %add3A_361 : i32
      %add3A_363 = vector.broadcast %add3A_362 : i32 to vector<16xi32>
      %add3A_364 = arith.addi %add3A_363, %iota3A : vector<16xi32>
      %lt3A_365 = vector.broadcast %shift_left3A_235 : i32 to vector<16xi32>
      %lt3A_366 = arith.cmpi slt, %add3A_364, %lt3A_365 : vector<16xi32>
      %mul3A_367 = arith.constant 577 : i32
      %mul3A_368 = arith.muli %add3A, %mul3A_367 : i32
      %mul3A_369 = arith.constant 131 : i32
      %mul3A_370 = arith.muli %scan3A_13, %mul3A_369 : i32
      %add3A_371 = arith.addi %mul3A_368, %mul3A_370 : i32
      %mul3A_372 = arith.constant 7 : i32
      %mul3A_373 = vector.broadcast %mul3A_372 : i32 to vector<16xi32>
      %mul3A_374 = arith.muli %add3A_364, %mul3A_373 : vector<16xi32>
      %add3A_375 = vector.broadcast %add3A_371 : i32 to vector<16xi32>
      %add3A_376 = arith.addi %add3A_375, %mul3A_374 : vector<16xi32>
      %and3A_377 = arith.constant 16383 : i32
      %and3A_378 = vector.broadcast %and3A_377 : i32 to vector<16xi32>
      %and3A_379 = arith.andi %add3A_376, %and3A_378 : vector<16xi32>
      %add3A_380 = arith.constant 1152 : i32
      %add3A_381 = vector.broadcast %add3A_380 : i32 to vector<16xi32>
      %add3A_382 = arith.addi %add3A_381, %add3A_364 : vector<16xi32>
      tpu.vector_store_idx %arg12[%add3A_382], %and3A_379 masked %lt3A_366 : memref<3456xi32, #tpu.memory_space<vmem>>[vector<16xi32>], vector<16xi32>, vector<16xi1>
      %add3A_383 = arith.constant 1152 : i32
      %add3A_384 = vector.broadcast %add3A_383 : i32 to vector<16xi32>
      %add3A_385 = arith.addi %add3A_384, %add3A_364 : vector<16xi32>
      tpu.vector_store_idx %arg13[%add3A_385], %broadcast_in_dim3A_27 masked %lt3A_366 : memref<3456xi32, #tpu.memory_space<vmem>>[vector<16xi32>], vector<16xi32>, vector<16xi1>
      %add3A_386 = arith.constant 96 : i32
      %add3A_387 = arith.addi %parallel_loop3A_24#1, %add3A_386 : i32
      %add3A_388 = vector.broadcast %add3A_387 : i32 to vector<16xi32>
      %add3A_389 = arith.addi %add3A_388, %iota3A : vector<16xi32>
      %lt3A_390 = vector.broadcast %shift_left3A_235 : i32 to vector<16xi32>
      %lt3A_391 = arith.cmpi slt, %add3A_389, %lt3A_390 : vector<16xi32>
      %mul3A_392 = arith.constant 577 : i32
      %mul3A_393 = arith.muli %add3A, %mul3A_392 : i32
      %mul3A_394 = arith.constant 131 : i32
      %mul3A_395 = arith.muli %scan3A_13, %mul3A_394 : i32
      %add3A_396 = arith.addi %mul3A_393, %mul3A_395 : i32
      %mul3A_397 = arith.constant 7 : i32
      %mul3A_398 = vector.broadcast %mul3A_397 : i32 to vector<16xi32>
      %mul3A_399 = arith.muli %add3A_389, %mul3A_398 : vector<16xi32>
      %add3A_400 = vector.broadcast %add3A_396 : i32 to vector<16xi32>
      %add3A_401 = arith.addi %add3A_400, %mul3A_399 : vector<16xi32>
      %and3A_402 = arith.constant 16383 : i32
      %and3A_403 = vector.broadcast %and3A_402 : i32 to vector<16xi32>
      %and3A_404 = arith.andi %add3A_401, %and3A_403 : vector<16xi32>
      %add3A_405 = arith.constant 1152 : i32
      %add3A_406 = vector.broadcast %add3A_405 : i32 to vector<16xi32>
      %add3A_407 = arith.addi %add3A_406, %add3A_389 : vector<16xi32>
      tpu.vector_store_idx %arg12[%add3A_407], %and3A_404 masked %lt3A_391 : memref<3456xi32, #tpu.memory_space<vmem>>[vector<16xi32>], vector<16xi32>, vector<16xi1>
      %add3A_408 = arith.constant 1152 : i32
      %add3A_409 = vector.broadcast %add3A_408 : i32 to vector<16xi32>
      %add3A_410 = arith.addi %add3A_409, %add3A_389 : vector<16xi32>
      tpu.vector_store_idx %arg13[%add3A_410], %broadcast_in_dim3A_27 masked %lt3A_391 : memref<3456xi32, #tpu.memory_space<vmem>>[vector<16xi32>], vector<16xi32>, vector<16xi1>
      %add3A_411 = arith.constant 112 : i32
      %add3A_412 = arith.addi %parallel_loop3A_24#1, %add3A_411 : i32
      %add3A_413 = vector.broadcast %add3A_412 : i32 to vector<16xi32>
      %add3A_414 = arith.addi %add3A_413, %iota3A : vector<16xi32>
      %lt3A_415 = vector.broadcast %shift_left3A_235 : i32 to vector<16xi32>
      %lt3A_416 = arith.cmpi slt, %add3A_414, %lt3A_415 : vector<16xi32>
      %mul3A_417 = arith.constant 577 : i32
      %mul3A_418 = arith.muli %add3A, %mul3A_417 : i32
      %mul3A_419 = arith.constant 131 : i32
      %mul3A_420 = arith.muli %scan3A_13, %mul3A_419 : i32
      %add3A_421 = arith.addi %mul3A_418, %mul3A_420 : i32
      %mul3A_422 = arith.constant 7 : i32
      %mul3A_423 = vector.broadcast %mul3A_422 : i32 to vector<16xi32>
      %mul3A_424 = arith.muli %add3A_414, %mul3A_423 : vector<16xi32>
      %add3A_425 = vector.broadcast %add3A_421 : i32 to vector<16xi32>
      %add3A_426 = arith.addi %add3A_425, %mul3A_424 : vector<16xi32>
      %and3A_427 = arith.constant 16383 : i32
      %and3A_428 = vector.broadcast %and3A_427 : i32 to vector<16xi32>
      %and3A_429 = arith.andi %add3A_426, %and3A_428 : vector<16xi32>
      %add3A_430 = arith.constant 1152 : i32
      %add3A_431 = vector.broadcast %add3A_430 : i32 to vector<16xi32>
      %add3A_432 = arith.addi %add3A_431, %add3A_414 : vector<16xi32>
      tpu.vector_store_idx %arg12[%add3A_432], %and3A_429 masked %lt3A_416 : memref<3456xi32, #tpu.memory_space<vmem>>[vector<16xi32>], vector<16xi32>, vector<16xi1>
      %add3A_433 = arith.constant 1152 : i32
      %add3A_434 = vector.broadcast %add3A_433 : i32 to vector<16xi32>
      %add3A_435 = arith.addi %add3A_434, %add3A_414 : vector<16xi32>
      tpu.vector_store_idx %arg13[%add3A_435], %broadcast_in_dim3A_27 masked %lt3A_416 : memref<3456xi32, #tpu.memory_space<vmem>>[vector<16xi32>], vector<16xi32>, vector<16xi1>
      %add3A_436 = arith.constant 127 : i32
      %add3A_437 = arith.addi %parallel_loop3A_24#2, %add3A_436 : i32
      %shift_right_logical3A_438 = arith.constant 7 : i32
      %shift_right_logical3A_439 = arith.shrui %add3A_437, %shift_right_logical3A_438 : i32
      %shift_left3A_440 = arith.constant 7 : i32
      %shift_left3A_441 = arith.shli %shift_right_logical3A_439, %shift_left3A_440 : i32
      %add3A_442 = arith.constant 0 : i32
      %add3A_443 = arith.addi %parallel_loop3A_24#2, %add3A_442 : i32
      %add3A_444 = vector.broadcast %add3A_443 : i32 to vector<16xi32>
      %add3A_445 = arith.addi %add3A_444, %iota3A : vector<16xi32>
      %lt3A_446 = vector.broadcast %shift_left3A_441 : i32 to vector<16xi32>
      %lt3A_447 = arith.cmpi slt, %add3A_445, %lt3A_446 : vector<16xi32>
      %mul3A_448 = arith.constant 577 : i32
      %mul3A_449 = arith.muli %add3A, %mul3A_448 : i32
      %mul3A_450 = arith.constant 131 : i32
      %mul3A_451 = arith.muli %scan3A_13, %mul3A_450 : i32
      %add3A_452 = arith.addi %mul3A_449, %mul3A_451 : i32
      %mul3A_453 = arith.constant 7 : i32
      %mul3A_454 = vector.broadcast %mul3A_453 : i32 to vector<16xi32>
      %mul3A_455 = arith.muli %add3A_445, %mul3A_454 : vector<16xi32>
      %add3A_456 = vector.broadcast %add3A_452 : i32 to vector<16xi32>
      %add3A_457 = arith.addi %add3A_456, %mul3A_455 : vector<16xi32>
      %and3A_458 = arith.constant 16383 : i32
      %and3A_459 = vector.broadcast %and3A_458 : i32 to vector<16xi32>
      %and3A_460 = arith.andi %add3A_457, %and3A_459 : vector<16xi32>
      %add3A_461 = arith.constant 2304 : i32
      %add3A_462 = vector.broadcast %add3A_461 : i32 to vector<16xi32>
      %add3A_463 = arith.addi %add3A_462, %add3A_445 : vector<16xi32>
      tpu.vector_store_idx %arg12[%add3A_463], %and3A_460 masked %lt3A_447 : memref<3456xi32, #tpu.memory_space<vmem>>[vector<16xi32>], vector<16xi32>, vector<16xi1>
      %add3A_464 = arith.constant 2304 : i32
      %add3A_465 = vector.broadcast %add3A_464 : i32 to vector<16xi32>
      %add3A_466 = arith.addi %add3A_465, %add3A_445 : vector<16xi32>
      tpu.vector_store_idx %arg13[%add3A_466], %broadcast_in_dim3A_27 masked %lt3A_447 : memref<3456xi32, #tpu.memory_space<vmem>>[vector<16xi32>], vector<16xi32>, vector<16xi1>
      %add3A_467 = arith.constant 16 : i32
      %add3A_468 = arith.addi %parallel_loop3A_24#2, %add3A_467 : i32
      %add3A_469 = vector.broadcast %add3A_468 : i32 to vector<16xi32>
      %add3A_470 = arith.addi %add3A_469, %iota3A : vector<16xi32>
      %lt3A_471 = vector.broadcast %shift_left3A_441 : i32 to vector<16xi32>
      %lt3A_472 = arith.cmpi slt, %add3A_470, %lt3A_471 : vector<16xi32>
      %mul3A_473 = arith.constant 577 : i32
      %mul3A_474 = arith.muli %add3A, %mul3A_473 : i32
      %mul3A_475 = arith.constant 131 : i32
      %mul3A_476 = arith.muli %scan3A_13, %mul3A_475 : i32
      %add3A_477 = arith.addi %mul3A_474, %mul3A_476 : i32
      %mul3A_478 = arith.constant 7 : i32
      %mul3A_479 = vector.broadcast %mul3A_478 : i32 to vector<16xi32>
      %mul3A_480 = arith.muli %add3A_470, %mul3A_479 : vector<16xi32>
      %add3A_481 = vector.broadcast %add3A_477 : i32 to vector<16xi32>
      %add3A_482 = arith.addi %add3A_481, %mul3A_480 : vector<16xi32>
      %and3A_483 = arith.constant 16383 : i32
      %and3A_484 = vector.broadcast %and3A_483 : i32 to vector<16xi32>
      %and3A_485 = arith.andi %add3A_482, %and3A_484 : vector<16xi32>
      %add3A_486 = arith.constant 2304 : i32
      %add3A_487 = vector.broadcast %add3A_486 : i32 to vector<16xi32>
      %add3A_488 = arith.addi %add3A_487, %add3A_470 : vector<16xi32>
      tpu.vector_store_idx %arg12[%add3A_488], %and3A_485 masked %lt3A_472 : memref<3456xi32, #tpu.memory_space<vmem>>[vector<16xi32>], vector<16xi32>, vector<16xi1>
      %add3A_489 = arith.constant 2304 : i32
      %add3A_490 = vector.broadcast %add3A_489 : i32 to vector<16xi32>
      %add3A_491 = arith.addi %add3A_490, %add3A_470 : vector<16xi32>
      tpu.vector_store_idx %arg13[%add3A_491], %broadcast_in_dim3A_27 masked %lt3A_472 : memref<3456xi32, #tpu.memory_space<vmem>>[vector<16xi32>], vector<16xi32>, vector<16xi1>
      %add3A_492 = arith.constant 32 : i32
      %add3A_493 = arith.addi %parallel_loop3A_24#2, %add3A_492 : i32
      %add3A_494 = vector.broadcast %add3A_493 : i32 to vector<16xi32>
      %add3A_495 = arith.addi %add3A_494, %iota3A : vector<16xi32>
      %lt3A_496 = vector.broadcast %shift_left3A_441 : i32 to vector<16xi32>
      %lt3A_497 = arith.cmpi slt, %add3A_495, %lt3A_496 : vector<16xi32>
      %mul3A_498 = arith.constant 577 : i32
      %mul3A_499 = arith.muli %add3A, %mul3A_498 : i32
      %mul3A_500 = arith.constant 131 : i32
      %mul3A_501 = arith.muli %scan3A_13, %mul3A_500 : i32
      %add3A_502 = arith.addi %mul3A_499, %mul3A_501 : i32
      %mul3A_503 = arith.constant 7 : i32
      %mul3A_504 = vector.broadcast %mul3A_503 : i32 to vector<16xi32>
      %mul3A_505 = arith.muli %add3A_495, %mul3A_504 : vector<16xi32>
      %add3A_506 = vector.broadcast %add3A_502 : i32 to vector<16xi32>
      %add3A_507 = arith.addi %add3A_506, %mul3A_505 : vector<16xi32>
      %and3A_508 = arith.constant 16383 : i32
      %and3A_509 = vector.broadcast %and3A_508 : i32 to vector<16xi32>
      %and3A_510 = arith.andi %add3A_507, %and3A_509 : vector<16xi32>
      %add3A_511 = arith.constant 2304 : i32
      %add3A_512 = vector.broadcast %add3A_511 : i32 to vector<16xi32>
      %add3A_513 = arith.addi %add3A_512, %add3A_495 : vector<16xi32>
      tpu.vector_store_idx %arg12[%add3A_513], %and3A_510 masked %lt3A_497 : memref<3456xi32, #tpu.memory_space<vmem>>[vector<16xi32>], vector<16xi32>, vector<16xi1>
      %add3A_514 = arith.constant 2304 : i32
      %add3A_515 = vector.broadcast %add3A_514 : i32 to vector<16xi32>
      %add3A_516 = arith.addi %add3A_515, %add3A_495 : vector<16xi32>
      tpu.vector_store_idx %arg13[%add3A_516], %broadcast_in_dim3A_27 masked %lt3A_497 : memref<3456xi32, #tpu.memory_space<vmem>>[vector<16xi32>], vector<16xi32>, vector<16xi1>
      %add3A_517 = arith.constant 48 : i32
      %add3A_518 = arith.addi %parallel_loop3A_24#2, %add3A_517 : i32
      %add3A_519 = vector.broadcast %add3A_518 : i32 to vector<16xi32>
      %add3A_520 = arith.addi %add3A_519, %iota3A : vector<16xi32>
      %lt3A_521 = vector.broadcast %shift_left3A_441 : i32 to vector<16xi32>
      %lt3A_522 = arith.cmpi slt, %add3A_520, %lt3A_521 : vector<16xi32>
      %mul3A_523 = arith.constant 577 : i32
      %mul3A_524 = arith.muli %add3A, %mul3A_523 : i32
      %mul3A_525 = arith.constant 131 : i32
      %mul3A_526 = arith.muli %scan3A_13, %mul3A_525 : i32
      %add3A_527 = arith.addi %mul3A_524, %mul3A_526 : i32
      %mul3A_528 = arith.constant 7 : i32
      %mul3A_529 = vector.broadcast %mul3A_528 : i32 to vector<16xi32>
      %mul3A_530 = arith.muli %add3A_520, %mul3A_529 : vector<16xi32>
      %add3A_531 = vector.broadcast %add3A_527 : i32 to vector<16xi32>
      %add3A_532 = arith.addi %add3A_531, %mul3A_530 : vector<16xi32>
      %and3A_533 = arith.constant 16383 : i32
      %and3A_534 = vector.broadcast %and3A_533 : i32 to vector<16xi32>
      %and3A_535 = arith.andi %add3A_532, %and3A_534 : vector<16xi32>
      %add3A_536 = arith.constant 2304 : i32
      %add3A_537 = vector.broadcast %add3A_536 : i32 to vector<16xi32>
      %add3A_538 = arith.addi %add3A_537, %add3A_520 : vector<16xi32>
      tpu.vector_store_idx %arg12[%add3A_538], %and3A_535 masked %lt3A_522 : memref<3456xi32, #tpu.memory_space<vmem>>[vector<16xi32>], vector<16xi32>, vector<16xi1>
      %add3A_539 = arith.constant 2304 : i32
      %add3A_540 = vector.broadcast %add3A_539 : i32 to vector<16xi32>
      %add3A_541 = arith.addi %add3A_540, %add3A_520 : vector<16xi32>
      tpu.vector_store_idx %arg13[%add3A_541], %broadcast_in_dim3A_27 masked %lt3A_522 : memref<3456xi32, #tpu.memory_space<vmem>>[vector<16xi32>], vector<16xi32>, vector<16xi1>
      %add3A_542 = arith.constant 64 : i32
      %add3A_543 = arith.addi %parallel_loop3A_24#2, %add3A_542 : i32
      %add3A_544 = vector.broadcast %add3A_543 : i32 to vector<16xi32>
      %add3A_545 = arith.addi %add3A_544, %iota3A : vector<16xi32>
      %lt3A_546 = vector.broadcast %shift_left3A_441 : i32 to vector<16xi32>
      %lt3A_547 = arith.cmpi slt, %add3A_545, %lt3A_546 : vector<16xi32>
      %mul3A_548 = arith.constant 577 : i32
      %mul3A_549 = arith.muli %add3A, %mul3A_548 : i32
      %mul3A_550 = arith.constant 131 : i32
      %mul3A_551 = arith.muli %scan3A_13, %mul3A_550 : i32
      %add3A_552 = arith.addi %mul3A_549, %mul3A_551 : i32
      %mul3A_553 = arith.constant 7 : i32
      %mul3A_554 = vector.broadcast %mul3A_553 : i32 to vector<16xi32>
      %mul3A_555 = arith.muli %add3A_545, %mul3A_554 : vector<16xi32>
      %add3A_556 = vector.broadcast %add3A_552 : i32 to vector<16xi32>
      %add3A_557 = arith.addi %add3A_556, %mul3A_555 : vector<16xi32>
      %and3A_558 = arith.constant 16383 : i32
      %and3A_559 = vector.broadcast %and3A_558 : i32 to vector<16xi32>
      %and3A_560 = arith.andi %add3A_557, %and3A_559 : vector<16xi32>
      %add3A_561 = arith.constant 2304 : i32
      %add3A_562 = vector.broadcast %add3A_561 : i32 to vector<16xi32>
      %add3A_563 = arith.addi %add3A_562, %add3A_545 : vector<16xi32>
      tpu.vector_store_idx %arg12[%add3A_563], %and3A_560 masked %lt3A_547 : memref<3456xi32, #tpu.memory_space<vmem>>[vector<16xi32>], vector<16xi32>, vector<16xi1>
      %add3A_564 = arith.constant 2304 : i32
      %add3A_565 = vector.broadcast %add3A_564 : i32 to vector<16xi32>
      %add3A_566 = arith.addi %add3A_565, %add3A_545 : vector<16xi32>
      tpu.vector_store_idx %arg13[%add3A_566], %broadcast_in_dim3A_27 masked %lt3A_547 : memref<3456xi32, #tpu.memory_space<vmem>>[vector<16xi32>], vector<16xi32>, vector<16xi1>
      %add3A_567 = arith.constant 80 : i32
      %add3A_568 = arith.addi %parallel_loop3A_24#2, %add3A_567 : i32
      %add3A_569 = vector.broadcast %add3A_568 : i32 to vector<16xi32>
      %add3A_570 = arith.addi %add3A_569, %iota3A : vector<16xi32>
      %lt3A_571 = vector.broadcast %shift_left3A_441 : i32 to vector<16xi32>
      %lt3A_572 = arith.cmpi slt, %add3A_570, %lt3A_571 : vector<16xi32>
      %mul3A_573 = arith.constant 577 : i32
      %mul3A_574 = arith.muli %add3A, %mul3A_573 : i32
      %mul3A_575 = arith.constant 131 : i32
      %mul3A_576 = arith.muli %scan3A_13, %mul3A_575 : i32
      %add3A_577 = arith.addi %mul3A_574, %mul3A_576 : i32
      %mul3A_578 = arith.constant 7 : i32
      %mul3A_579 = vector.broadcast %mul3A_578 : i32 to vector<16xi32>
      %mul3A_580 = arith.muli %add3A_570, %mul3A_579 : vector<16xi32>
      %add3A_581 = vector.broadcast %add3A_577 : i32 to vector<16xi32>
      %add3A_582 = arith.addi %add3A_581, %mul3A_580 : vector<16xi32>
      %and3A_583 = arith.constant 16383 : i32
      %and3A_584 = vector.broadcast %and3A_583 : i32 to vector<16xi32>
      %and3A_585 = arith.andi %add3A_582, %and3A_584 : vector<16xi32>
      %add3A_586 = arith.constant 2304 : i32
      %add3A_587 = vector.broadcast %add3A_586 : i32 to vector<16xi32>
      %add3A_588 = arith.addi %add3A_587, %add3A_570 : vector<16xi32>
      tpu.vector_store_idx %arg12[%add3A_588], %and3A_585 masked %lt3A_572 : memref<3456xi32, #tpu.memory_space<vmem>>[vector<16xi32>], vector<16xi32>, vector<16xi1>
      %add3A_589 = arith.constant 2304 : i32
      %add3A_590 = vector.broadcast %add3A_589 : i32 to vector<16xi32>
      %add3A_591 = arith.addi %add3A_590, %add3A_570 : vector<16xi32>
      tpu.vector_store_idx %arg13[%add3A_591], %broadcast_in_dim3A_27 masked %lt3A_572 : memref<3456xi32, #tpu.memory_space<vmem>>[vector<16xi32>], vector<16xi32>, vector<16xi1>
      %add3A_592 = arith.constant 96 : i32
      %add3A_593 = arith.addi %parallel_loop3A_24#2, %add3A_592 : i32
      %add3A_594 = vector.broadcast %add3A_593 : i32 to vector<16xi32>
      %add3A_595 = arith.addi %add3A_594, %iota3A : vector<16xi32>
      %lt3A_596 = vector.broadcast %shift_left3A_441 : i32 to vector<16xi32>
      %lt3A_597 = arith.cmpi slt, %add3A_595, %lt3A_596 : vector<16xi32>
      %mul3A_598 = arith.constant 577 : i32
      %mul3A_599 = arith.muli %add3A, %mul3A_598 : i32
      %mul3A_600 = arith.constant 131 : i32
      %mul3A_601 = arith.muli %scan3A_13, %mul3A_600 : i32
      %add3A_602 = arith.addi %mul3A_599, %mul3A_601 : i32
      %mul3A_603 = arith.constant 7 : i32
      %mul3A_604 = vector.broadcast %mul3A_603 : i32 to vector<16xi32>
      %mul3A_605 = arith.muli %add3A_595, %mul3A_604 : vector<16xi32>
      %add3A_606 = vector.broadcast %add3A_602 : i32 to vector<16xi32>
      %add3A_607 = arith.addi %add3A_606, %mul3A_605 : vector<16xi32>
      %and3A_608 = arith.constant 16383 : i32
      %and3A_609 = vector.broadcast %and3A_608 : i32 to vector<16xi32>
      %and3A_610 = arith.andi %add3A_607, %and3A_609 : vector<16xi32>
      %add3A_611 = arith.constant 2304 : i32
      %add3A_612 = vector.broadcast %add3A_611 : i32 to vector<16xi32>
      %add3A_613 = arith.addi %add3A_612, %add3A_595 : vector<16xi32>
      tpu.vector_store_idx %arg12[%add3A_613], %and3A_610 masked %lt3A_597 : memref<3456xi32, #tpu.memory_space<vmem>>[vector<16xi32>], vector<16xi32>, vector<16xi1>
      %add3A_614 = arith.constant 2304 : i32
      %add3A_615 = vector.broadcast %add3A_614 : i32 to vector<16xi32>
      %add3A_616 = arith.addi %add3A_615, %add3A_595 : vector<16xi32>
      tpu.vector_store_idx %arg13[%add3A_616], %broadcast_in_dim3A_27 masked %lt3A_597 : memref<3456xi32, #tpu.memory_space<vmem>>[vector<16xi32>], vector<16xi32>, vector<16xi1>
      %add3A_617 = arith.constant 112 : i32
      %add3A_618 = arith.addi %parallel_loop3A_24#2, %add3A_617 : i32
      %add3A_619 = vector.broadcast %add3A_618 : i32 to vector<16xi32>
      %add3A_620 = arith.addi %add3A_619, %iota3A : vector<16xi32>
      %lt3A_621 = vector.broadcast %shift_left3A_441 : i32 to vector<16xi32>
      %lt3A_622 = arith.cmpi slt, %add3A_620, %lt3A_621 : vector<16xi32>
      %mul3A_623 = arith.constant 577 : i32
      %mul3A_624 = arith.muli %add3A, %mul3A_623 : i32
      %mul3A_625 = arith.constant 131 : i32
      %mul3A_626 = arith.muli %scan3A_13, %mul3A_625 : i32
      %add3A_627 = arith.addi %mul3A_624, %mul3A_626 : i32
      %mul3A_628 = arith.constant 7 : i32
      %mul3A_629 = vector.broadcast %mul3A_628 : i32 to vector<16xi32>
      %mul3A_630 = arith.muli %add3A_620, %mul3A_629 : vector<16xi32>
      %add3A_631 = vector.broadcast %add3A_627 : i32 to vector<16xi32>
      %add3A_632 = arith.addi %add3A_631, %mul3A_630 : vector<16xi32>
      %and3A_633 = arith.constant 16383 : i32
      %and3A_634 = vector.broadcast %and3A_633 : i32 to vector<16xi32>
      %and3A_635 = arith.andi %add3A_632, %and3A_634 : vector<16xi32>
      %add3A_636 = arith.constant 2304 : i32
      %add3A_637 = vector.broadcast %add3A_636 : i32 to vector<16xi32>
      %add3A_638 = arith.addi %add3A_637, %add3A_620 : vector<16xi32>
      tpu.vector_store_idx %arg12[%add3A_638], %and3A_635 masked %lt3A_622 : memref<3456xi32, #tpu.memory_space<vmem>>[vector<16xi32>], vector<16xi32>, vector<16xi1>
      %add3A_639 = arith.constant 2304 : i32
      %add3A_640 = vector.broadcast %add3A_639 : i32 to vector<16xi32>
      %add3A_641 = arith.addi %add3A_640, %add3A_620 : vector<16xi32>
      tpu.vector_store_idx %arg13[%add3A_641], %broadcast_in_dim3A_27 masked %lt3A_622 : memref<3456xi32, #tpu.memory_space<vmem>>[vector<16xi32>], vector<16xi32>, vector<16xi1>
      %add3A_642 = arith.addi %shift_right_logical3A_30, %shift_right_logical3A_233 : i32
      %add3A_643 = arith.addi %add3A_642, %shift_right_logical3A_439 : i32
      %gt3A = arith.constant 0 : i32
      %gt3A_644 = arith.cmpi sgt, %scan3A_13, %gt3A : i32
      %convert_element_type3A = arith.extui %gt3A_644 : i1 to i32
      %cond3A = arith.constant 0 : i32
      %cond3A_645 = arith.cmpi ne, %convert_element_type3A, %cond3A : i32
      scf.if %cond3A_645 {
        %dma_wait3A_701 = arith.constant 0 : i32
        %dma_wait3A_702 = tpu.memref_slice %arg15[%dma_wait3A_701] : memref<65600xf32, #tpu.memory_space<vmem>> -> memref<65536xf32, #tpu.memory_space<vmem>>
        %dma_wait3A_703 = arith.constant 0 : i32
        %dma_wait3A_704 = tpu.memref_slice %arg8[%dma_wait3A_703] : memref<20971520xf32, #tpu.memory_space<hbm>> -> memref<65536xf32, #tpu.memory_space<hbm>>
        %dma_wait3A_705 = arith.constant 0 : i32
        %dma_wait3A_706 = tpu.memref_slice %arg15[%dma_wait3A_705] : memref<65600xf32, #tpu.memory_space<vmem>> -> memref<65536xf32, #tpu.memory_space<vmem>>
        %dma_wait3A_707 = arith.constant 0 : i32
        %dma_wait3A_708 = tpu.memref_slice %arg8[%dma_wait3A_707] : memref<20971520xf32, #tpu.memory_space<hbm>> -> memref<65536xf32, #tpu.memory_space<hbm>>
        tpu.wait_dma2 semaphore(%arg18 : memref<!tpu.dma_semaphore, #tpu.memory_space<semaphore_mem>>) src(%dma_wait3A_708 : memref<65536xf32, #tpu.memory_space<hbm>>) dst(%dma_wait3A_706 : memref<65536xf32, #tpu.memory_space<vmem>>)
      } else {
      }
      %ge3A = arith.constant 0 : i32
      %ge3A_646 = arith.cmpi sge, %ge3A, %shift_right_logical3A_30 : i32
      %convert_element_type3A_647 = arith.extui %ge3A_646 : i1 to i32
      %ge3A_648 = arith.constant 0 : i32
      %ge3A_649 = arith.cmpi sge, %ge3A_648, %add3A_642 : i32
      %convert_element_type3A_650 = arith.extui %ge3A_649 : i1 to i32
      %add3A_651 = arith.addi %convert_element_type3A_647, %convert_element_type3A_650 : i32
      %lt3A_652 = arith.constant 0 : i32
      %lt3A_653 = arith.cmpi slt, %lt3A_652, %shift_right_logical3A_30 : i32
      %mul3A_654 = arith.constant 0 : i32
      %mul3A_655 = arith.constant 128 : i32
      %mul3A_656 = arith.muli %mul3A_654, %mul3A_655 : i32
      %lt3A_657 = arith.constant 0 : i32
      %lt3A_658 = arith.cmpi slt, %lt3A_657, %add3A_642 : i32
      %sub3A = arith.constant 0 : i32
      %sub3A_659 = arith.subi %sub3A, %shift_right_logical3A_30 : i32
      %mul3A_660 = arith.constant 128 : i32
      %mul3A_661 = arith.muli %sub3A_659, %mul3A_660 : i32
      %add3A_662 = arith.constant 1152 : i32
      %add3A_663 = arith.addi %add3A_662, %mul3A_661 : i32
      %sub3A_664 = arith.constant 0 : i32
      %sub3A_665 = arith.subi %sub3A_664, %add3A_642 : i32
      %mul3A_666 = arith.constant 128 : i32
      %mul3A_667 = arith.muli %sub3A_665, %mul3A_666 : i32
      %add3A_668 = arith.constant 2304 : i32
      %add3A_669 = arith.addi %add3A_668, %mul3A_667 : i32
      %select_n3A = arith.select %lt3A_658, %add3A_663, %add3A_669 : i32
      %select_n3A_670 = arith.select %lt3A_653, %mul3A_656, %select_n3A : i32
      %eq3A = arith.constant 0 : i32
      %eq3A_671 = arith.cmpi eq, %add3A_651, %eq3A : i32
      %convert_element_type3A_672 = arith.extui %eq3A_671 : i1 to i32
      %cond3A_673 = arith.constant 0 : i32
      %cond3A_674 = arith.cmpi ne, %convert_element_type3A_672, %cond3A_673 : i32
      scf.if %cond3A_674 {
        %dma_start3A_701 = arith.constant 0 : i32
        %dma_start3A_702 = arith.constant 0 : i32
        %dma_start3A_703 = arith.constant 0 : i32
        %dma_start3A_704 = tpu.memref_slice %arg14[%dma_start3A_701, %dma_start3A_702, %dma_start3A_703] : memref<2x128x128xf32, #tpu.memory_space<vmem>> -> memref<1x128x128xf32, #tpu.memory_space<vmem>>
        %dma_start3A_705 = tpu.memref_squeeze %dma_start3A_704 : memref<1x128x128xf32, #tpu.memory_space<vmem>> -> memref<128x128xf32, #tpu.memory_space<vmem>>
        %dma_start3A_706 = tpu.memref_slice %arg12[%select_n3A_670] : memref<3456xi32, #tpu.memory_space<vmem>> -> memref<128xi32, #tpu.memory_space<vmem>>
        %dma_start3A_707 = arith.constant 0 : i32
        %dma_start3A_708 = arith.constant 0 : i32
        %dma_start3A_709 = tpu.memref_slice %arg5[%dma_start3A_707, %dma_start3A_708] : memref<50000x128xf32, #tpu.memory_space<hbm>> -> memref<50000x128xf32, #tpu.memory_space<hbm>>
        tpu.enqueue_indirect_dma source(%dma_start3A_709 : memref<50000x128xf32, #tpu.memory_space<hbm>>) target(%dma_start3A_705 : memref<128x128xf32, #tpu.memory_space<vmem>>) offsets(%dma_start3A_706 : memref<128xi32, #tpu.memory_space<vmem>>) semaphore(%arg16 : memref<!tpu.dma_semaphore, #tpu.memory_space<semaphore_mem>>)
      } else {
      }
      %eq3A_675 = arith.constant 1 : i32
      %eq3A_676 = arith.cmpi eq, %add3A_651, %eq3A_675 : i32
      %convert_element_type3A_677 = arith.extui %eq3A_676 : i1 to i32
      %cond3A_678 = arith.constant 0 : i32
      %cond3A_679 = arith.cmpi ne, %convert_element_type3A_677, %cond3A_678 : i32
      scf.if %cond3A_679 {
        %dma_start3A_701 = arith.constant 0 : i32
        %dma_start3A_702 = arith.constant 0 : i32
        %dma_start3A_703 = arith.constant 0 : i32
        %dma_start3A_704 = tpu.memref_slice %arg14[%dma_start3A_701, %dma_start3A_702, %dma_start3A_703] : memref<2x128x128xf32, #tpu.memory_space<vmem>> -> memref<1x128x128xf32, #tpu.memory_space<vmem>>
        %dma_start3A_705 = tpu.memref_squeeze %dma_start3A_704 : memref<1x128x128xf32, #tpu.memory_space<vmem>> -> memref<128x128xf32, #tpu.memory_space<vmem>>
        %dma_start3A_706 = tpu.memref_slice %arg12[%select_n3A_670] : memref<3456xi32, #tpu.memory_space<vmem>> -> memref<128xi32, #tpu.memory_space<vmem>>
        %dma_start3A_707 = arith.constant 0 : i32
        %dma_start3A_708 = arith.constant 0 : i32
        %dma_start3A_709 = tpu.memref_slice %arg6[%dma_start3A_707, %dma_start3A_708] : memref<50000x128xf32, #tpu.memory_space<hbm>> -> memref<50000x128xf32, #tpu.memory_space<hbm>>
        tpu.enqueue_indirect_dma source(%dma_start3A_709 : memref<50000x128xf32, #tpu.memory_space<hbm>>) target(%dma_start3A_705 : memref<128x128xf32, #tpu.memory_space<vmem>>) offsets(%dma_start3A_706 : memref<128xi32, #tpu.memory_space<vmem>>) semaphore(%arg16 : memref<!tpu.dma_semaphore, #tpu.memory_space<semaphore_mem>>)
      } else {
      }
      %eq3A_680 = arith.constant 2 : i32
      %eq3A_681 = arith.cmpi eq, %add3A_651, %eq3A_680 : i32
      %convert_element_type3A_682 = arith.extui %eq3A_681 : i1 to i32
      %cond3A_683 = arith.constant 0 : i32
      %cond3A_684 = arith.cmpi ne, %convert_element_type3A_682, %cond3A_683 : i32
      scf.if %cond3A_684 {
        %dma_start3A_701 = arith.constant 0 : i32
        %dma_start3A_702 = arith.constant 0 : i32
        %dma_start3A_703 = arith.constant 0 : i32
        %dma_start3A_704 = tpu.memref_slice %arg14[%dma_start3A_701, %dma_start3A_702, %dma_start3A_703] : memref<2x128x128xf32, #tpu.memory_space<vmem>> -> memref<1x128x128xf32, #tpu.memory_space<vmem>>
        %dma_start3A_705 = tpu.memref_squeeze %dma_start3A_704 : memref<1x128x128xf32, #tpu.memory_space<vmem>> -> memref<128x128xf32, #tpu.memory_space<vmem>>
        %dma_start3A_706 = tpu.memref_slice %arg12[%select_n3A_670] : memref<3456xi32, #tpu.memory_space<vmem>> -> memref<128xi32, #tpu.memory_space<vmem>>
        %dma_start3A_707 = arith.constant 0 : i32
        %dma_start3A_708 = arith.constant 0 : i32
        %dma_start3A_709 = tpu.memref_slice %arg7[%dma_start3A_707, %dma_start3A_708] : memref<50000x128xf32, #tpu.memory_space<hbm>> -> memref<50000x128xf32, #tpu.memory_space<hbm>>
        tpu.enqueue_indirect_dma source(%dma_start3A_709 : memref<50000x128xf32, #tpu.memory_space<hbm>>) target(%dma_start3A_705 : memref<128x128xf32, #tpu.memory_space<vmem>>) offsets(%dma_start3A_706 : memref<128xi32, #tpu.memory_space<vmem>>) semaphore(%arg16 : memref<!tpu.dma_semaphore, #tpu.memory_space<semaphore_mem>>)
      } else {
      }
      %while3A = arith.constant 0 : i32
      %while3A_685 = arith.constant 0 : i32
      %while3A_686 = arith.subi %add3A_643, %while3A_685 : i32
      %while3A_687 = arith.addi %while3A_685, %while3A_686 : i32
      %while3A_688 = arith.constant 1 : i32
      %while3A_689 = arith.divsi %while3A_686, %while3A_688 : i32
      %while3A_690 = arith.muli %while3A_689, %while3A_688 : i32
      %while3A_691 = arith.addi %while3A_685, %while3A_690 : i32
      %while3A_692 = arith.constant 1 : i32
      scf.for %while3A_701 = %while3A_685 to %while3A_691 step %while3A_692  : i32 {
        %and3A_702 = arith.constant 1 : i32
        %and3A_703 = arith.andi %while3A_701, %and3A_702 : i32
        %ge3A_704 = arith.cmpi sge, %while3A_701, %shift_right_logical3A_30 : i32
        %convert_element_type3A_705 = arith.extui %ge3A_704 : i1 to i32
        %ge3A_706 = arith.cmpi sge, %while3A_701, %add3A_642 : i32
        %convert_element_type3A_707 = arith.extui %ge3A_706 : i1 to i32
        %add3A_708 = arith.addi %convert_element_type3A_705, %convert_element_type3A_707 : i32
        %lt3A_709 = arith.cmpi slt, %while3A_701, %shift_right_logical3A_30 : i32
        %mul3A_710 = arith.constant 128 : i32
        %mul3A_711 = arith.muli %while3A_701, %mul3A_710 : i32
        %lt3A_712 = arith.cmpi slt, %while3A_701, %add3A_642 : i32
        %sub3A_713 = arith.subi %while3A_701, %shift_right_logical3A_30 : i32
        %mul3A_714 = arith.constant 128 : i32
        %mul3A_715 = arith.muli %sub3A_713, %mul3A_714 : i32
        %add3A_716 = arith.constant 1152 : i32
        %add3A_717 = arith.addi %add3A_716, %mul3A_715 : i32
        %sub3A_718 = arith.subi %while3A_701, %add3A_642 : i32
        %mul3A_719 = arith.constant 128 : i32
        %mul3A_720 = arith.muli %sub3A_718, %mul3A_719 : i32
        %add3A_721 = arith.constant 2304 : i32
        %add3A_722 = arith.addi %add3A_721, %mul3A_720 : i32
        %select_n3A_723 = arith.select %lt3A_712, %add3A_717, %add3A_722 : i32
        %select_n3A_724 = arith.select %lt3A_709, %mul3A_711, %select_n3A_723 : i32
        %eq3A_725 = arith.constant 0 : i32
        %eq3A_726 = arith.cmpi eq, %and3A_703, %eq3A_725 : i32
        %convert_element_type3A_727 = arith.extui %eq3A_726 : i1 to i32
        %cond3A_728 = arith.constant 0 : i32
        %cond3A_729 = arith.cmpi ne, %convert_element_type3A_727, %cond3A_728 : i32
        scf.if %cond3A_729 {
          %dma_wait3A_910 = arith.constant 0 : i32
          %dma_wait3A_911 = arith.constant 0 : i32
          %dma_wait3A_912 = arith.constant 0 : i32
          %dma_wait3A_913 = tpu.memref_slice %arg14[%dma_wait3A_910, %dma_wait3A_911, %dma_wait3A_912] : memref<2x128x128xf32, #tpu.memory_space<vmem>> -> memref<1x128x128xf32, #tpu.memory_space<vmem>>
          %dma_wait3A_914 = tpu.memref_squeeze %dma_wait3A_913 : memref<1x128x128xf32, #tpu.memory_space<vmem>> -> memref<128x128xf32, #tpu.memory_space<vmem>>
          %dma_wait3A_915 = arith.constant 0 : i32
          %dma_wait3A_916 = tpu.memref_slice %arg12[%dma_wait3A_915] : memref<3456xi32, #tpu.memory_space<vmem>> -> memref<128xi32, #tpu.memory_space<vmem>>
          %dma_wait3A_917 = arith.constant 0 : i32
          %dma_wait3A_918 = arith.constant 0 : i32
          %dma_wait3A_919 = tpu.memref_slice %arg5[%dma_wait3A_917, %dma_wait3A_918] : memref<50000x128xf32, #tpu.memory_space<hbm>> -> memref<50000x128xf32, #tpu.memory_space<hbm>>
          tpu.wait_indirect_dma semaphore(%arg16 : memref<!tpu.dma_semaphore, #tpu.memory_space<semaphore_mem>>) src(%dma_wait3A_919 : memref<50000x128xf32, #tpu.memory_space<hbm>>) dst(%dma_wait3A_914 : memref<128x128xf32, #tpu.memory_space<vmem>>)
        } else {
        }
        %add3A_730 = arith.constant 1 : i32
        %add3A_731 = arith.addi %while3A_701, %add3A_730 : i32
        %lt3A_732 = arith.cmpi slt, %add3A_731, %add3A_643 : i32
        %eq3A_733 = arith.constant 0 : i32
        %eq3A_734 = arith.cmpi eq, %and3A_703, %eq3A_733 : i32
        %and3A_735 = arith.andi %lt3A_732, %eq3A_734 : i1
        %convert_element_type3A_736 = arith.extui %and3A_735 : i1 to i32
        %cond3A_737 = arith.constant 0 : i32
        %cond3A_738 = arith.cmpi ne, %convert_element_type3A_736, %cond3A_737 : i32
        scf.if %cond3A_738 {
          %add3A_910 = arith.constant 1 : i32
          %add3A_911 = arith.addi %while3A_701, %add3A_910 : i32
          %ge3A_912 = arith.cmpi sge, %add3A_911, %shift_right_logical3A_30 : i32
          %convert_element_type3A_913 = arith.extui %ge3A_912 : i1 to i32
          %ge3A_914 = arith.cmpi sge, %add3A_911, %add3A_642 : i32
          %convert_element_type3A_915 = arith.extui %ge3A_914 : i1 to i32
          %add3A_916 = arith.addi %convert_element_type3A_913, %convert_element_type3A_915 : i32
          %lt3A_917 = arith.cmpi slt, %add3A_911, %shift_right_logical3A_30 : i32
          %mul3A_918 = arith.constant 128 : i32
          %mul3A_919 = arith.muli %add3A_911, %mul3A_918 : i32
          %lt3A_920 = arith.cmpi slt, %add3A_911, %add3A_642 : i32
          %sub3A_921 = arith.subi %add3A_911, %shift_right_logical3A_30 : i32
          %mul3A_922 = arith.constant 128 : i32
          %mul3A_923 = arith.muli %sub3A_921, %mul3A_922 : i32
          %add3A_924 = arith.constant 1152 : i32
          %add3A_925 = arith.addi %add3A_924, %mul3A_923 : i32
          %sub3A_926 = arith.subi %add3A_911, %add3A_642 : i32
          %mul3A_927 = arith.constant 128 : i32
          %mul3A_928 = arith.muli %sub3A_926, %mul3A_927 : i32
          %add3A_929 = arith.constant 2304 : i32
          %add3A_930 = arith.addi %add3A_929, %mul3A_928 : i32
          %select_n3A_931 = arith.select %lt3A_920, %add3A_925, %add3A_930 : i32
          %select_n3A_932 = arith.select %lt3A_917, %mul3A_919, %select_n3A_931 : i32
          %eq3A_933 = arith.constant 0 : i32
          %eq3A_934 = arith.cmpi eq, %add3A_916, %eq3A_933 : i32
          %convert_element_type3A_935 = arith.extui %eq3A_934 : i1 to i32
          %cond3A_936 = arith.constant 0 : i32
          %cond3A_937 = arith.cmpi ne, %convert_element_type3A_935, %cond3A_936 : i32
          scf.if %cond3A_937 {
            %dma_start3A_948 = arith.constant 1 : i32
            %dma_start3A_949 = arith.constant 0 : i32
            %dma_start3A_950 = arith.constant 0 : i32
            %dma_start3A_951 = tpu.memref_slice %arg14[%dma_start3A_948, %dma_start3A_949, %dma_start3A_950] : memref<2x128x128xf32, #tpu.memory_space<vmem>> -> memref<1x128x128xf32, #tpu.memory_space<vmem>>
            %dma_start3A_952 = tpu.memref_squeeze %dma_start3A_951 : memref<1x128x128xf32, #tpu.memory_space<vmem>> -> memref<128x128xf32, #tpu.memory_space<vmem>>
            %dma_start3A_953 = tpu.memref_slice %arg12[%select_n3A_932] : memref<3456xi32, #tpu.memory_space<vmem>> -> memref<128xi32, #tpu.memory_space<vmem>>
            %dma_start3A_954 = arith.constant 0 : i32
            %dma_start3A_955 = arith.constant 0 : i32
            %dma_start3A_956 = tpu.memref_slice %arg5[%dma_start3A_954, %dma_start3A_955] : memref<50000x128xf32, #tpu.memory_space<hbm>> -> memref<50000x128xf32, #tpu.memory_space<hbm>>
            tpu.enqueue_indirect_dma source(%dma_start3A_956 : memref<50000x128xf32, #tpu.memory_space<hbm>>) target(%dma_start3A_952 : memref<128x128xf32, #tpu.memory_space<vmem>>) offsets(%dma_start3A_953 : memref<128xi32, #tpu.memory_space<vmem>>) semaphore(%arg17 : memref<!tpu.dma_semaphore, #tpu.memory_space<semaphore_mem>>)
          } else {
          }
          %eq3A_938 = arith.constant 1 : i32
          %eq3A_939 = arith.cmpi eq, %add3A_916, %eq3A_938 : i32
          %convert_element_type3A_940 = arith.extui %eq3A_939 : i1 to i32
          %cond3A_941 = arith.constant 0 : i32
          %cond3A_942 = arith.cmpi ne, %convert_element_type3A_940, %cond3A_941 : i32
          scf.if %cond3A_942 {
            %dma_start3A_948 = arith.constant 1 : i32
            %dma_start3A_949 = arith.constant 0 : i32
            %dma_start3A_950 = arith.constant 0 : i32
            %dma_start3A_951 = tpu.memref_slice %arg14[%dma_start3A_948, %dma_start3A_949, %dma_start3A_950] : memref<2x128x128xf32, #tpu.memory_space<vmem>> -> memref<1x128x128xf32, #tpu.memory_space<vmem>>
            %dma_start3A_952 = tpu.memref_squeeze %dma_start3A_951 : memref<1x128x128xf32, #tpu.memory_space<vmem>> -> memref<128x128xf32, #tpu.memory_space<vmem>>
            %dma_start3A_953 = tpu.memref_slice %arg12[%select_n3A_932] : memref<3456xi32, #tpu.memory_space<vmem>> -> memref<128xi32, #tpu.memory_space<vmem>>
            %dma_start3A_954 = arith.constant 0 : i32
            %dma_start3A_955 = arith.constant 0 : i32
            %dma_start3A_956 = tpu.memref_slice %arg6[%dma_start3A_954, %dma_start3A_955] : memref<50000x128xf32, #tpu.memory_space<hbm>> -> memref<50000x128xf32, #tpu.memory_space<hbm>>
            tpu.enqueue_indirect_dma source(%dma_start3A_956 : memref<50000x128xf32, #tpu.memory_space<hbm>>) target(%dma_start3A_952 : memref<128x128xf32, #tpu.memory_space<vmem>>) offsets(%dma_start3A_953 : memref<128xi32, #tpu.memory_space<vmem>>) semaphore(%arg17 : memref<!tpu.dma_semaphore, #tpu.memory_space<semaphore_mem>>)
          } else {
          }
          %eq3A_943 = arith.constant 2 : i32
          %eq3A_944 = arith.cmpi eq, %add3A_916, %eq3A_943 : i32
          %convert_element_type3A_945 = arith.extui %eq3A_944 : i1 to i32
          %cond3A_946 = arith.constant 0 : i32
          %cond3A_947 = arith.cmpi ne, %convert_element_type3A_945, %cond3A_946 : i32
          scf.if %cond3A_947 {
            %dma_start3A_948 = arith.constant 1 : i32
            %dma_start3A_949 = arith.constant 0 : i32
            %dma_start3A_950 = arith.constant 0 : i32
            %dma_start3A_951 = tpu.memref_slice %arg14[%dma_start3A_948, %dma_start3A_949, %dma_start3A_950] : memref<2x128x128xf32, #tpu.memory_space<vmem>> -> memref<1x128x128xf32, #tpu.memory_space<vmem>>
            %dma_start3A_952 = tpu.memref_squeeze %dma_start3A_951 : memref<1x128x128xf32, #tpu.memory_space<vmem>> -> memref<128x128xf32, #tpu.memory_space<vmem>>
            %dma_start3A_953 = tpu.memref_slice %arg12[%select_n3A_932] : memref<3456xi32, #tpu.memory_space<vmem>> -> memref<128xi32, #tpu.memory_space<vmem>>
            %dma_start3A_954 = arith.constant 0 : i32
            %dma_start3A_955 = arith.constant 0 : i32
            %dma_start3A_956 = tpu.memref_slice %arg7[%dma_start3A_954, %dma_start3A_955] : memref<50000x128xf32, #tpu.memory_space<hbm>> -> memref<50000x128xf32, #tpu.memory_space<hbm>>
            tpu.enqueue_indirect_dma source(%dma_start3A_956 : memref<50000x128xf32, #tpu.memory_space<hbm>>) target(%dma_start3A_952 : memref<128x128xf32, #tpu.memory_space<vmem>>) offsets(%dma_start3A_953 : memref<128xi32, #tpu.memory_space<vmem>>) semaphore(%arg17 : memref<!tpu.dma_semaphore, #tpu.memory_space<semaphore_mem>>)
          } else {
          }
        } else {
        }
        %eq3A_739 = arith.constant 1 : i32
        %eq3A_740 = arith.cmpi eq, %and3A_703, %eq3A_739 : i32
        %convert_element_type3A_741 = arith.extui %eq3A_740 : i1 to i32
        %cond3A_742 = arith.constant 0 : i32
        %cond3A_743 = arith.cmpi ne, %convert_element_type3A_741, %cond3A_742 : i32
        scf.if %cond3A_743 {
          %dma_wait3A_910 = arith.constant 1 : i32
          %dma_wait3A_911 = arith.constant 0 : i32
          %dma_wait3A_912 = arith.constant 0 : i32
          %dma_wait3A_913 = tpu.memref_slice %arg14[%dma_wait3A_910, %dma_wait3A_911, %dma_wait3A_912] : memref<2x128x128xf32, #tpu.memory_space<vmem>> -> memref<1x128x128xf32, #tpu.memory_space<vmem>>
          %dma_wait3A_914 = tpu.memref_squeeze %dma_wait3A_913 : memref<1x128x128xf32, #tpu.memory_space<vmem>> -> memref<128x128xf32, #tpu.memory_space<vmem>>
          %dma_wait3A_915 = arith.constant 0 : i32
          %dma_wait3A_916 = tpu.memref_slice %arg12[%dma_wait3A_915] : memref<3456xi32, #tpu.memory_space<vmem>> -> memref<128xi32, #tpu.memory_space<vmem>>
          %dma_wait3A_917 = arith.constant 0 : i32
          %dma_wait3A_918 = arith.constant 0 : i32
          %dma_wait3A_919 = tpu.memref_slice %arg5[%dma_wait3A_917, %dma_wait3A_918] : memref<50000x128xf32, #tpu.memory_space<hbm>> -> memref<50000x128xf32, #tpu.memory_space<hbm>>
          tpu.wait_indirect_dma semaphore(%arg17 : memref<!tpu.dma_semaphore, #tpu.memory_space<semaphore_mem>>) src(%dma_wait3A_919 : memref<50000x128xf32, #tpu.memory_space<hbm>>) dst(%dma_wait3A_914 : memref<128x128xf32, #tpu.memory_space<vmem>>)
        } else {
        }
        %add3A_744 = arith.constant 1 : i32
        %add3A_745 = arith.addi %while3A_701, %add3A_744 : i32
        %lt3A_746 = arith.cmpi slt, %add3A_745, %add3A_643 : i32
        %eq3A_747 = arith.constant 1 : i32
        %eq3A_748 = arith.cmpi eq, %and3A_703, %eq3A_747 : i32
        %and3A_749 = arith.andi %lt3A_746, %eq3A_748 : i1
        %convert_element_type3A_750 = arith.extui %and3A_749 : i1 to i32
        %cond3A_751 = arith.constant 0 : i32
        %cond3A_752 = arith.cmpi ne, %convert_element_type3A_750, %cond3A_751 : i32
        scf.if %cond3A_752 {
          %add3A_910 = arith.constant 1 : i32
          %add3A_911 = arith.addi %while3A_701, %add3A_910 : i32
          %ge3A_912 = arith.cmpi sge, %add3A_911, %shift_right_logical3A_30 : i32
          %convert_element_type3A_913 = arith.extui %ge3A_912 : i1 to i32
          %ge3A_914 = arith.cmpi sge, %add3A_911, %add3A_642 : i32
          %convert_element_type3A_915 = arith.extui %ge3A_914 : i1 to i32
          %add3A_916 = arith.addi %convert_element_type3A_913, %convert_element_type3A_915 : i32
          %lt3A_917 = arith.cmpi slt, %add3A_911, %shift_right_logical3A_30 : i32
          %mul3A_918 = arith.constant 128 : i32
          %mul3A_919 = arith.muli %add3A_911, %mul3A_918 : i32
          %lt3A_920 = arith.cmpi slt, %add3A_911, %add3A_642 : i32
          %sub3A_921 = arith.subi %add3A_911, %shift_right_logical3A_30 : i32
          %mul3A_922 = arith.constant 128 : i32
          %mul3A_923 = arith.muli %sub3A_921, %mul3A_922 : i32
          %add3A_924 = arith.constant 1152 : i32
          %add3A_925 = arith.addi %add3A_924, %mul3A_923 : i32
          %sub3A_926 = arith.subi %add3A_911, %add3A_642 : i32
          %mul3A_927 = arith.constant 128 : i32
          %mul3A_928 = arith.muli %sub3A_926, %mul3A_927 : i32
          %add3A_929 = arith.constant 2304 : i32
          %add3A_930 = arith.addi %add3A_929, %mul3A_928 : i32
          %select_n3A_931 = arith.select %lt3A_920, %add3A_925, %add3A_930 : i32
          %select_n3A_932 = arith.select %lt3A_917, %mul3A_919, %select_n3A_931 : i32
          %eq3A_933 = arith.constant 0 : i32
          %eq3A_934 = arith.cmpi eq, %add3A_916, %eq3A_933 : i32
          %convert_element_type3A_935 = arith.extui %eq3A_934 : i1 to i32
          %cond3A_936 = arith.constant 0 : i32
          %cond3A_937 = arith.cmpi ne, %convert_element_type3A_935, %cond3A_936 : i32
          scf.if %cond3A_937 {
            %dma_start3A_948 = arith.constant 0 : i32
            %dma_start3A_949 = arith.constant 0 : i32
            %dma_start3A_950 = arith.constant 0 : i32
            %dma_start3A_951 = tpu.memref_slice %arg14[%dma_start3A_948, %dma_start3A_949, %dma_start3A_950] : memref<2x128x128xf32, #tpu.memory_space<vmem>> -> memref<1x128x128xf32, #tpu.memory_space<vmem>>
            %dma_start3A_952 = tpu.memref_squeeze %dma_start3A_951 : memref<1x128x128xf32, #tpu.memory_space<vmem>> -> memref<128x128xf32, #tpu.memory_space<vmem>>
            %dma_start3A_953 = tpu.memref_slice %arg12[%select_n3A_932] : memref<3456xi32, #tpu.memory_space<vmem>> -> memref<128xi32, #tpu.memory_space<vmem>>
            %dma_start3A_954 = arith.constant 0 : i32
            %dma_start3A_955 = arith.constant 0 : i32
            %dma_start3A_956 = tpu.memref_slice %arg5[%dma_start3A_954, %dma_start3A_955] : memref<50000x128xf32, #tpu.memory_space<hbm>> -> memref<50000x128xf32, #tpu.memory_space<hbm>>
            tpu.enqueue_indirect_dma source(%dma_start3A_956 : memref<50000x128xf32, #tpu.memory_space<hbm>>) target(%dma_start3A_952 : memref<128x128xf32, #tpu.memory_space<vmem>>) offsets(%dma_start3A_953 : memref<128xi32, #tpu.memory_space<vmem>>) semaphore(%arg16 : memref<!tpu.dma_semaphore, #tpu.memory_space<semaphore_mem>>)
          } else {
          }
          %eq3A_938 = arith.constant 1 : i32
          %eq3A_939 = arith.cmpi eq, %add3A_916, %eq3A_938 : i32
          %convert_element_type3A_940 = arith.extui %eq3A_939 : i1 to i32
          %cond3A_941 = arith.constant 0 : i32
          %cond3A_942 = arith.cmpi ne, %convert_element_type3A_940, %cond3A_941 : i32
          scf.if %cond3A_942 {
            %dma_start3A_948 = arith.constant 0 : i32
            %dma_start3A_949 = arith.constant 0 : i32
            %dma_start3A_950 = arith.constant 0 : i32
            %dma_start3A_951 = tpu.memref_slice %arg14[%dma_start3A_948, %dma_start3A_949, %dma_start3A_950] : memref<2x128x128xf32, #tpu.memory_space<vmem>> -> memref<1x128x128xf32, #tpu.memory_space<vmem>>
            %dma_start3A_952 = tpu.memref_squeeze %dma_start3A_951 : memref<1x128x128xf32, #tpu.memory_space<vmem>> -> memref<128x128xf32, #tpu.memory_space<vmem>>
            %dma_start3A_953 = tpu.memref_slice %arg12[%select_n3A_932] : memref<3456xi32, #tpu.memory_space<vmem>> -> memref<128xi32, #tpu.memory_space<vmem>>
            %dma_start3A_954 = arith.constant 0 : i32
            %dma_start3A_955 = arith.constant 0 : i32
            %dma_start3A_956 = tpu.memref_slice %arg6[%dma_start3A_954, %dma_start3A_955] : memref<50000x128xf32, #tpu.memory_space<hbm>> -> memref<50000x128xf32, #tpu.memory_space<hbm>>
            tpu.enqueue_indirect_dma source(%dma_start3A_956 : memref<50000x128xf32, #tpu.memory_space<hbm>>) target(%dma_start3A_952 : memref<128x128xf32, #tpu.memory_space<vmem>>) offsets(%dma_start3A_953 : memref<128xi32, #tpu.memory_space<vmem>>) semaphore(%arg16 : memref<!tpu.dma_semaphore, #tpu.memory_space<semaphore_mem>>)
          } else {
          }
          %eq3A_943 = arith.constant 2 : i32
          %eq3A_944 = arith.cmpi eq, %add3A_916, %eq3A_943 : i32
          %convert_element_type3A_945 = arith.extui %eq3A_944 : i1 to i32
          %cond3A_946 = arith.constant 0 : i32
          %cond3A_947 = arith.cmpi ne, %convert_element_type3A_945, %cond3A_946 : i32
          scf.if %cond3A_947 {
            %dma_start3A_948 = arith.constant 0 : i32
            %dma_start3A_949 = arith.constant 0 : i32
            %dma_start3A_950 = arith.constant 0 : i32
            %dma_start3A_951 = tpu.memref_slice %arg14[%dma_start3A_948, %dma_start3A_949, %dma_start3A_950] : memref<2x128x128xf32, #tpu.memory_space<vmem>> -> memref<1x128x128xf32, #tpu.memory_space<vmem>>
            %dma_start3A_952 = tpu.memref_squeeze %dma_start3A_951 : memref<1x128x128xf32, #tpu.memory_space<vmem>> -> memref<128x128xf32, #tpu.memory_space<vmem>>
            %dma_start3A_953 = tpu.memref_slice %arg12[%select_n3A_932] : memref<3456xi32, #tpu.memory_space<vmem>> -> memref<128xi32, #tpu.memory_space<vmem>>
            %dma_start3A_954 = arith.constant 0 : i32
            %dma_start3A_955 = arith.constant 0 : i32
            %dma_start3A_956 = tpu.memref_slice %arg7[%dma_start3A_954, %dma_start3A_955] : memref<50000x128xf32, #tpu.memory_space<hbm>> -> memref<50000x128xf32, #tpu.memory_space<hbm>>
            tpu.enqueue_indirect_dma source(%dma_start3A_956 : memref<50000x128xf32, #tpu.memory_space<hbm>>) target(%dma_start3A_952 : memref<128x128xf32, #tpu.memory_space<vmem>>) offsets(%dma_start3A_953 : memref<128xi32, #tpu.memory_space<vmem>>) semaphore(%arg16 : memref<!tpu.dma_semaphore, #tpu.memory_space<semaphore_mem>>)
          } else {
          }
        } else {
        }
        %broadcast_in_dim3A_753 = vector.broadcast %and3A_703 : i32 to vector<16xi32>
        %add3A_754 = arith.constant 0 : i32
        %add3A_755 = arith.addi %select_n3A_724, %add3A_754 : i32
        %get3A = arith.index_cast %add3A_755 : i32 to index
        %get3A_756 = tpu.vector_load %arg13[%get3A] {strides = array<i32>} : memref<3456xi32, #tpu.memory_space<vmem>>, vector<16xi32>,
        %add3A_757 = arith.constant 0 : i32
        %add3A_758 = vector.broadcast %add3A_757 : i32 to vector<16xi32>
        %add3A_759 = arith.addi %add3A_758, %iota3A : vector<16xi32>
        %and3A_760 = arith.constant 1 : i32
        %and3A_761 = vector.broadcast %and3A_760 : i32 to vector<16xi32>
        %and3A_762 = arith.andi %get3A_756, %and3A_761 : vector<16xi32>
        %mul3A_763 = arith.constant 64 : i32
        %mul3A_764 = vector.broadcast %mul3A_763 : i32 to vector<16xi32>
        %mul3A_765 = arith.muli %and3A_762, %mul3A_764 : vector<16xi32>
        %shift_right_logical3A_766 = arith.constant 1 : i32
        %shift_right_logical3A_767 = vector.broadcast %shift_right_logical3A_766 : i32 to vector<16xi32>
        %shift_right_logical3A_768 = arith.shrui %get3A_756, %shift_right_logical3A_767 : vector<16xi32>
        %mul3A_769 = arith.constant 64 : i32
        %mul3A_770 = vector.broadcast %mul3A_769 : i32 to vector<16xi32>
        %mul3A_771 = arith.muli %shift_right_logical3A_768, %mul3A_770 : vector<16xi32>
        %add3A_772 = arith.constant 16 : i32
        %add3A_773 = arith.addi %select_n3A_724, %add3A_772 : i32
        %get3A_774 = arith.index_cast %add3A_773 : i32 to index
        %get3A_775 = tpu.vector_load %arg13[%get3A_774] {strides = array<i32>} : memref<3456xi32, #tpu.memory_space<vmem>>, vector<16xi32>,
        %add3A_776 = arith.constant 16 : i32
        %add3A_777 = vector.broadcast %add3A_776 : i32 to vector<16xi32>
        %add3A_778 = arith.addi %add3A_777, %iota3A : vector<16xi32>
        %and3A_779 = arith.constant 1 : i32
        %and3A_780 = vector.broadcast %and3A_779 : i32 to vector<16xi32>
        %and3A_781 = arith.andi %get3A_775, %and3A_780 : vector<16xi32>
        %mul3A_782 = arith.constant 64 : i32
        %mul3A_783 = vector.broadcast %mul3A_782 : i32 to vector<16xi32>
        %mul3A_784 = arith.muli %and3A_781, %mul3A_783 : vector<16xi32>
        %shift_right_logical3A_785 = arith.constant 1 : i32
        %shift_right_logical3A_786 = vector.broadcast %shift_right_logical3A_785 : i32 to vector<16xi32>
        %shift_right_logical3A_787 = arith.shrui %get3A_775, %shift_right_logical3A_786 : vector<16xi32>
        %mul3A_788 = arith.constant 64 : i32
        %mul3A_789 = vector.broadcast %mul3A_788 : i32 to vector<16xi32>
        %mul3A_790 = arith.muli %shift_right_logical3A_787, %mul3A_789 : vector<16xi32>
        %add3A_791 = arith.constant 32 : i32
        %add3A_792 = arith.addi %select_n3A_724, %add3A_791 : i32
        %get3A_793 = arith.index_cast %add3A_792 : i32 to index
        %get3A_794 = tpu.vector_load %arg13[%get3A_793] {strides = array<i32>} : memref<3456xi32, #tpu.memory_space<vmem>>, vector<16xi32>,
        %add3A_795 = arith.constant 32 : i32
        %add3A_796 = vector.broadcast %add3A_795 : i32 to vector<16xi32>
        %add3A_797 = arith.addi %add3A_796, %iota3A : vector<16xi32>
        %and3A_798 = arith.constant 1 : i32
        %and3A_799 = vector.broadcast %and3A_798 : i32 to vector<16xi32>
        %and3A_800 = arith.andi %get3A_794, %and3A_799 : vector<16xi32>
        %mul3A_801 = arith.constant 64 : i32
        %mul3A_802 = vector.broadcast %mul3A_801 : i32 to vector<16xi32>
        %mul3A_803 = arith.muli %and3A_800, %mul3A_802 : vector<16xi32>
        %shift_right_logical3A_804 = arith.constant 1 : i32
        %shift_right_logical3A_805 = vector.broadcast %shift_right_logical3A_804 : i32 to vector<16xi32>
        %shift_right_logical3A_806 = arith.shrui %get3A_794, %shift_right_logical3A_805 : vector<16xi32>
        %mul3A_807 = arith.constant 64 : i32
        %mul3A_808 = vector.broadcast %mul3A_807 : i32 to vector<16xi32>
        %mul3A_809 = arith.muli %shift_right_logical3A_806, %mul3A_808 : vector<16xi32>
        %add3A_810 = arith.constant 48 : i32
        %add3A_811 = arith.addi %select_n3A_724, %add3A_810 : i32
        %get3A_812 = arith.index_cast %add3A_811 : i32 to index
        %get3A_813 = tpu.vector_load %arg13[%get3A_812] {strides = array<i32>} : memref<3456xi32, #tpu.memory_space<vmem>>, vector<16xi32>,
        %add3A_814 = arith.constant 48 : i32
        %add3A_815 = vector.broadcast %add3A_814 : i32 to vector<16xi32>
        %add3A_816 = arith.addi %add3A_815, %iota3A : vector<16xi32>
        %and3A_817 = arith.constant 1 : i32
        %and3A_818 = vector.broadcast %and3A_817 : i32 to vector<16xi32>
        %and3A_819 = arith.andi %get3A_813, %and3A_818 : vector<16xi32>
        %mul3A_820 = arith.constant 64 : i32
        %mul3A_821 = vector.broadcast %mul3A_820 : i32 to vector<16xi32>
        %mul3A_822 = arith.muli %and3A_819, %mul3A_821 : vector<16xi32>
        %shift_right_logical3A_823 = arith.constant 1 : i32
        %shift_right_logical3A_824 = vector.broadcast %shift_right_logical3A_823 : i32 to vector<16xi32>
        %shift_right_logical3A_825 = arith.shrui %get3A_813, %shift_right_logical3A_824 : vector<16xi32>
        %mul3A_826 = arith.constant 64 : i32
        %mul3A_827 = vector.broadcast %mul3A_826 : i32 to vector<16xi32>
        %mul3A_828 = arith.muli %shift_right_logical3A_825, %mul3A_827 : vector<16xi32>
        %add3A_829 = arith.constant 64 : i32
        %add3A_830 = arith.addi %select_n3A_724, %add3A_829 : i32
        %get3A_831 = arith.index_cast %add3A_830 : i32 to index
        %get3A_832 = tpu.vector_load %arg13[%get3A_831] {strides = array<i32>} : memref<3456xi32, #tpu.memory_space<vmem>>, vector<16xi32>,
        %add3A_833 = arith.constant 64 : i32
        %add3A_834 = vector.broadcast %add3A_833 : i32 to vector<16xi32>
        %add3A_835 = arith.addi %add3A_834, %iota3A : vector<16xi32>
        %and3A_836 = arith.constant 1 : i32
        %and3A_837 = vector.broadcast %and3A_836 : i32 to vector<16xi32>
        %and3A_838 = arith.andi %get3A_832, %and3A_837 : vector<16xi32>
        %mul3A_839 = arith.constant 64 : i32
        %mul3A_840 = vector.broadcast %mul3A_839 : i32 to vector<16xi32>
        %mul3A_841 = arith.muli %and3A_838, %mul3A_840 : vector<16xi32>
        %shift_right_logical3A_842 = arith.constant 1 : i32
        %shift_right_logical3A_843 = vector.broadcast %shift_right_logical3A_842 : i32 to vector<16xi32>
        %shift_right_logical3A_844 = arith.shrui %get3A_832, %shift_right_logical3A_843 : vector<16xi32>
        %mul3A_845 = arith.constant 64 : i32
        %mul3A_846 = vector.broadcast %mul3A_845 : i32 to vector<16xi32>
        %mul3A_847 = arith.muli %shift_right_logical3A_844, %mul3A_846 : vector<16xi32>
        %add3A_848 = arith.constant 80 : i32
        %add3A_849 = arith.addi %select_n3A_724, %add3A_848 : i32
        %get3A_850 = arith.index_cast %add3A_849 : i32 to index
        %get3A_851 = tpu.vector_load %arg13[%get3A_850] {strides = array<i32>} : memref<3456xi32, #tpu.memory_space<vmem>>, vector<16xi32>,
        %add3A_852 = arith.constant 80 : i32
        %add3A_853 = vector.broadcast %add3A_852 : i32 to vector<16xi32>
        %add3A_854 = arith.addi %add3A_853, %iota3A : vector<16xi32>
        %and3A_855 = arith.constant 1 : i32
        %and3A_856 = vector.broadcast %and3A_855 : i32 to vector<16xi32>
        %and3A_857 = arith.andi %get3A_851, %and3A_856 : vector<16xi32>
        %mul3A_858 = arith.constant 64 : i32
        %mul3A_859 = vector.broadcast %mul3A_858 : i32 to vector<16xi32>
        %mul3A_860 = arith.muli %and3A_857, %mul3A_859 : vector<16xi32>
        %shift_right_logical3A_861 = arith.constant 1 : i32
        %shift_right_logical3A_862 = vector.broadcast %shift_right_logical3A_861 : i32 to vector<16xi32>
        %shift_right_logical3A_863 = arith.shrui %get3A_851, %shift_right_logical3A_862 : vector<16xi32>
        %mul3A_864 = arith.constant 64 : i32
        %mul3A_865 = vector.broadcast %mul3A_864 : i32 to vector<16xi32>
        %mul3A_866 = arith.muli %shift_right_logical3A_863, %mul3A_865 : vector<16xi32>
        %add3A_867 = arith.constant 96 : i32
        %add3A_868 = arith.addi %select_n3A_724, %add3A_867 : i32
        %get3A_869 = arith.index_cast %add3A_868 : i32 to index
        %get3A_870 = tpu.vector_load %arg13[%get3A_869] {strides = array<i32>} : memref<3456xi32, #tpu.memory_space<vmem>>, vector<16xi32>,
        %add3A_871 = arith.constant 96 : i32
        %add3A_872 = vector.broadcast %add3A_871 : i32 to vector<16xi32>
        %add3A_873 = arith.addi %add3A_872, %iota3A : vector<16xi32>
        %and3A_874 = arith.constant 1 : i32
        %and3A_875 = vector.broadcast %and3A_874 : i32 to vector<16xi32>
        %and3A_876 = arith.andi %get3A_870, %and3A_875 : vector<16xi32>
        %mul3A_877 = arith.constant 64 : i32
        %mul3A_878 = vector.broadcast %mul3A_877 : i32 to vector<16xi32>
        %mul3A_879 = arith.muli %and3A_876, %mul3A_878 : vector<16xi32>
        %shift_right_logical3A_880 = arith.constant 1 : i32
        %shift_right_logical3A_881 = vector.broadcast %shift_right_logical3A_880 : i32 to vector<16xi32>
        %shift_right_logical3A_882 = arith.shrui %get3A_870, %shift_right_logical3A_881 : vector<16xi32>
        %mul3A_883 = arith.constant 64 : i32
        %mul3A_884 = vector.broadcast %mul3A_883 : i32 to vector<16xi32>
        %mul3A_885 = arith.muli %shift_right_logical3A_882, %mul3A_884 : vector<16xi32>
        %add3A_886 = arith.constant 112 : i32
        %add3A_887 = arith.addi %select_n3A_724, %add3A_886 : i32
        %get3A_888 = arith.index_cast %add3A_887 : i32 to index
        %get3A_889 = tpu.vector_load %arg13[%get3A_888] {strides = array<i32>} : memref<3456xi32, #tpu.memory_space<vmem>>, vector<16xi32>,
        %add3A_890 = arith.constant 112 : i32
        %add3A_891 = vector.broadcast %add3A_890 : i32 to vector<16xi32>
        %add3A_892 = arith.addi %add3A_891, %iota3A : vector<16xi32>
        %and3A_893 = arith.constant 1 : i32
        %and3A_894 = vector.broadcast %and3A_893 : i32 to vector<16xi32>
        %and3A_895 = arith.andi %get3A_889, %and3A_894 : vector<16xi32>
        %mul3A_896 = arith.constant 64 : i32
        %mul3A_897 = vector.broadcast %mul3A_896 : i32 to vector<16xi32>
        %mul3A_898 = arith.muli %and3A_895, %mul3A_897 : vector<16xi32>
        %shift_right_logical3A_899 = arith.constant 1 : i32
        %shift_right_logical3A_900 = vector.broadcast %shift_right_logical3A_899 : i32 to vector<16xi32>
        %shift_right_logical3A_901 = arith.shrui %get3A_889, %shift_right_logical3A_900 : vector<16xi32>
        %mul3A_902 = arith.constant 64 : i32
        %mul3A_903 = vector.broadcast %mul3A_902 : i32 to vector<16xi32>
        %mul3A_904 = arith.muli %shift_right_logical3A_901, %mul3A_903 : vector<16xi32>
        %mul3A_905 = arith.constant 64 : i32
        %mul3A_906 = arith.muli %add3A_708, %mul3A_905 : i32
        %parallel_loop3A_907 = arith.constant 0 : i32
        %parallel_loop3A_908 = arith.constant 64 : i32
        %parallel_loop3A_909 = arith.constant 1 : i32
        scf.for %parallel_loop3A_910 = %parallel_loop3A_907 to %parallel_loop3A_908 step %parallel_loop3A_909  : i32 {
          %parallel_loop3A_911 = vector.broadcast %parallel_loop3A_910 : i32 to vector<16xi32>
          %parallel_loop3A_912 = arith.addi %parallel_loop3A_911, %iota3A : vector<16xi32>
          %parallel_loop3A_913 = arith.constant 63 : i32
          %parallel_loop3A_914 = vector.broadcast %parallel_loop3A_913 : i32 to vector<16xi32>
          %parallel_loop3A_915 = arith.andi %parallel_loop3A_912, %parallel_loop3A_914 : vector<16xi32>
          %parallel_loop3A_916 = vector.broadcast %mul3A_906 : i32 to vector<16xi32>
          %parallel_loop3A_917 = arith.addi %parallel_loop3A_916, %parallel_loop3A_915 : vector<16xi32>
          %parallel_loop3A_918 = tpu.vector_load_idx %arg11[%parallel_loop3A_917] : memref<192xf32, #tpu.memory_space<vmem>>[vector<16xi32>], vector<16xf32>,
          %parallel_loop3A_919 = arith.addi %mul3A_765, %parallel_loop3A_915 : vector<16xi32>
          %parallel_loop3A_920 = tpu.vector_load_idx %arg14[%broadcast_in_dim3A_753, %add3A_759, %parallel_loop3A_919] : memref<2x128x128xf32, #tpu.memory_space<vmem>>[vector<16xi32>, vector<16xi32>, vector<16xi32>], vector<16xf32>,
          %parallel_loop3A_921 = arith.addi %mul3A_771, %parallel_loop3A_915 : vector<16xi32>
          %parallel_loop3A_922 = arith.addf %parallel_loop3A_920, %parallel_loop3A_918 : vector<16xf32>
          tpu.vector_store_idx %arg15[%parallel_loop3A_921], %parallel_loop3A_922 : memref<65600xf32, #tpu.memory_space<vmem>>[vector<16xi32>], vector<16xf32>,
          %parallel_loop3A_923 = arith.addi %mul3A_784, %parallel_loop3A_915 : vector<16xi32>
          %parallel_loop3A_924 = tpu.vector_load_idx %arg14[%broadcast_in_dim3A_753, %add3A_778, %parallel_loop3A_923] : memref<2x128x128xf32, #tpu.memory_space<vmem>>[vector<16xi32>, vector<16xi32>, vector<16xi32>], vector<16xf32>,
          %parallel_loop3A_925 = arith.addi %mul3A_790, %parallel_loop3A_915 : vector<16xi32>
          %parallel_loop3A_926 = arith.addf %parallel_loop3A_924, %parallel_loop3A_918 : vector<16xf32>
          tpu.vector_store_idx %arg15[%parallel_loop3A_925], %parallel_loop3A_926 : memref<65600xf32, #tpu.memory_space<vmem>>[vector<16xi32>], vector<16xf32>,
          %parallel_loop3A_927 = arith.addi %mul3A_803, %parallel_loop3A_915 : vector<16xi32>
          %parallel_loop3A_928 = tpu.vector_load_idx %arg14[%broadcast_in_dim3A_753, %add3A_797, %parallel_loop3A_927] : memref<2x128x128xf32, #tpu.memory_space<vmem>>[vector<16xi32>, vector<16xi32>, vector<16xi32>], vector<16xf32>,
          %parallel_loop3A_929 = arith.addi %mul3A_809, %parallel_loop3A_915 : vector<16xi32>
          %parallel_loop3A_930 = arith.addf %parallel_loop3A_928, %parallel_loop3A_918 : vector<16xf32>
          tpu.vector_store_idx %arg15[%parallel_loop3A_929], %parallel_loop3A_930 : memref<65600xf32, #tpu.memory_space<vmem>>[vector<16xi32>], vector<16xf32>,
          %parallel_loop3A_931 = arith.addi %mul3A_822, %parallel_loop3A_915 : vector<16xi32>
          %parallel_loop3A_932 = tpu.vector_load_idx %arg14[%broadcast_in_dim3A_753, %add3A_816, %parallel_loop3A_931] : memref<2x128x128xf32, #tpu.memory_space<vmem>>[vector<16xi32>, vector<16xi32>, vector<16xi32>], vector<16xf32>,
          %parallel_loop3A_933 = arith.addi %mul3A_828, %parallel_loop3A_915 : vector<16xi32>
          %parallel_loop3A_934 = arith.addf %parallel_loop3A_932, %parallel_loop3A_918 : vector<16xf32>
          tpu.vector_store_idx %arg15[%parallel_loop3A_933], %parallel_loop3A_934 : memref<65600xf32, #tpu.memory_space<vmem>>[vector<16xi32>], vector<16xf32>,
          %parallel_loop3A_935 = arith.addi %mul3A_841, %parallel_loop3A_915 : vector<16xi32>
          %parallel_loop3A_936 = tpu.vector_load_idx %arg14[%broadcast_in_dim3A_753, %add3A_835, %parallel_loop3A_935] : memref<2x128x128xf32, #tpu.memory_space<vmem>>[vector<16xi32>, vector<16xi32>, vector<16xi32>], vector<16xf32>,
          %parallel_loop3A_937 = arith.addi %mul3A_847, %parallel_loop3A_915 : vector<16xi32>
          %parallel_loop3A_938 = arith.addf %parallel_loop3A_936, %parallel_loop3A_918 : vector<16xf32>
          tpu.vector_store_idx %arg15[%parallel_loop3A_937], %parallel_loop3A_938 : memref<65600xf32, #tpu.memory_space<vmem>>[vector<16xi32>], vector<16xf32>,
          %parallel_loop3A_939 = arith.addi %mul3A_860, %parallel_loop3A_915 : vector<16xi32>
          %parallel_loop3A_940 = tpu.vector_load_idx %arg14[%broadcast_in_dim3A_753, %add3A_854, %parallel_loop3A_939] : memref<2x128x128xf32, #tpu.memory_space<vmem>>[vector<16xi32>, vector<16xi32>, vector<16xi32>], vector<16xf32>,
          %parallel_loop3A_941 = arith.addi %mul3A_866, %parallel_loop3A_915 : vector<16xi32>
          %parallel_loop3A_942 = arith.addf %parallel_loop3A_940, %parallel_loop3A_918 : vector<16xf32>
          tpu.vector_store_idx %arg15[%parallel_loop3A_941], %parallel_loop3A_942 : memref<65600xf32, #tpu.memory_space<vmem>>[vector<16xi32>], vector<16xf32>,
          %parallel_loop3A_943 = arith.addi %mul3A_879, %parallel_loop3A_915 : vector<16xi32>
          %parallel_loop3A_944 = tpu.vector_load_idx %arg14[%broadcast_in_dim3A_753, %add3A_873, %parallel_loop3A_943] : memref<2x128x128xf32, #tpu.memory_space<vmem>>[vector<16xi32>, vector<16xi32>, vector<16xi32>], vector<16xf32>,
          %parallel_loop3A_945 = arith.addi %mul3A_885, %parallel_loop3A_915 : vector<16xi32>
          %parallel_loop3A_946 = arith.addf %parallel_loop3A_944, %parallel_loop3A_918 : vector<16xf32>
          tpu.vector_store_idx %arg15[%parallel_loop3A_945], %parallel_loop3A_946 : memref<65600xf32, #tpu.memory_space<vmem>>[vector<16xi32>], vector<16xf32>,
          %parallel_loop3A_947 = arith.addi %mul3A_898, %parallel_loop3A_915 : vector<16xi32>
          %parallel_loop3A_948 = tpu.vector_load_idx %arg14[%broadcast_in_dim3A_753, %add3A_892, %parallel_loop3A_947] : memref<2x128x128xf32, #tpu.memory_space<vmem>>[vector<16xi32>, vector<16xi32>, vector<16xi32>], vector<16xf32>,
          %parallel_loop3A_949 = arith.addi %mul3A_904, %parallel_loop3A_915 : vector<16xi32>
          %parallel_loop3A_950 = arith.addf %parallel_loop3A_948, %parallel_loop3A_918 : vector<16xf32>
          tpu.vector_store_idx %arg15[%parallel_loop3A_949], %parallel_loop3A_950 : memref<65600xf32, #tpu.memory_space<vmem>>[vector<16xi32>], vector<16xf32>,
        } {sc.loop_unroll_factor = 2 : i64, sc.parallel_access}
      }
      %while3A_693 = arith.constant 1 : i32
      scf.for %while3A_701 = %while3A_691 to %while3A_687 step %while3A_693  : i32 {
        %and3A_702 = arith.constant 1 : i32
        %and3A_703 = arith.andi %while3A_701, %and3A_702 : i32
        %ge3A_704 = arith.cmpi sge, %while3A_701, %shift_right_logical3A_30 : i32
        %convert_element_type3A_705 = arith.extui %ge3A_704 : i1 to i32
        %ge3A_706 = arith.cmpi sge, %while3A_701, %add3A_642 : i32
        %convert_element_type3A_707 = arith.extui %ge3A_706 : i1 to i32
        %add3A_708 = arith.addi %convert_element_type3A_705, %convert_element_type3A_707 : i32
        %lt3A_709 = arith.cmpi slt, %while3A_701, %shift_right_logical3A_30 : i32
        %mul3A_710 = arith.constant 128 : i32
        %mul3A_711 = arith.muli %while3A_701, %mul3A_710 : i32
        %lt3A_712 = arith.cmpi slt, %while3A_701, %add3A_642 : i32
        %sub3A_713 = arith.subi %while3A_701, %shift_right_logical3A_30 : i32
        %mul3A_714 = arith.constant 128 : i32
        %mul3A_715 = arith.muli %sub3A_713, %mul3A_714 : i32
        %add3A_716 = arith.constant 1152 : i32
        %add3A_717 = arith.addi %add3A_716, %mul3A_715 : i32
        %sub3A_718 = arith.subi %while3A_701, %add3A_642 : i32
        %mul3A_719 = arith.constant 128 : i32
        %mul3A_720 = arith.muli %sub3A_718, %mul3A_719 : i32
        %add3A_721 = arith.constant 2304 : i32
        %add3A_722 = arith.addi %add3A_721, %mul3A_720 : i32
        %select_n3A_723 = arith.select %lt3A_712, %add3A_717, %add3A_722 : i32
        %select_n3A_724 = arith.select %lt3A_709, %mul3A_711, %select_n3A_723 : i32
        %eq3A_725 = arith.constant 0 : i32
        %eq3A_726 = arith.cmpi eq, %and3A_703, %eq3A_725 : i32
        %convert_element_type3A_727 = arith.extui %eq3A_726 : i1 to i32
        %cond3A_728 = arith.constant 0 : i32
        %cond3A_729 = arith.cmpi ne, %convert_element_type3A_727, %cond3A_728 : i32
        scf.if %cond3A_729 {
          %dma_wait3A_910 = arith.constant 0 : i32
          %dma_wait3A_911 = arith.constant 0 : i32
          %dma_wait3A_912 = arith.constant 0 : i32
          %dma_wait3A_913 = tpu.memref_slice %arg14[%dma_wait3A_910, %dma_wait3A_911, %dma_wait3A_912] : memref<2x128x128xf32, #tpu.memory_space<vmem>> -> memref<1x128x128xf32, #tpu.memory_space<vmem>>
          %dma_wait3A_914 = tpu.memref_squeeze %dma_wait3A_913 : memref<1x128x128xf32, #tpu.memory_space<vmem>> -> memref<128x128xf32, #tpu.memory_space<vmem>>
          %dma_wait3A_915 = arith.constant 0 : i32
          %dma_wait3A_916 = tpu.memref_slice %arg12[%dma_wait3A_915] : memref<3456xi32, #tpu.memory_space<vmem>> -> memref<128xi32, #tpu.memory_space<vmem>>
          %dma_wait3A_917 = arith.constant 0 : i32
          %dma_wait3A_918 = arith.constant 0 : i32
          %dma_wait3A_919 = tpu.memref_slice %arg5[%dma_wait3A_917, %dma_wait3A_918] : memref<50000x128xf32, #tpu.memory_space<hbm>> -> memref<50000x128xf32, #tpu.memory_space<hbm>>
          tpu.wait_indirect_dma semaphore(%arg16 : memref<!tpu.dma_semaphore, #tpu.memory_space<semaphore_mem>>) src(%dma_wait3A_919 : memref<50000x128xf32, #tpu.memory_space<hbm>>) dst(%dma_wait3A_914 : memref<128x128xf32, #tpu.memory_space<vmem>>)
        } else {
        }
        %add3A_730 = arith.constant 1 : i32
        %add3A_731 = arith.addi %while3A_701, %add3A_730 : i32
        %lt3A_732 = arith.cmpi slt, %add3A_731, %add3A_643 : i32
        %eq3A_733 = arith.constant 0 : i32
        %eq3A_734 = arith.cmpi eq, %and3A_703, %eq3A_733 : i32
        %and3A_735 = arith.andi %lt3A_732, %eq3A_734 : i1
        %convert_element_type3A_736 = arith.extui %and3A_735 : i1 to i32
        %cond3A_737 = arith.constant 0 : i32
        %cond3A_738 = arith.cmpi ne, %convert_element_type3A_736, %cond3A_737 : i32
        scf.if %cond3A_738 {
          %add3A_910 = arith.constant 1 : i32
          %add3A_911 = arith.addi %while3A_701, %add3A_910 : i32
          %ge3A_912 = arith.cmpi sge, %add3A_911, %shift_right_logical3A_30 : i32
          %convert_element_type3A_913 = arith.extui %ge3A_912 : i1 to i32
          %ge3A_914 = arith.cmpi sge, %add3A_911, %add3A_642 : i32
          %convert_element_type3A_915 = arith.extui %ge3A_914 : i1 to i32
          %add3A_916 = arith.addi %convert_element_type3A_913, %convert_element_type3A_915 : i32
          %lt3A_917 = arith.cmpi slt, %add3A_911, %shift_right_logical3A_30 : i32
          %mul3A_918 = arith.constant 128 : i32
          %mul3A_919 = arith.muli %add3A_911, %mul3A_918 : i32
          %lt3A_920 = arith.cmpi slt, %add3A_911, %add3A_642 : i32
          %sub3A_921 = arith.subi %add3A_911, %shift_right_logical3A_30 : i32
          %mul3A_922 = arith.constant 128 : i32
          %mul3A_923 = arith.muli %sub3A_921, %mul3A_922 : i32
          %add3A_924 = arith.constant 1152 : i32
          %add3A_925 = arith.addi %add3A_924, %mul3A_923 : i32
          %sub3A_926 = arith.subi %add3A_911, %add3A_642 : i32
          %mul3A_927 = arith.constant 128 : i32
          %mul3A_928 = arith.muli %sub3A_926, %mul3A_927 : i32
          %add3A_929 = arith.constant 2304 : i32
          %add3A_930 = arith.addi %add3A_929, %mul3A_928 : i32
          %select_n3A_931 = arith.select %lt3A_920, %add3A_925, %add3A_930 : i32
          %select_n3A_932 = arith.select %lt3A_917, %mul3A_919, %select_n3A_931 : i32
          %eq3A_933 = arith.constant 0 : i32
          %eq3A_934 = arith.cmpi eq, %add3A_916, %eq3A_933 : i32
          %convert_element_type3A_935 = arith.extui %eq3A_934 : i1 to i32
          %cond3A_936 = arith.constant 0 : i32
          %cond3A_937 = arith.cmpi ne, %convert_element_type3A_935, %cond3A_936 : i32
          scf.if %cond3A_937 {
            %dma_start3A_948 = arith.constant 1 : i32
            %dma_start3A_949 = arith.constant 0 : i32
            %dma_start3A_950 = arith.constant 0 : i32
            %dma_start3A_951 = tpu.memref_slice %arg14[%dma_start3A_948, %dma_start3A_949, %dma_start3A_950] : memref<2x128x128xf32, #tpu.memory_space<vmem>> -> memref<1x128x128xf32, #tpu.memory_space<vmem>>
            %dma_start3A_952 = tpu.memref_squeeze %dma_start3A_951 : memref<1x128x128xf32, #tpu.memory_space<vmem>> -> memref<128x128xf32, #tpu.memory_space<vmem>>
            %dma_start3A_953 = tpu.memref_slice %arg12[%select_n3A_932] : memref<3456xi32, #tpu.memory_space<vmem>> -> memref<128xi32, #tpu.memory_space<vmem>>
            %dma_start3A_954 = arith.constant 0 : i32
            %dma_start3A_955 = arith.constant 0 : i32
            %dma_start3A_956 = tpu.memref_slice %arg5[%dma_start3A_954, %dma_start3A_955] : memref<50000x128xf32, #tpu.memory_space<hbm>> -> memref<50000x128xf32, #tpu.memory_space<hbm>>
            tpu.enqueue_indirect_dma source(%dma_start3A_956 : memref<50000x128xf32, #tpu.memory_space<hbm>>) target(%dma_start3A_952 : memref<128x128xf32, #tpu.memory_space<vmem>>) offsets(%dma_start3A_953 : memref<128xi32, #tpu.memory_space<vmem>>) semaphore(%arg17 : memref<!tpu.dma_semaphore, #tpu.memory_space<semaphore_mem>>)
          } else {
          }
          %eq3A_938 = arith.constant 1 : i32
          %eq3A_939 = arith.cmpi eq, %add3A_916, %eq3A_938 : i32
          %convert_element_type3A_940 = arith.extui %eq3A_939 : i1 to i32
          %cond3A_941 = arith.constant 0 : i32
          %cond3A_942 = arith.cmpi ne, %convert_element_type3A_940, %cond3A_941 : i32
          scf.if %cond3A_942 {
            %dma_start3A_948 = arith.constant 1 : i32
            %dma_start3A_949 = arith.constant 0 : i32
            %dma_start3A_950 = arith.constant 0 : i32
            %dma_start3A_951 = tpu.memref_slice %arg14[%dma_start3A_948, %dma_start3A_949, %dma_start3A_950] : memref<2x128x128xf32, #tpu.memory_space<vmem>> -> memref<1x128x128xf32, #tpu.memory_space<vmem>>
            %dma_start3A_952 = tpu.memref_squeeze %dma_start3A_951 : memref<1x128x128xf32, #tpu.memory_space<vmem>> -> memref<128x128xf32, #tpu.memory_space<vmem>>
            %dma_start3A_953 = tpu.memref_slice %arg12[%select_n3A_932] : memref<3456xi32, #tpu.memory_space<vmem>> -> memref<128xi32, #tpu.memory_space<vmem>>
            %dma_start3A_954 = arith.constant 0 : i32
            %dma_start3A_955 = arith.constant 0 : i32
            %dma_start3A_956 = tpu.memref_slice %arg6[%dma_start3A_954, %dma_start3A_955] : memref<50000x128xf32, #tpu.memory_space<hbm>> -> memref<50000x128xf32, #tpu.memory_space<hbm>>
            tpu.enqueue_indirect_dma source(%dma_start3A_956 : memref<50000x128xf32, #tpu.memory_space<hbm>>) target(%dma_start3A_952 : memref<128x128xf32, #tpu.memory_space<vmem>>) offsets(%dma_start3A_953 : memref<128xi32, #tpu.memory_space<vmem>>) semaphore(%arg17 : memref<!tpu.dma_semaphore, #tpu.memory_space<semaphore_mem>>)
          } else {
          }
          %eq3A_943 = arith.constant 2 : i32
          %eq3A_944 = arith.cmpi eq, %add3A_916, %eq3A_943 : i32
          %convert_element_type3A_945 = arith.extui %eq3A_944 : i1 to i32
          %cond3A_946 = arith.constant 0 : i32
          %cond3A_947 = arith.cmpi ne, %convert_element_type3A_945, %cond3A_946 : i32
          scf.if %cond3A_947 {
            %dma_start3A_948 = arith.constant 1 : i32
            %dma_start3A_949 = arith.constant 0 : i32
            %dma_start3A_950 = arith.constant 0 : i32
            %dma_start3A_951 = tpu.memref_slice %arg14[%dma_start3A_948, %dma_start3A_949, %dma_start3A_950] : memref<2x128x128xf32, #tpu.memory_space<vmem>> -> memref<1x128x128xf32, #tpu.memory_space<vmem>>
            %dma_start3A_952 = tpu.memref_squeeze %dma_start3A_951 : memref<1x128x128xf32, #tpu.memory_space<vmem>> -> memref<128x128xf32, #tpu.memory_space<vmem>>
            %dma_start3A_953 = tpu.memref_slice %arg12[%select_n3A_932] : memref<3456xi32, #tpu.memory_space<vmem>> -> memref<128xi32, #tpu.memory_space<vmem>>
            %dma_start3A_954 = arith.constant 0 : i32
            %dma_start3A_955 = arith.constant 0 : i32
            %dma_start3A_956 = tpu.memref_slice %arg7[%dma_start3A_954, %dma_start3A_955] : memref<50000x128xf32, #tpu.memory_space<hbm>> -> memref<50000x128xf32, #tpu.memory_space<hbm>>
            tpu.enqueue_indirect_dma source(%dma_start3A_956 : memref<50000x128xf32, #tpu.memory_space<hbm>>) target(%dma_start3A_952 : memref<128x128xf32, #tpu.memory_space<vmem>>) offsets(%dma_start3A_953 : memref<128xi32, #tpu.memory_space<vmem>>) semaphore(%arg17 : memref<!tpu.dma_semaphore, #tpu.memory_space<semaphore_mem>>)
          } else {
          }
        } else {
        }
        %eq3A_739 = arith.constant 1 : i32
        %eq3A_740 = arith.cmpi eq, %and3A_703, %eq3A_739 : i32
        %convert_element_type3A_741 = arith.extui %eq3A_740 : i1 to i32
        %cond3A_742 = arith.constant 0 : i32
        %cond3A_743 = arith.cmpi ne, %convert_element_type3A_741, %cond3A_742 : i32
        scf.if %cond3A_743 {
          %dma_wait3A_910 = arith.constant 1 : i32
          %dma_wait3A_911 = arith.constant 0 : i32
          %dma_wait3A_912 = arith.constant 0 : i32
          %dma_wait3A_913 = tpu.memref_slice %arg14[%dma_wait3A_910, %dma_wait3A_911, %dma_wait3A_912] : memref<2x128x128xf32, #tpu.memory_space<vmem>> -> memref<1x128x128xf32, #tpu.memory_space<vmem>>
          %dma_wait3A_914 = tpu.memref_squeeze %dma_wait3A_913 : memref<1x128x128xf32, #tpu.memory_space<vmem>> -> memref<128x128xf32, #tpu.memory_space<vmem>>
          %dma_wait3A_915 = arith.constant 0 : i32
          %dma_wait3A_916 = tpu.memref_slice %arg12[%dma_wait3A_915] : memref<3456xi32, #tpu.memory_space<vmem>> -> memref<128xi32, #tpu.memory_space<vmem>>
          %dma_wait3A_917 = arith.constant 0 : i32
          %dma_wait3A_918 = arith.constant 0 : i32
          %dma_wait3A_919 = tpu.memref_slice %arg5[%dma_wait3A_917, %dma_wait3A_918] : memref<50000x128xf32, #tpu.memory_space<hbm>> -> memref<50000x128xf32, #tpu.memory_space<hbm>>
          tpu.wait_indirect_dma semaphore(%arg17 : memref<!tpu.dma_semaphore, #tpu.memory_space<semaphore_mem>>) src(%dma_wait3A_919 : memref<50000x128xf32, #tpu.memory_space<hbm>>) dst(%dma_wait3A_914 : memref<128x128xf32, #tpu.memory_space<vmem>>)
        } else {
        }
        %add3A_744 = arith.constant 1 : i32
        %add3A_745 = arith.addi %while3A_701, %add3A_744 : i32
        %lt3A_746 = arith.cmpi slt, %add3A_745, %add3A_643 : i32
        %eq3A_747 = arith.constant 1 : i32
        %eq3A_748 = arith.cmpi eq, %and3A_703, %eq3A_747 : i32
        %and3A_749 = arith.andi %lt3A_746, %eq3A_748 : i1
        %convert_element_type3A_750 = arith.extui %and3A_749 : i1 to i32
        %cond3A_751 = arith.constant 0 : i32
        %cond3A_752 = arith.cmpi ne, %convert_element_type3A_750, %cond3A_751 : i32
        scf.if %cond3A_752 {
          %add3A_910 = arith.constant 1 : i32
          %add3A_911 = arith.addi %while3A_701, %add3A_910 : i32
          %ge3A_912 = arith.cmpi sge, %add3A_911, %shift_right_logical3A_30 : i32
          %convert_element_type3A_913 = arith.extui %ge3A_912 : i1 to i32
          %ge3A_914 = arith.cmpi sge, %add3A_911, %add3A_642 : i32
          %convert_element_type3A_915 = arith.extui %ge3A_914 : i1 to i32
          %add3A_916 = arith.addi %convert_element_type3A_913, %convert_element_type3A_915 : i32
          %lt3A_917 = arith.cmpi slt, %add3A_911, %shift_right_logical3A_30 : i32
          %mul3A_918 = arith.constant 128 : i32
          %mul3A_919 = arith.muli %add3A_911, %mul3A_918 : i32
          %lt3A_920 = arith.cmpi slt, %add3A_911, %add3A_642 : i32
          %sub3A_921 = arith.subi %add3A_911, %shift_right_logical3A_30 : i32
          %mul3A_922 = arith.constant 128 : i32
          %mul3A_923 = arith.muli %sub3A_921, %mul3A_922 : i32
          %add3A_924 = arith.constant 1152 : i32
          %add3A_925 = arith.addi %add3A_924, %mul3A_923 : i32
          %sub3A_926 = arith.subi %add3A_911, %add3A_642 : i32
          %mul3A_927 = arith.constant 128 : i32
          %mul3A_928 = arith.muli %sub3A_926, %mul3A_927 : i32
          %add3A_929 = arith.constant 2304 : i32
          %add3A_930 = arith.addi %add3A_929, %mul3A_928 : i32
          %select_n3A_931 = arith.select %lt3A_920, %add3A_925, %add3A_930 : i32
          %select_n3A_932 = arith.select %lt3A_917, %mul3A_919, %select_n3A_931 : i32
          %eq3A_933 = arith.constant 0 : i32
          %eq3A_934 = arith.cmpi eq, %add3A_916, %eq3A_933 : i32
          %convert_element_type3A_935 = arith.extui %eq3A_934 : i1 to i32
          %cond3A_936 = arith.constant 0 : i32
          %cond3A_937 = arith.cmpi ne, %convert_element_type3A_935, %cond3A_936 : i32
          scf.if %cond3A_937 {
            %dma_start3A_948 = arith.constant 0 : i32
            %dma_start3A_949 = arith.constant 0 : i32
            %dma_start3A_950 = arith.constant 0 : i32
            %dma_start3A_951 = tpu.memref_slice %arg14[%dma_start3A_948, %dma_start3A_949, %dma_start3A_950] : memref<2x128x128xf32, #tpu.memory_space<vmem>> -> memref<1x128x128xf32, #tpu.memory_space<vmem>>
            %dma_start3A_952 = tpu.memref_squeeze %dma_start3A_951 : memref<1x128x128xf32, #tpu.memory_space<vmem>> -> memref<128x128xf32, #tpu.memory_space<vmem>>
            %dma_start3A_953 = tpu.memref_slice %arg12[%select_n3A_932] : memref<3456xi32, #tpu.memory_space<vmem>> -> memref<128xi32, #tpu.memory_space<vmem>>
            %dma_start3A_954 = arith.constant 0 : i32
            %dma_start3A_955 = arith.constant 0 : i32
            %dma_start3A_956 = tpu.memref_slice %arg5[%dma_start3A_954, %dma_start3A_955] : memref<50000x128xf32, #tpu.memory_space<hbm>> -> memref<50000x128xf32, #tpu.memory_space<hbm>>
            tpu.enqueue_indirect_dma source(%dma_start3A_956 : memref<50000x128xf32, #tpu.memory_space<hbm>>) target(%dma_start3A_952 : memref<128x128xf32, #tpu.memory_space<vmem>>) offsets(%dma_start3A_953 : memref<128xi32, #tpu.memory_space<vmem>>) semaphore(%arg16 : memref<!tpu.dma_semaphore, #tpu.memory_space<semaphore_mem>>)
          } else {
          }
          %eq3A_938 = arith.constant 1 : i32
          %eq3A_939 = arith.cmpi eq, %add3A_916, %eq3A_938 : i32
          %convert_element_type3A_940 = arith.extui %eq3A_939 : i1 to i32
          %cond3A_941 = arith.constant 0 : i32
          %cond3A_942 = arith.cmpi ne, %convert_element_type3A_940, %cond3A_941 : i32
          scf.if %cond3A_942 {
            %dma_start3A_948 = arith.constant 0 : i32
            %dma_start3A_949 = arith.constant 0 : i32
            %dma_start3A_950 = arith.constant 0 : i32
            %dma_start3A_951 = tpu.memref_slice %arg14[%dma_start3A_948, %dma_start3A_949, %dma_start3A_950] : memref<2x128x128xf32, #tpu.memory_space<vmem>> -> memref<1x128x128xf32, #tpu.memory_space<vmem>>
            %dma_start3A_952 = tpu.memref_squeeze %dma_start3A_951 : memref<1x128x128xf32, #tpu.memory_space<vmem>> -> memref<128x128xf32, #tpu.memory_space<vmem>>
            %dma_start3A_953 = tpu.memref_slice %arg12[%select_n3A_932] : memref<3456xi32, #tpu.memory_space<vmem>> -> memref<128xi32, #tpu.memory_space<vmem>>
            %dma_start3A_954 = arith.constant 0 : i32
            %dma_start3A_955 = arith.constant 0 : i32
            %dma_start3A_956 = tpu.memref_slice %arg6[%dma_start3A_954, %dma_start3A_955] : memref<50000x128xf32, #tpu.memory_space<hbm>> -> memref<50000x128xf32, #tpu.memory_space<hbm>>
            tpu.enqueue_indirect_dma source(%dma_start3A_956 : memref<50000x128xf32, #tpu.memory_space<hbm>>) target(%dma_start3A_952 : memref<128x128xf32, #tpu.memory_space<vmem>>) offsets(%dma_start3A_953 : memref<128xi32, #tpu.memory_space<vmem>>) semaphore(%arg16 : memref<!tpu.dma_semaphore, #tpu.memory_space<semaphore_mem>>)
          } else {
          }
          %eq3A_943 = arith.constant 2 : i32
          %eq3A_944 = arith.cmpi eq, %add3A_916, %eq3A_943 : i32
          %convert_element_type3A_945 = arith.extui %eq3A_944 : i1 to i32
          %cond3A_946 = arith.constant 0 : i32
          %cond3A_947 = arith.cmpi ne, %convert_element_type3A_945, %cond3A_946 : i32
          scf.if %cond3A_947 {
            %dma_start3A_948 = arith.constant 0 : i32
            %dma_start3A_949 = arith.constant 0 : i32
            %dma_start3A_950 = arith.constant 0 : i32
            %dma_start3A_951 = tpu.memref_slice %arg14[%dma_start3A_948, %dma_start3A_949, %dma_start3A_950] : memref<2x128x128xf32, #tpu.memory_space<vmem>> -> memref<1x128x128xf32, #tpu.memory_space<vmem>>
            %dma_start3A_952 = tpu.memref_squeeze %dma_start3A_951 : memref<1x128x128xf32, #tpu.memory_space<vmem>> -> memref<128x128xf32, #tpu.memory_space<vmem>>
            %dma_start3A_953 = tpu.memref_slice %arg12[%select_n3A_932] : memref<3456xi32, #tpu.memory_space<vmem>> -> memref<128xi32, #tpu.memory_space<vmem>>
            %dma_start3A_954 = arith.constant 0 : i32
            %dma_start3A_955 = arith.constant 0 : i32
            %dma_start3A_956 = tpu.memref_slice %arg7[%dma_start3A_954, %dma_start3A_955] : memref<50000x128xf32, #tpu.memory_space<hbm>> -> memref<50000x128xf32, #tpu.memory_space<hbm>>
            tpu.enqueue_indirect_dma source(%dma_start3A_956 : memref<50000x128xf32, #tpu.memory_space<hbm>>) target(%dma_start3A_952 : memref<128x128xf32, #tpu.memory_space<vmem>>) offsets(%dma_start3A_953 : memref<128xi32, #tpu.memory_space<vmem>>) semaphore(%arg16 : memref<!tpu.dma_semaphore, #tpu.memory_space<semaphore_mem>>)
          } else {
          }
        } else {
        }
        %broadcast_in_dim3A_753 = vector.broadcast %and3A_703 : i32 to vector<16xi32>
        %add3A_754 = arith.constant 0 : i32
        %add3A_755 = arith.addi %select_n3A_724, %add3A_754 : i32
        %get3A = arith.index_cast %add3A_755 : i32 to index
        %get3A_756 = tpu.vector_load %arg13[%get3A] {strides = array<i32>} : memref<3456xi32, #tpu.memory_space<vmem>>, vector<16xi32>,
        %add3A_757 = arith.constant 0 : i32
        %add3A_758 = vector.broadcast %add3A_757 : i32 to vector<16xi32>
        %add3A_759 = arith.addi %add3A_758, %iota3A : vector<16xi32>
        %and3A_760 = arith.constant 1 : i32
        %and3A_761 = vector.broadcast %and3A_760 : i32 to vector<16xi32>
        %and3A_762 = arith.andi %get3A_756, %and3A_761 : vector<16xi32>
        %mul3A_763 = arith.constant 64 : i32
        %mul3A_764 = vector.broadcast %mul3A_763 : i32 to vector<16xi32>
        %mul3A_765 = arith.muli %and3A_762, %mul3A_764 : vector<16xi32>
        %shift_right_logical3A_766 = arith.constant 1 : i32
        %shift_right_logical3A_767 = vector.broadcast %shift_right_logical3A_766 : i32 to vector<16xi32>
        %shift_right_logical3A_768 = arith.shrui %get3A_756, %shift_right_logical3A_767 : vector<16xi32>
        %mul3A_769 = arith.constant 64 : i32
        %mul3A_770 = vector.broadcast %mul3A_769 : i32 to vector<16xi32>
        %mul3A_771 = arith.muli %shift_right_logical3A_768, %mul3A_770 : vector<16xi32>
        %add3A_772 = arith.constant 16 : i32
        %add3A_773 = arith.addi %select_n3A_724, %add3A_772 : i32
        %get3A_774 = arith.index_cast %add3A_773 : i32 to index
        %get3A_775 = tpu.vector_load %arg13[%get3A_774] {strides = array<i32>} : memref<3456xi32, #tpu.memory_space<vmem>>, vector<16xi32>,
        %add3A_776 = arith.constant 16 : i32
        %add3A_777 = vector.broadcast %add3A_776 : i32 to vector<16xi32>
        %add3A_778 = arith.addi %add3A_777, %iota3A : vector<16xi32>
        %and3A_779 = arith.constant 1 : i32
        %and3A_780 = vector.broadcast %and3A_779 : i32 to vector<16xi32>
        %and3A_781 = arith.andi %get3A_775, %and3A_780 : vector<16xi32>
        %mul3A_782 = arith.constant 64 : i32
        %mul3A_783 = vector.broadcast %mul3A_782 : i32 to vector<16xi32>
        %mul3A_784 = arith.muli %and3A_781, %mul3A_783 : vector<16xi32>
        %shift_right_logical3A_785 = arith.constant 1 : i32
        %shift_right_logical3A_786 = vector.broadcast %shift_right_logical3A_785 : i32 to vector<16xi32>
        %shift_right_logical3A_787 = arith.shrui %get3A_775, %shift_right_logical3A_786 : vector<16xi32>
        %mul3A_788 = arith.constant 64 : i32
        %mul3A_789 = vector.broadcast %mul3A_788 : i32 to vector<16xi32>
        %mul3A_790 = arith.muli %shift_right_logical3A_787, %mul3A_789 : vector<16xi32>
        %add3A_791 = arith.constant 32 : i32
        %add3A_792 = arith.addi %select_n3A_724, %add3A_791 : i32
        %get3A_793 = arith.index_cast %add3A_792 : i32 to index
        %get3A_794 = tpu.vector_load %arg13[%get3A_793] {strides = array<i32>} : memref<3456xi32, #tpu.memory_space<vmem>>, vector<16xi32>,
        %add3A_795 = arith.constant 32 : i32
        %add3A_796 = vector.broadcast %add3A_795 : i32 to vector<16xi32>
        %add3A_797 = arith.addi %add3A_796, %iota3A : vector<16xi32>
        %and3A_798 = arith.constant 1 : i32
        %and3A_799 = vector.broadcast %and3A_798 : i32 to vector<16xi32>
        %and3A_800 = arith.andi %get3A_794, %and3A_799 : vector<16xi32>
        %mul3A_801 = arith.constant 64 : i32
        %mul3A_802 = vector.broadcast %mul3A_801 : i32 to vector<16xi32>
        %mul3A_803 = arith.muli %and3A_800, %mul3A_802 : vector<16xi32>
        %shift_right_logical3A_804 = arith.constant 1 : i32
        %shift_right_logical3A_805 = vector.broadcast %shift_right_logical3A_804 : i32 to vector<16xi32>
        %shift_right_logical3A_806 = arith.shrui %get3A_794, %shift_right_logical3A_805 : vector<16xi32>
        %mul3A_807 = arith.constant 64 : i32
        %mul3A_808 = vector.broadcast %mul3A_807 : i32 to vector<16xi32>
        %mul3A_809 = arith.muli %shift_right_logical3A_806, %mul3A_808 : vector<16xi32>
        %add3A_810 = arith.constant 48 : i32
        %add3A_811 = arith.addi %select_n3A_724, %add3A_810 : i32
        %get3A_812 = arith.index_cast %add3A_811 : i32 to index
        %get3A_813 = tpu.vector_load %arg13[%get3A_812] {strides = array<i32>} : memref<3456xi32, #tpu.memory_space<vmem>>, vector<16xi32>,
        %add3A_814 = arith.constant 48 : i32
        %add3A_815 = vector.broadcast %add3A_814 : i32 to vector<16xi32>
        %add3A_816 = arith.addi %add3A_815, %iota3A : vector<16xi32>
        %and3A_817 = arith.constant 1 : i32
        %and3A_818 = vector.broadcast %and3A_817 : i32 to vector<16xi32>
        %and3A_819 = arith.andi %get3A_813, %and3A_818 : vector<16xi32>
        %mul3A_820 = arith.constant 64 : i32
        %mul3A_821 = vector.broadcast %mul3A_820 : i32 to vector<16xi32>
        %mul3A_822 = arith.muli %and3A_819, %mul3A_821 : vector<16xi32>
        %shift_right_logical3A_823 = arith.constant 1 : i32
        %shift_right_logical3A_824 = vector.broadcast %shift_right_logical3A_823 : i32 to vector<16xi32>
        %shift_right_logical3A_825 = arith.shrui %get3A_813, %shift_right_logical3A_824 : vector<16xi32>
        %mul3A_826 = arith.constant 64 : i32
        %mul3A_827 = vector.broadcast %mul3A_826 : i32 to vector<16xi32>
        %mul3A_828 = arith.muli %shift_right_logical3A_825, %mul3A_827 : vector<16xi32>
        %add3A_829 = arith.constant 64 : i32
        %add3A_830 = arith.addi %select_n3A_724, %add3A_829 : i32
        %get3A_831 = arith.index_cast %add3A_830 : i32 to index
        %get3A_832 = tpu.vector_load %arg13[%get3A_831] {strides = array<i32>} : memref<3456xi32, #tpu.memory_space<vmem>>, vector<16xi32>,
        %add3A_833 = arith.constant 64 : i32
        %add3A_834 = vector.broadcast %add3A_833 : i32 to vector<16xi32>
        %add3A_835 = arith.addi %add3A_834, %iota3A : vector<16xi32>
        %and3A_836 = arith.constant 1 : i32
        %and3A_837 = vector.broadcast %and3A_836 : i32 to vector<16xi32>
        %and3A_838 = arith.andi %get3A_832, %and3A_837 : vector<16xi32>
        %mul3A_839 = arith.constant 64 : i32
        %mul3A_840 = vector.broadcast %mul3A_839 : i32 to vector<16xi32>
        %mul3A_841 = arith.muli %and3A_838, %mul3A_840 : vector<16xi32>
        %shift_right_logical3A_842 = arith.constant 1 : i32
        %shift_right_logical3A_843 = vector.broadcast %shift_right_logical3A_842 : i32 to vector<16xi32>
        %shift_right_logical3A_844 = arith.shrui %get3A_832, %shift_right_logical3A_843 : vector<16xi32>
        %mul3A_845 = arith.constant 64 : i32
        %mul3A_846 = vector.broadcast %mul3A_845 : i32 to vector<16xi32>
        %mul3A_847 = arith.muli %shift_right_logical3A_844, %mul3A_846 : vector<16xi32>
        %add3A_848 = arith.constant 80 : i32
        %add3A_849 = arith.addi %select_n3A_724, %add3A_848 : i32
        %get3A_850 = arith.index_cast %add3A_849 : i32 to index
        %get3A_851 = tpu.vector_load %arg13[%get3A_850] {strides = array<i32>} : memref<3456xi32, #tpu.memory_space<vmem>>, vector<16xi32>,
        %add3A_852 = arith.constant 80 : i32
        %add3A_853 = vector.broadcast %add3A_852 : i32 to vector<16xi32>
        %add3A_854 = arith.addi %add3A_853, %iota3A : vector<16xi32>
        %and3A_855 = arith.constant 1 : i32
        %and3A_856 = vector.broadcast %and3A_855 : i32 to vector<16xi32>
        %and3A_857 = arith.andi %get3A_851, %and3A_856 : vector<16xi32>
        %mul3A_858 = arith.constant 64 : i32
        %mul3A_859 = vector.broadcast %mul3A_858 : i32 to vector<16xi32>
        %mul3A_860 = arith.muli %and3A_857, %mul3A_859 : vector<16xi32>
        %shift_right_logical3A_861 = arith.constant 1 : i32
        %shift_right_logical3A_862 = vector.broadcast %shift_right_logical3A_861 : i32 to vector<16xi32>
        %shift_right_logical3A_863 = arith.shrui %get3A_851, %shift_right_logical3A_862 : vector<16xi32>
        %mul3A_864 = arith.constant 64 : i32
        %mul3A_865 = vector.broadcast %mul3A_864 : i32 to vector<16xi32>
        %mul3A_866 = arith.muli %shift_right_logical3A_863, %mul3A_865 : vector<16xi32>
        %add3A_867 = arith.constant 96 : i32
        %add3A_868 = arith.addi %select_n3A_724, %add3A_867 : i32
        %get3A_869 = arith.index_cast %add3A_868 : i32 to index
        %get3A_870 = tpu.vector_load %arg13[%get3A_869] {strides = array<i32>} : memref<3456xi32, #tpu.memory_space<vmem>>, vector<16xi32>,
        %add3A_871 = arith.constant 96 : i32
        %add3A_872 = vector.broadcast %add3A_871 : i32 to vector<16xi32>
        %add3A_873 = arith.addi %add3A_872, %iota3A : vector<16xi32>
        %and3A_874 = arith.constant 1 : i32
        %and3A_875 = vector.broadcast %and3A_874 : i32 to vector<16xi32>
        %and3A_876 = arith.andi %get3A_870, %and3A_875 : vector<16xi32>
        %mul3A_877 = arith.constant 64 : i32
        %mul3A_878 = vector.broadcast %mul3A_877 : i32 to vector<16xi32>
        %mul3A_879 = arith.muli %and3A_876, %mul3A_878 : vector<16xi32>
        %shift_right_logical3A_880 = arith.constant 1 : i32
        %shift_right_logical3A_881 = vector.broadcast %shift_right_logical3A_880 : i32 to vector<16xi32>
        %shift_right_logical3A_882 = arith.shrui %get3A_870, %shift_right_logical3A_881 : vector<16xi32>
        %mul3A_883 = arith.constant 64 : i32
        %mul3A_884 = vector.broadcast %mul3A_883 : i32 to vector<16xi32>
        %mul3A_885 = arith.muli %shift_right_logical3A_882, %mul3A_884 : vector<16xi32>
        %add3A_886 = arith.constant 112 : i32
        %add3A_887 = arith.addi %select_n3A_724, %add3A_886 : i32
        %get3A_888 = arith.index_cast %add3A_887 : i32 to index
        %get3A_889 = tpu.vector_load %arg13[%get3A_888] {strides = array<i32>} : memref<3456xi32, #tpu.memory_space<vmem>>, vector<16xi32>,
        %add3A_890 = arith.constant 112 : i32
        %add3A_891 = vector.broadcast %add3A_890 : i32 to vector<16xi32>
        %add3A_892 = arith.addi %add3A_891, %iota3A : vector<16xi32>
        %and3A_893 = arith.constant 1 : i32
        %and3A_894 = vector.broadcast %and3A_893 : i32 to vector<16xi32>
        %and3A_895 = arith.andi %get3A_889, %and3A_894 : vector<16xi32>
        %mul3A_896 = arith.constant 64 : i32
        %mul3A_897 = vector.broadcast %mul3A_896 : i32 to vector<16xi32>
        %mul3A_898 = arith.muli %and3A_895, %mul3A_897 : vector<16xi32>
        %shift_right_logical3A_899 = arith.constant 1 : i32
        %shift_right_logical3A_900 = vector.broadcast %shift_right_logical3A_899 : i32 to vector<16xi32>
        %shift_right_logical3A_901 = arith.shrui %get3A_889, %shift_right_logical3A_900 : vector<16xi32>
        %mul3A_902 = arith.constant 64 : i32
        %mul3A_903 = vector.broadcast %mul3A_902 : i32 to vector<16xi32>
        %mul3A_904 = arith.muli %shift_right_logical3A_901, %mul3A_903 : vector<16xi32>
        %mul3A_905 = arith.constant 64 : i32
        %mul3A_906 = arith.muli %add3A_708, %mul3A_905 : i32
        %parallel_loop3A_907 = arith.constant 0 : i32
        %parallel_loop3A_908 = arith.constant 64 : i32
        %parallel_loop3A_909 = arith.constant 1 : i32
        scf.for %parallel_loop3A_910 = %parallel_loop3A_907 to %parallel_loop3A_908 step %parallel_loop3A_909  : i32 {
          %parallel_loop3A_911 = vector.broadcast %parallel_loop3A_910 : i32 to vector<16xi32>
          %parallel_loop3A_912 = arith.addi %parallel_loop3A_911, %iota3A : vector<16xi32>
          %parallel_loop3A_913 = arith.constant 63 : i32
          %parallel_loop3A_914 = vector.broadcast %parallel_loop3A_913 : i32 to vector<16xi32>
          %parallel_loop3A_915 = arith.andi %parallel_loop3A_912, %parallel_loop3A_914 : vector<16xi32>
          %parallel_loop3A_916 = vector.broadcast %mul3A_906 : i32 to vector<16xi32>
          %parallel_loop3A_917 = arith.addi %parallel_loop3A_916, %parallel_loop3A_915 : vector<16xi32>
          %parallel_loop3A_918 = tpu.vector_load_idx %arg11[%parallel_loop3A_917] : memref<192xf32, #tpu.memory_space<vmem>>[vector<16xi32>], vector<16xf32>,
          %parallel_loop3A_919 = arith.addi %mul3A_765, %parallel_loop3A_915 : vector<16xi32>
          %parallel_loop3A_920 = tpu.vector_load_idx %arg14[%broadcast_in_dim3A_753, %add3A_759, %parallel_loop3A_919] : memref<2x128x128xf32, #tpu.memory_space<vmem>>[vector<16xi32>, vector<16xi32>, vector<16xi32>], vector<16xf32>,
          %parallel_loop3A_921 = arith.addi %mul3A_771, %parallel_loop3A_915 : vector<16xi32>
          %parallel_loop3A_922 = arith.addf %parallel_loop3A_920, %parallel_loop3A_918 : vector<16xf32>
          tpu.vector_store_idx %arg15[%parallel_loop3A_921], %parallel_loop3A_922 : memref<65600xf32, #tpu.memory_space<vmem>>[vector<16xi32>], vector<16xf32>,
          %parallel_loop3A_923 = arith.addi %mul3A_784, %parallel_loop3A_915 : vector<16xi32>
          %parallel_loop3A_924 = tpu.vector_load_idx %arg14[%broadcast_in_dim3A_753, %add3A_778, %parallel_loop3A_923] : memref<2x128x128xf32, #tpu.memory_space<vmem>>[vector<16xi32>, vector<16xi32>, vector<16xi32>], vector<16xf32>,
          %parallel_loop3A_925 = arith.addi %mul3A_790, %parallel_loop3A_915 : vector<16xi32>
          %parallel_loop3A_926 = arith.addf %parallel_loop3A_924, %parallel_loop3A_918 : vector<16xf32>
          tpu.vector_store_idx %arg15[%parallel_loop3A_925], %parallel_loop3A_926 : memref<65600xf32, #tpu.memory_space<vmem>>[vector<16xi32>], vector<16xf32>,
          %parallel_loop3A_927 = arith.addi %mul3A_803, %parallel_loop3A_915 : vector<16xi32>
          %parallel_loop3A_928 = tpu.vector_load_idx %arg14[%broadcast_in_dim3A_753, %add3A_797, %parallel_loop3A_927] : memref<2x128x128xf32, #tpu.memory_space<vmem>>[vector<16xi32>, vector<16xi32>, vector<16xi32>], vector<16xf32>,
          %parallel_loop3A_929 = arith.addi %mul3A_809, %parallel_loop3A_915 : vector<16xi32>
          %parallel_loop3A_930 = arith.addf %parallel_loop3A_928, %parallel_loop3A_918 : vector<16xf32>
          tpu.vector_store_idx %arg15[%parallel_loop3A_929], %parallel_loop3A_930 : memref<65600xf32, #tpu.memory_space<vmem>>[vector<16xi32>], vector<16xf32>,
          %parallel_loop3A_931 = arith.addi %mul3A_822, %parallel_loop3A_915 : vector<16xi32>
          %parallel_loop3A_932 = tpu.vector_load_idx %arg14[%broadcast_in_dim3A_753, %add3A_816, %parallel_loop3A_931] : memref<2x128x128xf32, #tpu.memory_space<vmem>>[vector<16xi32>, vector<16xi32>, vector<16xi32>], vector<16xf32>,
          %parallel_loop3A_933 = arith.addi %mul3A_828, %parallel_loop3A_915 : vector<16xi32>
          %parallel_loop3A_934 = arith.addf %parallel_loop3A_932, %parallel_loop3A_918 : vector<16xf32>
          tpu.vector_store_idx %arg15[%parallel_loop3A_933], %parallel_loop3A_934 : memref<65600xf32, #tpu.memory_space<vmem>>[vector<16xi32>], vector<16xf32>,
          %parallel_loop3A_935 = arith.addi %mul3A_841, %parallel_loop3A_915 : vector<16xi32>
          %parallel_loop3A_936 = tpu.vector_load_idx %arg14[%broadcast_in_dim3A_753, %add3A_835, %parallel_loop3A_935] : memref<2x128x128xf32, #tpu.memory_space<vmem>>[vector<16xi32>, vector<16xi32>, vector<16xi32>], vector<16xf32>,
          %parallel_loop3A_937 = arith.addi %mul3A_847, %parallel_loop3A_915 : vector<16xi32>
          %parallel_loop3A_938 = arith.addf %parallel_loop3A_936, %parallel_loop3A_918 : vector<16xf32>
          tpu.vector_store_idx %arg15[%parallel_loop3A_937], %parallel_loop3A_938 : memref<65600xf32, #tpu.memory_space<vmem>>[vector<16xi32>], vector<16xf32>,
          %parallel_loop3A_939 = arith.addi %mul3A_860, %parallel_loop3A_915 : vector<16xi32>
          %parallel_loop3A_940 = tpu.vector_load_idx %arg14[%broadcast_in_dim3A_753, %add3A_854, %parallel_loop3A_939] : memref<2x128x128xf32, #tpu.memory_space<vmem>>[vector<16xi32>, vector<16xi32>, vector<16xi32>], vector<16xf32>,
          %parallel_loop3A_941 = arith.addi %mul3A_866, %parallel_loop3A_915 : vector<16xi32>
          %parallel_loop3A_942 = arith.addf %parallel_loop3A_940, %parallel_loop3A_918 : vector<16xf32>
          tpu.vector_store_idx %arg15[%parallel_loop3A_941], %parallel_loop3A_942 : memref<65600xf32, #tpu.memory_space<vmem>>[vector<16xi32>], vector<16xf32>,
          %parallel_loop3A_943 = arith.addi %mul3A_879, %parallel_loop3A_915 : vector<16xi32>
          %parallel_loop3A_944 = tpu.vector_load_idx %arg14[%broadcast_in_dim3A_753, %add3A_873, %parallel_loop3A_943] : memref<2x128x128xf32, #tpu.memory_space<vmem>>[vector<16xi32>, vector<16xi32>, vector<16xi32>], vector<16xf32>,
          %parallel_loop3A_945 = arith.addi %mul3A_885, %parallel_loop3A_915 : vector<16xi32>
          %parallel_loop3A_946 = arith.addf %parallel_loop3A_944, %parallel_loop3A_918 : vector<16xf32>
          tpu.vector_store_idx %arg15[%parallel_loop3A_945], %parallel_loop3A_946 : memref<65600xf32, #tpu.memory_space<vmem>>[vector<16xi32>], vector<16xf32>,
          %parallel_loop3A_947 = arith.addi %mul3A_898, %parallel_loop3A_915 : vector<16xi32>
          %parallel_loop3A_948 = tpu.vector_load_idx %arg14[%broadcast_in_dim3A_753, %add3A_892, %parallel_loop3A_947] : memref<2x128x128xf32, #tpu.memory_space<vmem>>[vector<16xi32>, vector<16xi32>, vector<16xi32>], vector<16xf32>,
          %parallel_loop3A_949 = arith.addi %mul3A_904, %parallel_loop3A_915 : vector<16xi32>
          %parallel_loop3A_950 = arith.addf %parallel_loop3A_948, %parallel_loop3A_918 : vector<16xf32>
          tpu.vector_store_idx %arg15[%parallel_loop3A_949], %parallel_loop3A_950 : memref<65600xf32, #tpu.memory_space<vmem>>[vector<16xi32>], vector<16xf32>,
        } {sc.loop_unroll_factor = 2 : i64, sc.parallel_access}
      }
      %mul3A_694 = arith.constant 64 : i32
      %mul3A_695 = arith.muli %add3A_18, %mul3A_694 : i32
      %dma_start3A = arith.constant 0 : i32
      %dma_start3A_696 = tpu.memref_slice %arg15[%dma_start3A] : memref<65600xf32, #tpu.memory_space<vmem>> -> memref<65536xf32, #tpu.memory_space<vmem>>
      %dma_start3A_697 = tpu.memref_slice %arg8[%mul3A_695] : memref<20971520xf32, #tpu.memory_space<hbm>> -> memref<65536xf32, #tpu.memory_space<hbm>>
      %dma_start3A_698 = tpu.memref_slice %arg8[%mul3A_695] : memref<20971520xf32, #tpu.memory_space<hbm>> -> memref<65536xf32, #tpu.memory_space<hbm>>
      %dma_start3A_699 = arith.constant 0 : i32
      %dma_start3A_700 = tpu.memref_slice %arg15[%dma_start3A_699] : memref<65600xf32, #tpu.memory_space<vmem>> -> memref<65536xf32, #tpu.memory_space<vmem>>
      tpu.enqueue_dma source(%dma_start3A_700 : memref<65536xf32, #tpu.memory_space<vmem>>) target(%dma_start3A_698 : memref<65536xf32, #tpu.memory_space<hbm>>) target_semaphore(%arg18 : memref<!tpu.dma_semaphore, #tpu.memory_space<semaphore_mem>>)
    }
    %scan3A_5 = arith.constant 10 : i32
    %dma_wait3A = arith.constant 0 : i32
    %dma_wait3A_6 = tpu.memref_slice %arg15[%dma_wait3A] : memref<65600xf32, #tpu.memory_space<vmem>> -> memref<65536xf32, #tpu.memory_space<vmem>>
    %dma_wait3A_7 = arith.constant 0 : i32
    %dma_wait3A_8 = tpu.memref_slice %arg8[%dma_wait3A_7] : memref<20971520xf32, #tpu.memory_space<hbm>> -> memref<65536xf32, #tpu.memory_space<hbm>>
    %dma_wait3A_9 = arith.constant 0 : i32
    %dma_wait3A_10 = tpu.memref_slice %arg8[%dma_wait3A_9] : memref<20971520xf32, #tpu.memory_space<hbm>> -> memref<65536xf32, #tpu.memory_space<hbm>>
    %dma_wait3A_11 = arith.constant 0 : i32
    %dma_wait3A_12 = tpu.memref_slice %arg15[%dma_wait3A_11] : memref<65600xf32, #tpu.memory_space<vmem>> -> memref<65536xf32, #tpu.memory_space<vmem>>
    tpu.wait_dma2 semaphore(%arg18 : memref<!tpu.dma_semaphore, #tpu.memory_space<semaphore_mem>>) src(%dma_wait3A_12 : memref<65536xf32, #tpu.memory_space<vmem>>) dst(%dma_wait3A_10 : memref<65536xf32, #tpu.memory_space<hbm>>)
    return
  }
}

</mosaic_0001>

<sc_bundles>
// kernel: _run.3.cloned.1.call-start
scs
__scs_entry_jumppad:
0x0: {  	(pc) =	sbr.rel $0x88, $3  }
0x1: {  	(tag) =	ssettag $0x0;
	lr =	simm.s32 $0x1  }
0x2: {  	[smem:$0x3F9B] =	sst lr;
	_ =	strace $0xD0000000  }
0x3: {  	_ = 	snop  }
0x4: {  	_ = 	snop  }
0x5: {  	_ = 	snop  }
0x6: {  	_ = 	snop  }
0x7: {  	_ = 	snop  }
__scs_overlays_trampoline_lowered:
0x8: {  	[smem:$0x3FAA] =	sst s0  }
0x9: {  	[smem:$0x3FAB] =	sst s1  }
0xa: {  	[smem:$0x3FAC] =	sst s2  }
0xb: {  	[smem:$0x3FAD] =	sst s3  }
0xc: {  	[smem:$0x3FAE] =	sst s4  }
0xd: {  	[smem:$0x3FAF] =	sst s5  }
0xe: {  	[smem:$0x3FB0] =	sst s6  }
0xf: {  	[smem:$0x3FB1] =	sst s7  }
0x10: {  	[smem:$0x3FB2] =	sst s8  }
0x11: {  	[smem:$0x3FB3] =	sst s9;
	s0 =	simm.s32 @!p0 $0x0  }
0x12: {  	s1 =	sld [smem:$0x3F99];
	s0 =	simm.s32 @p0 $0x1  }
0x13: {  	[smem:$0x3FB4] =	sst s0;
	s0 =	simm.s32 @!p1 $0x0  }
0x14: {  	s2 =	sld [smem:$0x3F98];
	s0 =	simm.s32 @p1 $0x1  }
0x15: {  	[smem:$0x3FB5] =	sst s0;
	s0 =	simm.s32 @!p2 $0x0  }
0x16: {  	s3 =	sld [smem:$0x3FDB];
	s0 =	simm.s32 @p2 $0x1  }
0x17: {  	s4 =	simm.s32 $0x1BF5;
	[smem:$0x3FB7] =	sst s0  }
0x18: {  	s0 =	sld [smem:$0x3F9A];
	_ =	swait.ge [sflag:s4], $0x0  }
0x19: {  	s7 =	sld [smem:$0x3F9B]  }
0x1a: {  	s8 =	sadd.s32 $0xFFFFE003, lr  }
0x1b: {  	s9 =	sadd.s32 $0xFFFFFEF7, lr;
	s5 =	simm.s32 $0xFFFFFFFF;
	p2 =	slt.u32 s8, $0xFFFFF086  }
0x1c: {  	p1 =	slt.u32 s9, $0xF7A;
	s5 =	simm.s32 @!p2 $0x0  }
0x1d: {  	s5 =	simm.s32 @p1 $0x1;
	p0 =	seq.s32 s7, s2  }
0x1e: {  	s7 =	smul.u32 @!p0 $0xF7A, s2;
	p2 =	seq.s32 @!p0 s5, $0x0  }
0x1f: {  	s9 =	smul.u32 $0xF7A, s1;
	s8 =	simm.s32 @!p0 $0x1BF5;
	p2 =	por !p2, p0  }
0x20: {  	[sflag:s8] =	ssyncset.s32 @!p0 $0xFFFFF086;
	s6 =	sadd.s32 @!p0 s3, s7;
	s7 =	simm.s32 @!p0 $0x108  }
0x21: {  	s3 =	sadd.s32 s3, s9;
	s6 =	sadd.s32 @!p0 $0x88, s6;
	s7 =	simm.s32 @p2 $0x1082  }
0x22: {  	[simem:s7], [sflag:s8] =	dma.local @!p0 [hbm:s6], $0xF7A  }
0x23: {  	s9 =	sor.u32 $0xD0000000, s2;
	s6 =	simm.s32 $0x108;
	_ =	swait.ge @!p0 [sflag:s8], $0x0  }
0x24: {  	s3 =	sadd.s32 $0x88, s3;
	s6 =	simm.s32 @!p1 $0x1082;
	[sflag:s4] =	ssyncset.s32 $0xFFFFF086  }
0x25: {  	[simem:s6], [sflag:s4] =	dma.local [hbm:s3], $0xF7A  }
0x26: {  	[smem:$0x3F9B] =	sst s1;
	(tag) =	ssettag s2;
	_ =	strace s9  }
0x27: {  	s1 =	sld [smem:$0x3FAB]  }
0x28: {  	s2 =	sld [smem:$0x3FAC]  }
0x29: {  	s4 =	sld [smem:$0x3FAE]  }
0x2a: {  	p0 =	seq.s32 s5, $0x0;
	s5 =	sld [smem:$0x3FAF]  }
0x2b: {  	s6 =	sld [smem:$0x3FB0]  }
0x2c: {  	s7 =	sld [smem:$0x3FB1]  }
0x2d: {  	s3 =	simm.s32 $0x108;
	s8 =	sld [smem:$0x3FB2]  }
0x2e: {  	s3 =	simm.s32 @!p0 $0x1082;
	s9 =	sld [smem:$0x3FB3]  }
0x2f: {  	lr =	sadd.s32 s0, s3;
	s0 =	sld [smem:$0x3FAA]  }
0x30: {  	s3 =	sld [smem:$0x3FAD]  }
0x31: {  	[smem:$0x3FB6] =	sst s10  }
0x32: {  	s10 =	sld [smem:$0x3FB4];
	_ =	sdelay $0x3  }
0x33: {  	p0 =	seq.s32 s10, $0x1;
	s10 =	sld [smem:$0x3FB6];
	_ =	sdelay $0x3  }
0x34: {  	[smem:$0x3FB6] =	sst s10  }
0x35: {  	s10 =	sld [smem:$0x3FB5];
	_ =	sdelay $0x3  }
0x36: {  	p1 =	seq.s32 s10, $0x1;
	s10 =	sld [smem:$0x3FB6];
	_ =	sdelay $0x3  }
0x37: {  	[smem:$0x3FB6] =	sst s10  }
0x38: {  	s10 =	sld [smem:$0x3FB7]  }
0x39: {  	_ = 	snop;
	(pc) =	sbr.ind lr, $3  }
0x3a: {  	_ = 	snop  }
0x3b: {  	_ = 	snop  }
0x3c: {  	p2 =	seq.s32 s10, $0x1;
	s10 =	sld [smem:$0x3FB6]  }
0x3d: {  	_ =	shalt  }
0x3e: {  	_ =	shalt  }
0x3f: {  	_ =	shalt  }
0x40: {  	_ =	shalt  }
0x41: {  	_ =	shalt  }
0x42: {  	_ =	shalt  }
0x43: {  	_ =	shalt  }
0x44: {  	_ =	shalt  }
0x45: {  	_ =	shalt  }
0x46: {  	_ =	shalt  }
0x47: {  	_ =	shalt  }
0x48: {  	_ =	shalt  }
0x49: {  	_ =	shalt  }
0x4a: {  	_ =	shalt  }
0x4b: {  	_ =	shalt  }
0x4c: {  	_ =	shalt  }
0x4d: {  	_ =	shalt  }
0x4e: {  	_ =	shalt  }
0x4f: {  	_ =	shalt  }
0x50: {  	_ =	shalt  }
0x51: {  	_ =	shalt  }
0x52: {  	_ =	shalt  }
0x53: {  	_ =	shalt  }
0x54: {  	_ =	shalt  }
0x55: {  	_ =	shalt  }
0x56: {  	_ =	shalt  }
0x57: {  	_ =	shalt  }
0x58: {  	_ =	shalt  }
0x59: {  	_ =	shalt  }
0x5a: {  	_ =	shalt  }
0x5b: {  	_ =	shalt  }
0x5c: {  	_ =	shalt  }
0x5d: {  	_ =	shalt  }
0x5e: {  	_ =	shalt  }
0x5f: {  	_ =	shalt  }
0x60: {  	_ =	shalt  }
0x61: {  	_ =	shalt  }
0x62: {  	_ =	shalt  }
0x63: {  	_ =	shalt  }
0x64: {  	_ =	shalt  }
0x65: {  	_ =	shalt  }
0x66: {  	_ =	shalt  }
0x67: {  	_ =	shalt  }
0x68: {  	_ =	shalt  }
0x69: {  	_ =	shalt  }
0x6a: {  	_ =	shalt  }
0x6b: {  	_ =	shalt  }
0x6c: {  	_ =	shalt  }
0x6d: {  	_ =	shalt  }
0x6e: {  	_ =	shalt  }
0x6f: {  	_ =	shalt  }
0x70: {  	_ =	shalt  }
0x71: {  	_ =	shalt  }
0x72: {  	_ =	shalt  }
0x73: {  	_ =	shalt  }
0x74: {  	_ =	shalt  }
0x75: {  	_ =	shalt  }
0x76: {  	_ =	shalt  }
0x77: {  	_ =	shalt  }
0x78: {  	_ =	shalt  }
0x79: {  	_ =	shalt  }
0x7a: {  	_ =	shalt  }
0x7b: {  	_ =	shalt  }
0x7c: {  	_ =	shalt  }
0x7d: {  	_ =	shalt  }
0x7e: {  	_ =	shalt  }
0x7f: {  	_ =	shalt  }
0x80: {  	_ =	shalt  }
0x81: {  	_ =	shalt  }
0x82: {  	_ =	shalt  }
0x83: {  	_ =	shalt  }
0x84: {  	_ =	shalt  }
0x85: {  	_ =	shalt  }
0x86: {  	_ =	shalt  }
0x87: {  	_ =	shalt  }
.Lfunc_end0:
.L_simem_size_0:
called_computation.1_lowered:
.L_overlay_start_0:
0x88: {  	s2 =	sld [smem:$0x3FD9]  }
0x89: {  	s3 =	sld [smem:$0x3FFE];
	_ =	sdelay $0x1  }
0x8a: {  	s1 =	srdreg.scid  }
0x8b: {  	s0 =	sand.u32 $0x1, s1  }
0x8c: {  	s17 =	sshll.u32 s0, $0xA;
	s2 =	sadd.s32 s3, s2  }
0x8d: {  	s2 =	sadd.s32 s2, s17  }
0x8e: {  	[smem:$0x3FC2] =	sst s2  }
0x8f: {  	_ = 	snop  }
0x90: {  	s2 =	sld [smem:$0x3FC9]  }
0x91: {  	s18 =	sld [smem:$0x3FC8]  }
0x92: {  	s4 =	sld [smem:$0x3FD0];
	(tm) =	ssettm $0x1  }
0x93: {  	s5 =	sld [smem:$0x3FFB];
	_ =	sdelay $0x3  }
0x94: {  	_ =	strace s5  }
0x95: {  	s5 =	sld [smem:$0x3FFC];
	_ =	sdelay $0x3  }
0x96: {  	_ =	strace s5  }
0x97: {  	s5 =	sld [smem:$0x3FFD];
	_ =	sdelay $0x3  }
0x98: {  	_ =	strace s5  }
0x99: {  	_ =	strace $0x8FFFFFFF  }
0x9a: {  	s19 =	sld [smem:$0x3FDB];
	_ =	sdelay $0x1  }
0x9b: {  	s6 =	simm.s32 $_scs_section_size  }
0x9c: {  	s7 =	simm.s32 $_size__tile_overlayer_lowered;
	s8 =	simm.s32 $_tile_overlayer_lowered  }
0x9d: {  	s22 =	simm.s32 $0x1BFF;
	s21 =	sshll.u32 s8, $0x1;
	s5 =	sadd.s32 s6, s19  }
0x9e: {  	s9 =	simm.s32 $0x0;
	s20 =	sshll.u32 s7, $0x1;
	s7 =	sadd.s32 s21, s5  }
0x9f: {  	[timem:s9], [sflag:s22] =	dma.local [hbm:s7], s20  }
0xa0: {  	_ =	swait.ge [sflag:s22], s20  }
0xa1: {  	s6 =	ssub.s32 $0x0, s20;
	[sflag:s22] =	ssyncset.done $0x0  }
0xa2: {  	[sflag:s22] =	ssyncadd.s32 s6;
	_ =	sdelay $0x1  }
0xa3: {  	s23 =	simm.s32 $0x1B8B  }
0xa4: {  	_ =	swait.ge [sflag:s23], $0x1  }
0xa5: {  	[sflag:s23] =	ssyncset.done $0x0  }
0xa6: {  	s25 =	simm.s32 $0x1B8E;
	s24 =	sld [smem:$0x3FFE];
	[sflag:s23] =	ssyncadd.s32 $0xFFFFFFFF  }
0xa7: {  	s26 =	simm.s32 $execute0_lowered;
	[smem:$0x3FD2] =	sst s25  }
0xa8: {  	s7 =	sshll.u32 s26, $0x1;
	_ =	strace $0x80000046;
	[dreg:$0x1] =	wrdreg $0xFFFFFFFF  }
0xa9: {  	s28 =	simm.s32 $_size_execute0_lowered;
	s5 =	sadd.s32 s5, s7;
	[dreg:$0x0] =	wrdreg $0x0  }
0xaa: {  	s7 =	sshll.u32 s28, $0x1;
	[dreg:$0x2] =	wrdreg s5  }
0xab: {  	[dreg:$0x3] =	wrdreg s7  }
0xac: {  	[dreg:$0x4] =	wrdreg $0xC0  }
0xad: {  	_ =	task [dreg:s9], $0x5FFFF  }
0xae: {  	[dreg:$0x1] =	wrdreg $0xFFFFFFFF  }
0xaf: {  	[dreg:$0x0] =	wrdreg $0x60  }
0xb0: {  	[dreg:$0x2] =	wrdreg s2  }
0xb1: {  	[dreg:$0x3] =	wrdreg s18  }
0xb2: {  	[dreg:$0x4] =	wrdreg s24  }
0xb3: {  	[dreg:$0x5] =	wrdreg s4  }
0xb4: {  	[dreg:$0x6] =	wrdreg $0x9  }
0xb5: {  	_ =	task.clear_ibuf [dreg:s9], $0x7FFFF;
	_ =	strace $0x90000046  }
0xb6: {  	s29 =	simm.s32 $0x9;
	_ =	strace $0x80000048  }
0xb7: {  	_ =	swait.ge [sflag:s29], $0x1  }
0xb8: {  	[sflag:s29] =	ssyncadd.s32 $0xFFFFFFFF  }
0xb9: {  	_ =	strace $0x90000048  }
0xba: {  	_ =	sfence  }
0xbb: {  	s30 =	sld [smem:$0x0];
	_ =	sdelay $0x2  }
0xbc: {  	s31 =	sshll.u32 s1, $0xD;
	s1 =	sshrl.u32 s1, $0x2  }
0xbd: {  	s3 =	sand.u32 $0x4000, s31;
	s1 =	sadd.s32 s1, s30  }
0xbe: {  	s0 =	sor.u32 s3, s0;
	s1 =	sshll.u32 s1, $0x11  }
0xbf: {  	s0 =	sor.u32 s1, s0  }
0xc0: {  	s0 =	sadd.s32 $0x8F2B, s0  }
0xc1: {  	[sflag:s0] =	ssyncadd.remote.s32 $0x1  }
0xc2: {  	_ =	sfence.sel $0xFFFF  }
0xc3: {  	[dreg:$0x0] =	wrdreg $0xFFFFFFFF;
	(pc) =	sbr.abs _section_cstart, $3  }
0xc4: {  	[dreg:$0x1] =	wrdreg $0xFFFFFFFF  }
0xc5: {  	_ =	task.clear_ibuf [dreg:s9], $0x2FFFF;
	_ =	strace $0x9FFFFFFF  }
0xc6: {  	(tm) =	ssettm $0x7FFFFFFF  }
0xc7: {  	_ =	shalt  }
tec
execute0_lowered:
.L_overlay_start_1:
0x0: {  	(tag) =	ssettag $0x1  }
0x1: {  	s2 =	rddreg [dreg:$0x1]  }
0x2: {  	s0 =	rddreg [dreg:$0x2]  }
0x3: {  	s3 =	rddreg [dreg:$0x3];
	s5 =	simm.s32 $0x0  }
0x4: {  	s4 =	srdreg.scid;
	s1 =	stileid.u32;
	s13 =	simm.s32 $0x800  }
0x5: {  	s14 =	simm.s32 $0x4;
	s15 =	simm.s32 $0x900;
	s16 =	simm.s32 $0x1680  }
0x6: {  	s17 =	simm.s32 $0x1;
	s18 =	simm.s32 $0x80;
	s19 =	simm.s32 $0x2400  }
0x7: {  	s20 =	simm.s32 $0xA400;
	s22 =	simm.s32 $0x6400;
	[smem:$0x7FF] =	sst s5  }
0x8: {  	s6 =	sadd.s32 $0x2400, s0;
	s4 =	sand.u32 $0x1, s4;
	s29 =	sshll.u32 s1, $0x1  }
.Ltmp0:
0x9: {  	s7 =	sadd.s32 $0x2600, s0;
	s11 =	ssub.s32 $0x2, s4;
	(pc) =	sbr.rel .LBB2_1-.Ltmp0, $4  }
0xa: {  	v0 =	vlaneseq.u32;
	s8 =	sadd.s32 $0xC5C00, s0;
	s10 =	sadd.s32 $0x189200, s0;
	s30 =	sshrl.u32 s11, $0x1  }
0xb: {  	v3 =	vimm.s32 $0x0;
	v2 =	vmul.u32 $0x80, v0;
	_ =	strace $0x80000047;
	s4 =	sor.u32 s4, s29;
	s31 =	ssub.s32 s11, s30  }
0xc: {  	v4 =	vimm.s32 $0x800;
	v1 =	vmul.u32 $0x2, v0;
	v5 =	vor.u32 $0x480, v0;
	[dreg:$0x5] =	wrdreg s6;
	s9 =	smul.u32 $0x2800, s4;
	s0 =	smax.u32 s31, $0x1  }
0xd: {  	v6 =	vor.u32 $0x900, v0;
	v7 =	vor.u32 $0x800, v2;
	v8 =	vor.u32 $0x1000, v2;
	s11 =	smul.u32 $0x241, s4;
	s4 =	simm.s32 $0x0;
	[dreg:$0x6] =	wrdreg s0  }
.LBB2_6:
0xe: {  	s1 =	simm.s32 $0x3  }
0xf: {  	_ =	swait.ge [sflag:s1], $0x10000  }
0x10: {  	s4 =	rddreg [dreg:$0x7]  }
0x11: {  	s0 =	rddreg [dreg:$0x6];
	s4 =	sadd.s32 $0x1, s4  }
0x12: {  	p0 =	sne.s32 s4, s0  }
.Ltmp1:
0x13: {  	_ = 	snop;
	(pc) =	sbr.rel @!p0 .LBB2_7-.Ltmp1, $3  }
0x14: {  	_ =	sdelay $0x1  }
0x15: {  	[sflag:s1] =	ssyncset.done $0x0  }
0x16: {  	[sflag:s1] =	ssyncadd.s32 $0xFFFF0000  }
.LBB2_1:
0x17: {  	[dreg:$0x7] =	wrdreg s4  }
.Ltmp2:
0x18: {  	s0 =	rddreg [dreg:$0x5];
	(pc) =	sbr.rel .LBB2_2-.Ltmp2, $4  }
0x19: {  	[tilespmem:s13], [sflag:$0x4] =	stream.linear.gather [hbm4b:s0+s5], $0x100, $0x38;
	[tilespmem:$0x1A480] =	vst v63  }
0x1a: {  	_ =	swait.ge [sflag:s14], $0x100  }
0x1b: {  	[sflag:s14] =	ssyncset.done $0x0  }
0x1c: {  	s24 =	simm.s32 $0x0;
	[sflag:s14] =	ssyncadd.s32 $0xFFFFFF00  }
.LBB2_5:
0x1d: {  	s24 =	sadd.s32 $0x1, s24  }
0x1e: {  	p0 =	sne.s32 s24, $0xA  }
.Ltmp3:
0x1f: {  	_ = 	snop;
	(pc) =	sbr.rel @!p0 .LBB2_6-.Ltmp3, $4  }
0x20: {  	_ = 	snop  }
0x21: {  	s0 =	sshll.u32 s25, $0x3  }
0x22: {  	s0 =	sadd.s32 s3, s0  }
0x23: {  	[hbm4b:s0+s5] =	stream.linear.scatter [tilespmem:s20], [sflag:$0x3], $0x10000, $0x38;
	[tilespmem:$0x1A480] =	vst v63  }
.LBB2_2:
0x24: {  	s0 =	sshll.u32 s24, $0xA  }
0x25: {  	s25 =	sadd.s32 s9, s0  }
0x26: {  	s12 =	rddreg [dreg:$0x0];
	s4 =	sshrl.u32 s25, $0x3  }
0x27: {  	s21 =	simm.s32 $0x0;
	s6 =	sadd.s32 s12, s4  }
0x28: {  	[tilespmem:s21], [sflag:$0x4] =	stream.linear.gather [hbm4b:s6+s21], $0x400, $0x38;
	[tilespmem:$0x1A480] =	vst v63  }
0x29: {  	_ =	swait.ge [sflag:s14], $0x400  }
0x2a: {  	[sflag:s14] =	ssyncset.done $0x0  }
0x2b: {  	s29 =	simm.s32 $0x400;
	s4 =	sadd.s32 s2, s4;
	[sflag:s14] =	ssyncadd.s32 $0xFFFFFC00  }
0x2c: {  	[tilespmem:s29], [sflag:$0x4] =	stream.linear.gather [hbm4b:s4+s21], $0x400, $0x38;
	[tilespmem:$0x1A480] =	vst v63  }
0x2d: {  	_ =	swait.ge [sflag:s14], $0x400  }
0x2e: {  	[sflag:s14] =	ssyncset.done $0x0  }
0x2f: {  	[sflag:s14] =	ssyncadd.s32 $0xFFFFFC00  }
0x30: {  	v9 =	vld [tilespmem:s21+$0x0];
	_ =	sdelay $0x4  }
0x31: {  	vm0 =	veq.s32 v9, $0x0  }
0x32: {  	vm2 =	veq.s32 v9, $0x1;
	v10 =	vsel vm0, $0x1, v3  }
0x33: {  	vm3 =	veq.s32 v9, $0x2;
	v11 =	vsel vm2, $0x1, v3;
	(xrf0) =	vadd.scan.msk.s32 $0xffff, v10  }
0x34: {  	v9 =	vsel vm3, $0x1, v3;
	(xrf0) =	vadd.scan.msk.s32 $0xffff, v11  }
0x35: {  	(xrf0) =	vadd.scan.msk.s32 $0xffff, v9  }
0x36: {  	s30 =	simm.s32 $0x10  }
0x37: {  	v9 =	vld [tilespmem:s30+$0x0];
	_ =	sdelay $0x1  }
0x38: {  	v12, _, _ =	vpop (xrf0)  }
0x39: {  	v10 =	vxor.u32 $0x80000000, v12;
	v13, _, _ =	vpop (xrf0)  }
0x3a: {  	v11 =	vxor.u32 $0x80000000, v13;
	(xrf0) =	vmax.scan.msk.u32 $0xffff, v10;
	v14, _, _ =	vpop (xrf0)  }
0x3b: {  	vm5 =	veq.s32 v9, $0x0;
	v10 =	vxor.u32 $0x80000000, v14;
	(xrf0) =	vmax.scan.msk.u32 $0xffff, v11  }
0x3c: {  	(xrf0) =	vmax.scan.msk.u32 $0xffff, v10;
	v10 =	vsel vm5, $0x1, v3  }
0x3d: {  	vm4 =	veq.s32 v9, $0x2;
	(xrf0) =	vadd.scan.msk.s32 $0xffff, v10  }
0x3e: {  	vm1 =	veq.s32 v9, $0x1;
	v9 =	vsel vm4, $0x1, v3  }
0x3f: {  	v11 =	vsel vm1, $0x1, v3  }
0x40: {  	s26 =	simm.s32 $0x20;
	(xrf0) =	vadd.scan.msk.s32 $0xffff, v11;
	v10, _, _ =	vpop (xrf0)  }
0x41: {  	v15 =	vld [tilespmem:s26+$0x0];
	(xrf0) =	vadd.scan.msk.s32 $0xffff, v9;
	(v2sf) =	vpush v10, $0xF;
	v9, _, _ =	vpop (xrf0)  }
0x42: {  	(v2sf) =	vpush v9, $0xF;
	v9, _, _ =	vpop (xrf0)  }
0x43: {  	(v2sf) =	vpush v9, $0xF;
	v9, _, _ =	vpop (xrf0)  }
0x44: {  	v11 =	vxor.u32 $0x80000000, v9;
	_ =	sdelay $0x1  }
0x45: {  	v17 =	vmov s21;
	vm8 =	veq.s32 v15, $0x0;
	vm9 =	veq.s32 v15, $0x2;
	v10, _, _ =	vpop (xrf0)  }
0x46: {  	vm3 =	vmmov vm3;
	vm0 =	vmmov vm0;
	v16 =	vxor.u32 $0x80000000, v10;
	(xrf0) =	vmax.scan.msk.u32 $0xffff, v11;
	v11, _, _ =	vpop (xrf0)  }
0x47: {  	vm2 =	vmmov vm2;
	vm6 =	vmmov vm3;
	(xrf0) =	vmax.scan.msk.u32 $0xffff, v16;
	v18 =	vxor.u32 $0x80000000, v11  }
0x48: {  	s23 =	simm.s32 $0x480;
	vm3 =	vmmov vm0;
	vm0 =	vmmov vm2;
	vm2 =	veq.s32 v15, $0x1;
	(xrf0) =	vmax.scan.msk.u32 $0xffff, v18  }
0x49: {  	s1 =	simm.s32 $0x900;
	v20 =	vsel vm2, $0x1, v3;
	v16 =	vadd.s32 $0xFFFFFFFF, v17;
	v17 =	vmov s23  }
0x4a: {  	v19 =	vsel vm8, $0x1, v3;
	v17 =	vadd.s32 $0xFFFFFFFF, v17;
	v18 =	vmov s1  }
0x4b: {  	v16 =	vbroadcast v16, $0x0;
	v17 =	vbroadcast v17, $0x0;
	v18 =	vadd.s32 $0xFFFFFFFF, v18;
	(xrf0) =	vadd.scan.msk.s32 $0xffff, v19  }
0x4c: {  	v21 =	vsel vm9, $0x1, v3;
	v19 =	vld [tilespmem:s29+$0x0];
	v18 =	vbroadcast v18, $0x0;
	(xrf0) =	vadd.scan.msk.s32 $0xffff, v20;
	v20, _, _ =	vpop (xrf0)  }
0x4d: {  	v16 =	vadd.s32 v12, v16;
	v15 =	vadd.s32 v13, v17;
	(v2sf) =	vpush v20, $0xF;
	v13, _, _ =	vpop (xrf0)  }
0x4e: {  	(xrf0) =	vadd.scan.msk.s32 $0xffff, v21;
	v12 =	vadd.s32 v14, v18;
	v14 =	vmov s21;
	(v2sf) =	vpush v13, $0xF;
	v13, _, _ =	vpop (xrf0)  }
0x4f: {  	vm6 =	vmmov vm6;
	(v2sf) =	vpush v13, $0xF;
	v13 =	vshll.u32 v14, $0x1  }
0x50: {  	vm4 =	vmmov vm4;
	vm1 =	vmmov vm1;
	s6 =	spop (v2sf);
	v14 =	vor.u32 v1, v13  }
0x51: {  	s28 =	simm.s32 $0x30;
	vm7 =	vmmov vm4;
	v17 =	vshrl.u32 v19, $0x1;
	v18 =	vand.u32 $0x1, v19;
	s12 =	spop (v2sf)  }
0x52: {  	vm4 =	vmmov vm9;
	vm5 =	vmmov vm5;
	[tilespmem:v16+s15+$0x0] =	vst.idx.msk vm3, v17;
	s0 =	sadd.s32 $0x0, s6;
	s6 =	simm.s32 $0x40;
	v18 =	vor.u32 v14, v18;
	s21 =	spop (v2sf);
	v13, _, _ =	vpop (xrf0)  }
0x53: {  	v19 =	vld [tilespmem:s28+$0x0];
	s31 =	sadd.s32 $0x80000000, s0;
	s23 =	sadd.s32 $0x0, s12;
	[tilespmem:v16+s16+$0x0] =	vst.idx.msk vm3, v18;
	s12 =	sadd.s32 $0x0, s21;
	vm3 =	vmmov vm5;
	vm5 =	vmmov vm8;
	v20 =	vxor.u32 $0x80000000, v13;
	v14, _, _ =	vpop (xrf0)  }
0x54: {  	s4 =	sadd.s32 $0x80000000, s23;
	[tilespmem:v15+s15+$0x0] =	vst.idx.msk vm0, v17;
	s0 =	sadd.s32 $0x80000000, s12;
	s12 =	simm.s32 $0x30;
	v21 =	vxor.u32 $0x80000000, v14;
	(xrf0) =	vmax.scan.msk.u32 $0xffff, v20;
	v16, _, _ =	vpop (xrf0);
	v20 =	vmov s31  }
.LBB2_3:
0x55: {  	v22 =	vxor.u32 $0x80000000, v16;
	(xrf0) =	vmax.scan.msk.u32 $0xffff, v21  }
0x56: {  	p0 =	sne.s32 s6, $0x3F0;
	v20 =	vadd.s32 $0xFFFFFFFF, v20;
	s21 =	sadd.s32 $0x480, s4;
	s23 =	sadd.s32 $0x900, s0;
	[tilespmem:v15+s16+$0x0] =	vst.idx.msk vm0, v18;
	vm0 =	vmmov vm1;
	vm1 =	vmmov vm2  }
0x57: {  	(xrf0) =	vmax.scan.msk.u32 $0xffff, v22;
	v15 =	vbroadcast v20, $0x0;
	v20 =	vmov s21;
	v21 =	vmov s23  }
0x58: {  	vm8 =	veq.s32 v19, $0x0;
	v20 =	vadd.s32 $0xFFFFFFFF, v20;
	v21 =	vadd.s32 $0xFFFFFFFF, v21;
	[tilespmem:v12+s15+$0x0] =	vst.idx.msk vm6, v17  }
0x59: {  	s29 =	sadd.s32 $0x10, s29;
	vm2 =	veq.s32 v19, $0x1;
	v17 =	vsel vm8, $0x1, v3;
	v20 =	vbroadcast v20, $0x0;
	[tilespmem:v12+s16+$0x0] =	vst.idx.msk vm6, v18  }
0x5a: {  	vm9 =	veq.s32 v19, $0x2;
	v22 =	vsel vm2, $0x1, v3;
	(xrf0) =	vadd.scan.msk.s32 $0xffff, v17;
	v18 =	vld [tilespmem:s29+$0x0];
	v17 =	vbroadcast v21, $0x0  }
0x5b: {  	v19 =	vsel vm9, $0x1, v3;
	v21 =	vadd.s32 v9, v15;
	(xrf0) =	vadd.scan.msk.s32 $0xffff, v22;
	v12, _, _ =	vpop (xrf0);
	v15 =	vadd.s32 v10, v20  }
0x5c: {  	v9 =	vmov v13;
	(xrf0) =	vadd.scan.msk.s32 $0xffff, v19;
	(v2sf) =	vpush v12, $0xF;
	v10, _, _ =	vpop (xrf0);
	v12 =	vadd.s32 v11, v17  }
0x5d: {  	v13 =	vmov s30;
	s30 =	smov.u32 s26;
	s26 =	smov.u32 s28;
	s28 =	smov.u32 s6;
	(v2sf) =	vpush v10, $0xF;
	v11, _, _ =	vpop (xrf0);
	v10 =	vmov v14  }
.Ltmp4:
0x5e: {  	vm6 =	vmmov vm7;
	v20 =	vshll.u32 v13, $0x1;
	(v2sf) =	vpush v11, $0xF;
	s21 =	spop (v2sf);
	v11 =	vmovc v16;
	(pc) =	sbr.rel @p0 .LBB2_3-.Ltmp4, $4  }
0x5f: {  	s12 =	sadd.s32 $0x10, s12;
	v20 =	vor.u32 v1, v20;
	v17 =	vshrl.u32 v18, $0x1;
	v16 =	vand.u32 $0x1, v18;
	s23 =	spop (v2sf)  }
0x60: {  	vm7 =	vmmov vm4;
	vm4 =	vmmov vm9;
	s21 =	sadd.s32 s21, s31;
	v19 =	vld [tilespmem:s12+$0x0];
	v13, _, _ =	vpop (xrf0);
	v18 =	vor.u32 v20, v16;
	[tilespmem:v21+s15+$0x0] =	vst.idx.msk vm3, v17;
	s1 =	spop (v2sf)  }
0x61: {  	s31 =	sadd.s32 $0x80000000, s21;
	s4 =	sadd.s32 s23, s4;
	v20 =	vxor.u32 $0x80000000, v13;
	v14, _, _ =	vpop (xrf0);
	[tilespmem:v21+s16+$0x0] =	vst.idx.msk vm3, v18;
	s0 =	sadd.s32 s1, s0;
	vm3 =	vmmov vm5;
	vm5 =	vmmov vm8  }
0x62: {  	s6 =	sadd.s32 $0x10, s6;
	s4 =	sadd.s32 $0x80000000, s4;
	v21 =	vxor.u32 $0x80000000, v14;
	(xrf0) =	vmax.scan.msk.u32 $0xffff, v20;
	v16, _, _ =	vpop (xrf0);
	v20 =	vmov s31;
	[tilespmem:v15+s15+$0x0] =	vst.idx.msk vm0, v17;
	s0 =	sadd.s32 $0x80000000, s0  }
0x63: {  	_ =	sdelay $0x1  }
0x64: {  	v22 =	vxor.u32 $0x80000000, v16;
	(xrf0) =	vmax.scan.msk.u32 $0xffff, v21;
	vm9 =	veq.s32 v19, $0x0  }
0x65: {  	(xrf0) =	vmax.scan.msk.u32 $0xffff, v22;
	v60 =	vsel vm9, $0x1, v3  }
0x66: {  	(xrf0) =	vadd.scan.msk.s32 $0xffff, v60;
	_ =	sdelay $0x2  }
0x67: {  	v61, _, _ =	vpop (xrf0)  }
0x68: {  	vm8 =	veq.s32 v19, $0x1;
	v62, _, _ =	vpop (xrf0)  }
0x69: {  	vm11 =	veq.s32 v19, $0x2;
	v23 =	vsel vm8, $0x1, v3;
	v63, _, _ =	vpop (xrf0)  }
0x6a: {  	v24 =	vsel vm11, $0x1, v3;
	(xrf0) =	vadd.scan.msk.s32 $0xffff, v23;
	v28, _, _ =	vpop (xrf0)  }
0x6b: {  	(xrf0) =	vadd.scan.msk.s32 $0xffff, v24;
	v29 =	vxor.u32 $0x80000000, v28  }
0x6c: {  	(v2sf) =	vpush v61, $0xF;
	(xrf0) =	vmax.scan.msk.u32 $0xffff, v29  }
0x6d: {  	(v2sf) =	vpush v62, $0xF  }
0x6e: {  	(v2sf) =	vpush v63, $0xF;
	_ =	sdelay $0x1  }
0x6f: {  	v30 =	vadd.s32 $0xFFFFFFFF, v20;
	v34, _, _ =	vpop (xrf0)  }
0x70: {  	s1 =	sadd.s32 $0x480, s4;
	v35 =	vmov s30;
	vm10 =	vmmov vm1;
	vm12 =	vmmov vm2;
	v25, _, _ =	vpop (xrf0)  }
0x71: {  	s6 =	sadd.s32 $0x10, s29;
	s12 =	sadd.s32 $0x900, s0;
	vm13 =	vmmov vm7;
	vm7 =	vmmov vm4;
	v31 =	vmov s1;
	v26, _, _ =	vpop (xrf0)  }
0x72: {  	v32 =	vld [tilespmem:s6+$0x0];
	v33 =	vmov s12;
	v19 =	vbroadcast v30, $0x0;
	(v2sf) =	vpush v26, $0xF  }
0x73: {  	vm14 =	vmmov vm5;
	v20 =	vadd.s32 $0xFFFFFFFF, v31;
	v22 =	vadd.s32 $0xFFFFFFFF, v33;
	s1 =	spop (v2sf)  }
0x74: {  	v20 =	vbroadcast v20, $0x0;
	v22 =	vbroadcast v22, $0x0;
	v9 =	vadd.s32 v9, v19;
	s23 =	spop (v2sf);
	s1 =	sadd.s32 s1, s31  }
0x75: {  	v46 =	vmov s26;
	v58 =	vmov s28;
	v19 =	vshll.u32 v35, $0x1;
	s12 =	sadd.s32 s23, s4;
	s1 =	sadd.s32 $0x80000000, s1  }
0x76: {  	[tilespmem:v15+s16+$0x0] =	vst.idx.msk vm0, v18;
	s6 =	sadd.s32 $0x10, s6;
	v10 =	vadd.s32 v10, v20;
	v11 =	vadd.s32 v11, v22;
	s21 =	spop (v2sf);
	s4 =	sadd.s32 $0x80000000, s12;
	v39 =	vmov s1  }
0x77: {  	[tilespmem:v12+s15+$0x0] =	vst.idx.msk vm6, v17;
	v44 =	vld [tilespmem:s6+$0x0];
	v19 =	vor.u32 v1, v19;
	v36 =	vand.u32 $0x1, v32;
	s21 =	sadd.s32 s21, s0;
	s23 =	sadd.s32 $0x480, s4;
	v41 =	vadd.s32 $0xFFFFFFFF, v39  }
0x78: {  	[tilespmem:v12+s16+$0x0] =	vst.idx.msk vm6, v18;
	v37 =	vshrl.u32 v32, $0x1;
	s0 =	sadd.s32 $0x80000000, s21;
	v40 =	vmov s23;
	v12 =	vbroadcast v41, $0x0  }
0x79: {  	v19 =	vor.u32 v19, v36;
	[tilespmem:v9+s15+$0x0] =	vst.idx.msk vm3, v37;
	v38 =	vxor.u32 $0x80000000, v34;
	s31 =	sadd.s32 $0x900, s0;
	v43 =	vadd.s32 $0xFFFFFFFF, v40  }
0x7a: {  	[tilespmem:v9+s16+$0x0] =	vst.idx.msk vm3, v19;
	v42 =	vmov s31;
	v18 =	vbroadcast v43, $0x0;
	v12 =	vadd.s32 v13, v12;
	s21 =	spop (v2sf)  }
0x7b: {  	vm0 =	vmmov vm11;
	[tilespmem:v10+s15+$0x0] =	vst.idx.msk vm10, v37;
	(xrf0) =	vmax.scan.msk.u32 $0xffff, v38;
	v17 =	vadd.s32 $0xFFFFFFFF, v42;
	s23 =	spop (v2sf);
	s1 =	sadd.s32 s21, s1  }
0x7c: {  	v47 =	vand.u32 $0x1, v44;
	[tilespmem:v10+s16+$0x0] =	vst.idx.msk vm10, v19;
	v9 =	vbroadcast v17, $0x0;
	v45 =	vadd.s32 v14, v18;
	s31 =	spop (v2sf);
	s1 =	sadd.s32 $0x80000000, s1;
	s4 =	sadd.s32 s23, s4  }
0x7d: {  	v49 =	vshrl.u32 v44, $0x1;
	[tilespmem:v11+s15+$0x0] =	vst.idx.msk vm13, v37;
	v14 =	vshll.u32 v46, $0x1;
	s12 =	sadd.s32 s31, s0;
	v48 =	vmov s1;
	s0 =	sadd.s32 $0x80000000, s4  }
0x7e: {  	s6 =	sadd.s32 $0x10, s6;
	[tilespmem:v11+s16+$0x0] =	vst.idx.msk vm13, v19;
	v9 =	vadd.s32 v16, v9;
	v10 =	vor.u32 v1, v14;
	v50 =	vadd.s32 $0xFFFFFFFF, v48;
	s4 =	sadd.s32 $0x480, s0  }
0x7f: {  	v53 =	vld [tilespmem:s6+$0x0];
	v10 =	vor.u32 v10, v47;
	[tilespmem:v12+s15+$0x0] =	vst.idx.msk vm14, v49;
	s30 =	sadd.s32 $0x80000000, s12;
	v11 =	vbroadcast v50, $0x0;
	v51 =	vmov s4  }
0x80: {  	vm15 =	vmmov vm9;
	vm9 =	vmmov vm8;
	[tilespmem:v12+s16+$0x0] =	vst.idx.msk vm14, v10;
	s12 =	sadd.s32 $0x900, s30;
	v14 =	vadd.s32 $0xFFFFFFFF, v51  }
0x81: {  	v54, _, _ =	vpop (xrf0);
	[tilespmem:v45+s15+$0x0] =	vst.idx.msk vm12, v49;
	v52 =	vmov s12;
	v55 =	vbroadcast v14, $0x0;
	v11 =	vadd.s32 v28, v11;
	s21 =	spop (v2sf)  }
0x82: {  	vm0 =	vmmov vm0;
	(v2sf) =	vpush v54, $0xF;
	[tilespmem:v45+s16+$0x0] =	vst.idx.msk vm12, v10;
	v15 =	vadd.s32 $0xFFFFFFFF, v52;
	s1 =	sadd.s32 s21, s1  }
0x83: {  	vm0 =	vmmov vm0;
	[tilespmem:v9+s15+$0x0] =	vst.idx.msk vm7, v49;
	v56 =	vbroadcast v15, $0x0;
	v12 =	vadd.s32 v34, v55;
	s4 =	sadd.s32 $0x80000000, s1  }
0x84: {  	v59 =	vshrl.u32 v53, $0x1;
	[tilespmem:v9+s16+$0x0] =	vst.idx.msk vm7, v10;
	v10 =	vand.u32 $0x1, v53;
	v14 =	vshll.u32 v58, $0x1;
	s26 =	sadd.s32 $0x7F, s4  }
0x85: {  	v9 =	vor.u32 v1, v14;
	v57 =	vadd.s32 v25, v56;
	v60 =	vadd.s32 s4, v0;
	s29 =	sand.u32 $0xFFFFFF80, s26  }
0x86: {  	v9 =	vor.u32 v9, v10;
	[tilespmem:v11+s15+$0x0] =	vst.idx.msk vm15, v59;
	s1 =	sadd.s32 $0x10, s4;
	vm3 =	vlt.s32 v60, s29  }
0x87: {  	s23 =	smul.u32 $0x83, s24;
	[tilespmem:v11+s16+$0x0] =	vst.idx.msk vm15, v9;
	v10 =	vadd.s32 s1, v0  }
0x88: {  	v11 =	vxor.u32 $0x80000000, v25;
	[tilespmem:v12+s15+$0x0] =	vst.idx.msk vm9, v59;
	s31 =	sadd.s32 $0x20, s4;
	v61 =	vmul.u32 $0x7, v60;
	vm2 =	vlt.s32 v10, s29  }
0x89: {  	s28 =	sadd.s32 s11, s23;
	(xrf0) =	vmax.scan.msk.u32 $0xffff, v11;
	[tilespmem:v12+s16+$0x0] =	vst.idx.msk vm9, v9;
	v11 =	vadd.s32 s31, v0  }
0x8a: {  	[tilespmem:v57+s15+$0x0] =	vst.idx.msk vm0, v59;
	s6 =	sadd.s32 $0x30, s4;
	v63 =	vmul.u32 $0x7, v10;
	vm1 =	vlt.s32 v11, s29;
	v62 =	vadd.s32 s28, v61  }
0x8b: {  	vm13 =	vmmov vm15;
	[tilespmem:v57+s16+$0x0] =	vst.idx.msk vm0, v9;
	v18 =	vadd.s32 s6, v0;
	v9 =	vand.u32 $0x3FFF, v62  }
0x8c: {  	s12 =	sadd.s32 $0x40, s4;
	v19 =	vmul.u32 $0x7, v11;
	vm15 =	vlt.s32 v18, s29;
	[tilespmem:v60+s15+$0x0] =	vst.idx.msk vm3, v9;
	v9 =	vadd.s32 s28, v63  }
0x8d: {  	vm6 =	vmmov vm12;
	v20 =	vadd.s32 s12, v0;
	[tilespmem:v60+s16+$0x0] =	vst.idx.msk vm3, v4;
	v9 =	vand.u32 $0x3FFF, v9  }
0x8e: {  	s21 =	sadd.s32 $0x50, s4;
	v21 =	vmul.u32 $0x7, v18;
	vm6 =	vlt.s32 v20, s29;
	[tilespmem:v10+s15+$0x0] =	vst.idx.msk vm2, v9;
	v9 =	vadd.s32 s28, v19  }
0x8f: {  	vm11 =	vmmov vm7;
	[tilespmem:v10+s16+$0x0] =	vst.idx.msk vm2, v4;
	v9 =	vand.u32 $0x3FFF, v9;
	v10 =	vadd.s32 s21, v0  }
0x90: {  	s23 =	sadd.s32 $0x60, s4;
	v23 =	vmul.u32 $0x7, v20;
	v22, _, _ =	vpop (xrf0);
	[tilespmem:v11+s15+$0x0] =	vst.idx.msk vm1, v9;
	v9 =	vadd.s32 s28, v21;
	vm7 =	vlt.s32 v10, s29  }
0x91: {  	s31 =	spop (v2sf);
	(v2sf) =	vpush v22, $0xF;
	[tilespmem:v11+s16+$0x0] =	vst.idx.msk vm1, v4;
	v9 =	vand.u32 $0x3FFF, v9;
	v11 =	vadd.s32 s23, v0  }
0x92: {  	s12 =	sadd.s32 $0x70, s4;
	s0 =	sadd.s32 s31, s0;
	v24 =	vmul.u32 $0x7, v10;
	[tilespmem:v18+s15+$0x0] =	vst.idx.msk vm15, v9;
	v9 =	vadd.s32 s28, v23;
	vm8 =	vlt.s32 v11, s29  }
0x93: {  	vm14 =	vmmov vm9;
	v25 =	vadd.s32 s12, v0;
	s0 =	sadd.s32 $0x80000000, s0;
	[tilespmem:v18+s16+$0x0] =	vst.idx.msk vm15, v4;
	v9 =	vand.u32 $0x3FFF, v9  }
0x94: {  	vm9 =	vlt.s32 v25, s29;
	s31 =	sadd.s32 $0x7F, s0;
	v26 =	vmul.u32 $0x7, v11;
	[tilespmem:v20+s15+$0x0] =	vst.idx.msk vm6, v9;
	v9 =	vadd.s32 s28, v24  }
0x95: {  	v27 =	vadd.s32 s0, v0;
	s6 =	sand.u32 $0xFFFFFF80, s31;
	[tilespmem:v20+s16+$0x0] =	vst.idx.msk vm6, v4;
	v9 =	vand.u32 $0x3FFF, v9  }
0x96: {  	v28 =	vmul.u32 $0x7, v25;
	vm10 =	vlt.s32 v27, s6;
	s21 =	sadd.s32 $0x10, s0;
	[tilespmem:v10+s15+$0x0] =	vst.idx.msk vm7, v9;
	v9 =	vadd.s32 s28, v26  }
0x97: {  	v29 =	vadd.s32 s21, v0;
	[tilespmem:v10+s16+$0x0] =	vst.idx.msk vm7, v4;
	v9 =	vand.u32 $0x3FFF, v9;
	v10 =	vadd.s32 s0, v5  }
0x98: {  	v30 =	vmul.u32 $0x7, v27;
	vm11 =	vlt.s32 v29, s6;
	s23 =	sadd.s32 $0x20, s0;
	[tilespmem:v11+s15+$0x0] =	vst.idx.msk vm8, v9;
	v9 =	vadd.s32 s28, v28  }
0x99: {  	v31 =	vadd.s32 s23, v0;
	[tilespmem:v11+s16+$0x0] =	vst.idx.msk vm8, v4;
	v9 =	vand.u32 $0x3FFF, v9;
	v11 =	vadd.s32 s21, v5  }
0x9a: {  	s12 =	sadd.s32 $0x30, s0;
	v32 =	vmul.u32 $0x7, v29;
	vm12 =	vlt.s32 v31, s6;
	[tilespmem:v25+s15+$0x0] =	vst.idx.msk vm9, v9;
	v9 =	vadd.s32 s28, v30  }
0x9b: {  	v34 =	vadd.s32 s12, v0;
	v33 =	vadd.s32 s23, v5;
	[tilespmem:v25+s16+$0x0] =	vst.idx.msk vm9, v4;
	v9 =	vand.u32 $0x3FFF, v9  }
0x9c: {  	vm13 =	vlt.s32 v34, s6;
	v35 =	vmul.u32 $0x7, v31;
	s21 =	sadd.s32 $0x40, s0;
	[tilespmem:v10+s15+$0x0] =	vst.idx.msk vm10, v9;
	v9 =	vadd.s32 s28, v32  }
0x9d: {  	v36 =	vadd.s32 s21, v0;
	[tilespmem:v10+s16+$0x0] =	vst.idx.msk vm10, v4;
	v9 =	vand.u32 $0x3FFF, v9;
	v10 =	vadd.s32 s12, v5  }
0x9e: {  	v37 =	vmul.u32 $0x7, v34;
	s23 =	sadd.s32 $0x50, s0;
	vm14 =	vlt.s32 v36, s6;
	[tilespmem:v11+s15+$0x0] =	vst.idx.msk vm11, v9;
	v9 =	vadd.s32 s28, v35  }
0x9f: {  	v38 =	vadd.s32 s23, v0;
	[tilespmem:v11+s16+$0x0] =	vst.idx.msk vm11, v4;
	v9 =	vand.u32 $0x3FFF, v9;
	v11 =	vadd.s32 s21, v5  }
0xa0: {  	vm15 =	vlt.s32 v38, s6;
	v39 =	vmul.u32 $0x7, v36;
	s12 =	sadd.s32 $0x60, s0;
	[tilespmem:v33+s15+$0x0] =	vst.idx.msk vm12, v9;
	v9 =	vadd.s32 s28, v37  }
0xa1: {  	v40 =	vadd.s32 s23, v5;
	v41 =	vadd.s32 s12, v0;
	s21 =	spop (v2sf);
	[tilespmem:v33+s16+$0x0] =	vst.idx.msk vm12, v4;
	v9 =	vand.u32 $0x3FFF, v9  }
0xa2: {  	s23 =	sadd.s32 $0x70, s0;
	v42 =	vmul.u32 $0x7, v38;
	vm6 =	vlt.s32 v41, s6;
	s1 =	sadd.s32 s21, s30;
	[tilespmem:v10+s15+$0x0] =	vst.idx.msk vm13, v9;
	v9 =	vadd.s32 s28, v39  }
0xa3: {  	v43 =	vadd.s32 s23, v0;
	s4 =	sadd.s32 $0x80000000, s1;
	[tilespmem:v10+s16+$0x0] =	vst.idx.msk vm13, v4;
	v9 =	vand.u32 $0x3FFF, v9;
	v10 =	vadd.s32 s12, v5  }
0xa4: {  	vm7 =	vlt.s32 v43, s6;
	v12 =	vmul.u32 $0x7, v41;
	s0 =	sadd.s32 $0x7F, s4;
	[tilespmem:v11+s15+$0x0] =	vst.idx.msk vm14, v9;
	v9 =	vadd.s32 s28, v42  }
0xa5: {  	v44 =	vadd.s32 s4, v0;
	s6 =	sand.u32 $0xFFFFFF80, s0;
	[tilespmem:v11+s16+$0x0] =	vst.idx.msk vm14, v4;
	v9 =	vand.u32 $0x3FFF, v9;
	v11 =	vadd.s32 s23, v5  }
0xa6: {  	v45 =	vmul.u32 $0x7, v43;
	s1 =	sadd.s32 $0x10, s4;
	vm8 =	vlt.s32 v44, s6;
	[tilespmem:v40+s15+$0x0] =	vst.idx.msk vm15, v9;
	v9 =	vadd.s32 s28, v12  }
0xa7: {  	v46 =	vadd.s32 s4, v6;
	v47 =	vadd.s32 s1, v0;
	[tilespmem:v40+s16+$0x0] =	vst.idx.msk vm15, v4;
	v9 =	vand.u32 $0x3FFF, v9  }
0xa8: {  	v48 =	vmul.u32 $0x7, v44;
	vm9 =	vlt.s32 v47, s6;
	s23 =	sadd.s32 $0x20, s4;
	[tilespmem:v10+s15+$0x0] =	vst.idx.msk vm6, v9;
	v9 =	vadd.s32 s28, v45  }
0xa9: {  	v49 =	vadd.s32 s23, v0;
	[tilespmem:v10+s16+$0x0] =	vst.idx.msk vm6, v4;
	v9 =	vand.u32 $0x3FFF, v9;
	v10 =	vadd.s32 s1, v6  }
0xaa: {  	s21 =	sadd.s32 $0x30, s4;
	v50 =	vmul.u32 $0x7, v47;
	vm10 =	vlt.s32 v49, s6;
	[tilespmem:v11+s15+$0x0] =	vst.idx.msk vm7, v9;
	v9 =	vadd.s32 s28, v48  }
0xab: {  	v51 =	vadd.s32 s21, v0;
	[tilespmem:v11+s16+$0x0] =	vst.idx.msk vm7, v4;
	v9 =	vand.u32 $0x3FFF, v9;
	v11 =	vadd.s32 s23, v6  }
0xac: {  	vm11 =	vlt.s32 v51, s6;
	v52 =	vmul.u32 $0x7, v49;
	s23 =	sadd.s32 $0x40, s4;
	[tilespmem:v46+s15+$0x0] =	vst.idx.msk vm8, v9;
	v9 =	vadd.s32 s28, v50  }
0xad: {  	v53 =	vadd.s32 s21, v6;
	v54 =	vadd.s32 s23, v0;
	[tilespmem:v46+s16+$0x0] =	vst.idx.msk vm8, v4;
	v9 =	vand.u32 $0x3FFF, v9  }
0xae: {  	s21 =	sadd.s32 $0x50, s4;
	v55 =	vmul.u32 $0x7, v51;
	vm12 =	vlt.s32 v54, s6;
	[tilespmem:v10+s15+$0x0] =	vst.idx.msk vm9, v9;
	v9 =	vadd.s32 s28, v52  }
0xaf: {  	v56 =	vadd.s32 s21, v0;
	[tilespmem:v10+s16+$0x0] =	vst.idx.msk vm9, v4;
	v9 =	vand.u32 $0x3FFF, v9;
	v10 =	vadd.s32 s23, v6  }
0xb0: {  	vm13 =	vlt.s32 v56, s6;
	v57 =	vmul.u32 $0x7, v54;
	s23 =	sadd.s32 $0x60, s4;
	[tilespmem:v11+s15+$0x0] =	vst.idx.msk vm10, v9;
	v9 =	vadd.s32 s28, v55  }
0xb1: {  	v58 =	vadd.s32 s23, v0;
	[tilespmem:v11+s16+$0x0] =	vst.idx.msk vm10, v4;
	v9 =	vand.u32 $0x3FFF, v9;
	v11 =	vadd.s32 s21, v6  }
0xb2: {  	v59 =	vmul.u32 $0x7, v56;
	vm14 =	vlt.s32 v58, s6;
	s21 =	sadd.s32 $0x70, s4;
	[tilespmem:v53+s15+$0x0] =	vst.idx.msk vm11, v9;
	v9 =	vadd.s32 s28, v57  }
0xb3: {  	v60 =	vadd.s32 s23, v6;
	v61 =	vadd.s32 s21, v0;
	[tilespmem:v53+s16+$0x0] =	vst.idx.msk vm11, v4;
	v9 =	vand.u32 $0x3FFF, v9  }
0xb4: {  	v62 =	vmul.u32 $0x7, v58;
	vm15 =	vlt.s32 v61, s6;
	[tilespmem:v10+s15+$0x0] =	vst.idx.msk vm12, v9;
	v9 =	vadd.s32 s28, v59  }
0xb5: {  	[tilespmem:v10+s16+$0x0] =	vst.idx.msk vm12, v4;
	v9 =	vand.u32 $0x3FFF, v9;
	v10 =	vadd.s32 s21, v6  }
0xb6: {  	v63 =	vmul.u32 $0x7, v61;
	[tilespmem:v11+s15+$0x0] =	vst.idx.msk vm13, v9;
	v9 =	vadd.s32 s28, v62  }
0xb7: {  	p2 =	seq.s32 s24, $0x0;
	s26 =	sshrl.u32 s26, $0x7;
	s23 =	sshrl.u32 s31, $0x7;
	[tilespmem:v11+s16+$0x0] =	vst.idx.msk vm13, v4;
	v9 =	vand.u32 $0x3FFF, v9  }
0xb8: {  	p0 =	seq.s32 s26, $0x0;
	s0 =	sshrl.u32 s0, $0x7;
	[tilespmem:v60+s15+$0x0] =	vst.idx.msk vm14, v9;
	v9 =	vadd.s32 s28, v63;
	s28 =	sadd.s32 s26, s23  }
0xb9: {  	s1 =	simm.s32 $0x1;
	s4 =	simm.s32 $0x1;
	[tilespmem:v60+s16+$0x0] =	vst.idx.msk vm14, v4;
	v9 =	vand.u32 $0x3FFF, v9;
	p1 =	seq.s32 s28, $0x0  }
0xba: {  	s1 =	simm.s32 @!p0 $0x0;
	s6 =	simm.s32 @!p2 $0x3;
	[tilespmem:v10+s15+$0x0] =	vst.idx.msk vm15, v9;
	s4 =	simm.s32 @!p1 $0x0  }
0xbb: {  	[tilespmem:v10+s16+$0x0] =	vst.idx.msk vm15, v4;
	s1 =	sadd.s32 s1, s4;
	s4 =	ssub.s32 $0x480, s29;
	s29 =	sadd.s32 s0, s28  }
0xbc: {  	_ =	swait.ge @!p2 [sflag:s6], $0x10000;
	p3 =	seq.s32 s1, $0x0;
	s4 =	simm.s32 @p1 $0x900  }
0xbd: {  	[sflag:s6] =	ssyncset.done @!p2 $0x0;
	s4 =	simm.s32 @!p0 $0x0;
	p0 =	seq.s32 s29, $0x0  }
.Ltmp5:
0xbe: {  	p4 =	seq.s32 @!p3 s1, $0x2;
	[sflag:s6] =	ssyncadd.s32 @!p2 $0xFFFF0000;
	(pc) =	sbr.rel @!p0 .LBB2_9-.Ltmp5, $4  }
.Ltmp6:
0xbf: {  	p2 =	por !p4, p3;
	s6 =	smov.u32 s10;
	(pc) =	sbr.rel @p0 .LBB2_5-.Ltmp6, $4  }
0xc0: {  	s6 =	smov.u32 @p2 s8  }
0xc1: {  	s30 =	simm.s32 $0x0;
	s31 =	sadd.s32 $0x900, s4;
	s6 =	smov.u32 @p3 s7  }
0xc2: {  	[tilespmem:s19], [sflag:$0x1] =	stream.indirect.gather [hbm4b:s6+s18], $0x80, s31, s18, $0xb8;
	[tilespmem:$0x1A480] =	vst v63  }
0xc3: {  	_ = 	snop  }
.LBB2_14:
.Ltmp7:
0xc4: {  	(pc) =	sbr.rel .LBB2_15-.Ltmp7, $3  }
0xc5: {  	_ =	sdelay $0x1  }
0xc6: {  	[tilespmem:s22], [sflag:$0x2] =	stream.indirect.gather [hbm4b:s10+s18], $0x80, s21, s18, $0xb8;
	[tilespmem:$0x1A480] =	vst v63  }
0xc7: {  	p1 =	por $0x1, $0x1  }
.LBB2_9:
0xc8: {  	p0 =	sge.u32 s30, s26;
	s31 =	simm.s32 $0x1  }
0xc9: {  	s4 =	sand.u32 $0x1, s30;
	s0 =	ssub.s32 s30, s26;
	s1 =	ssub.s32 s30, s28  }
0xca: {  	s31 =	simm.s32 @!p0 $0x0;
	s0 =	sshll.u32 s0, $0x7;
	s1 =	sshll.u32 s1, $0x7  }
0xcb: {  	p0 =	slt.u32 s30, s28;
	s12 =	sadd.s32 $0x480, s0;
	s0 =	sadd.s32 $0x900, s1  }
0xcc: {  	s0 =	smov.u32 @p0 s12;
	p0 =	seq.s32 s4, $0x0  }
.Ltmp8:
0xcd: {  	_ = 	snop;
	(pc) =	sbr.rel @!p0 .LBB2_10-.Ltmp8, $4  }
0xce: {  	_ = 	snop  }
0xcf: {  	p1 =	sge.u32 s30, s28  }
0xd0: {  	s6 =	simm.s32 $0x1;
	p2 =	slt.u32 s30, s26;
	s1 =	sshll.u32 s30, $0x7  }
0xd1: {  	s6 =	simm.s32 @!p1 $0x0;
	s0 =	smov.u32 @p2 s1  }
0xd2: {  	s30 =	sor.u32 $0x1, s30  }
0xd3: {  	p2 =	sge.u32 s30, s29  }
.Ltmp9:
0xd4: {  	_ = 	snop;
	(pc) =	sbr.rel @p2 .LBB2_15-.Ltmp9, $4  }
0xd5: {  	_ = 	snop  }
0xd6: {  	_ =	swait.ge [sflag:s17], $0x4000  }
0xd7: {  	[sflag:s17] =	ssyncset.done $0x0  }
0xd8: {  	p1 =	por $0x0, $0x0;
	[sflag:s17] =	ssyncadd.s32 $0xFFFFC000  }
0xd9: {  	p1 =	sge.u32 s30, s26;
	s1 =	simm.s32 $0x1  }
0xda: {  	s12 =	simm.s32 $0x1;
	s21 =	ssub.s32 s30, s26;
	s23 =	ssub.s32 s30, s28  }
0xdb: {  	s1 =	simm.s32 @!p1 $0x0;
	p1 =	sge.u32 s30, s28;
	s21 =	sshll.u32 s21, $0x7  }
0xdc: {  	s23 =	sshll.u32 s23, $0x7;
	s12 =	simm.s32 @!p1 $0x0;
	p1 =	slt.u32 s30, s28  }
0xdd: {  	s12 =	sadd.s32 s12, s1;
	s1 =	sadd.s32 $0x480, s21;
	s21 =	sadd.s32 $0x900, s23  }
0xde: {  	s21 =	smov.u32 @p1 s1;
	p1 =	seq.s32 s12, $0x2  }
.Ltmp10:
0xdf: {  	_ = 	snop;
	(pc) =	sbr.rel @p1 .LBB2_14-.Ltmp10, $4  }
0xe0: {  	_ = 	snop  }
0xe1: {  	p2 =	slt.u32 s30, s26;
	s23 =	sshll.u32 s30, $0x7  }
0xe2: {  	s21 =	smov.u32 @p2 s23  }
0xe3: {  	s21 =	sadd.s32 $0x900, s21  }
.Ltmp11:
0xe4: {  	p1 =	seq.s32 s12, $0x1;
	(pc) =	sbr.rel .LBB2_15-.Ltmp11, $4  }
0xe5: {  	[tilespmem:s22], [sflag:$0x2] =	stream.indirect.gather @p1 [hbm4b:s8+s18], $0x80, s21, s18, $0xb8;
	[tilespmem:$0x1A480] =	vst v63  }
0xe6: {  	_ = 	snop  }
0xe7: {  	[tilespmem:s22], [sflag:$0x2] =	stream.indirect.gather @!p1 [hbm4b:s7+s18], $0x80, s21, s18, $0xb8;
	[tilespmem:$0x1A480] =	vst v63  }
0xe8: {  	p1 =	por $0x1, $0x1  }
.LBB2_10:
0xe9: {  	s30 =	sadd.s32 $0x1, s30  }
0xea: {  	p1 =	slt.u32 s30, s29  }
.LBB2_15:
0xeb: {  	p2 =	por !p1, p0  }
0xec: {  	s23 =	simm.s32 @!p0 $0x2;
	p3 =	sge.u32 @!p2 s30, s26;
	p4 =	sge.u32 @!p2 s30, s28  }
0xed: {  	s1 =	simm.s32 @!p2 $0x1;
	p3 =	por @!p0 !p3, !p1;
	p4 =	por @!p0 !p4, !p1  }
0xee: {  	s12 =	simm.s32 @!p2 $0x1;
	p3 =	por !p3, p0;
	p4 =	por !p4, p0  }
0xef: {  	s21 =	ssub.s32 @!p2 s30, s26;
	s12 =	simm.s32 @!p3 $0x0;
	s1 =	simm.s32 @!p4 $0x0  }
0xf0: {  	_ =	swait.ge @!p0 [sflag:s23], $0x4000;
	p3 =	slt.u32 @!p2 s30, s28;
	s1 =	sadd.s32 @!p2 s1, s12  }
0xf1: {  	s12 =	sshll.u32 @!p2 s21, $0x7;
	s21 =	ssub.s32 @!p2 s30, s28;
	p4 =	por @!p0 !p3, !p1  }
0xf2: {  	s12 =	sadd.s32 @!p2 $0x480, s12;
	s21 =	sshll.u32 @!p2 s21, $0x7;
	p3 =	seq.s32 @!p2 s1, $0x0  }
0xf3: {  	p4 =	por !p4, p0;
	s21 =	sadd.s32 @!p2 $0x900, s21;
	p5 =	por @!p0 p3, !p1  }
0xf4: {  	s21 =	smov.u32 @p4 s12;
	p4 =	slt.u32 @!p2 s30, s26;
	p5 =	por p5, p0  }
0xf5: {  	[sflag:s23] =	ssyncset.done @!p0 $0x0;
	p4 =	por @!p0 !p4, !p1;
	p5 =	seq.s32 @!p5 s1, $0x2  }
0xf6: {  	s1 =	sshll.u32 @!p2 s30, $0x7;
	p4 =	por !p4, p0;
	p5 =	por @!p2 !p5, p3  }
0xf7: {  	[sflag:s23] =	ssyncadd.s32 @!p0 $0xFFFFC000;
	s21 =	smov.u32 @p4 s1;
	p4 =	por @!p0 !p5, !p1  }
0xf8: {  	s1 =	smov.u32 s10;
	p1 =	por @!p0 !p3, !p1;
	p4 =	por !p4, p0  }
0xf9: {  	s23 =	simm.s32 @!p2 $0x2400;
	p0 =	por !p1, p0;
	s1 =	smov.u32 @p4 s8  }
0xfa: {  	s12 =	sadd.s32 @!p2 $0x900, s21;
	s21 =	simm.s32 @!p2 $0x80;
	s1 =	smov.u32 @p0 s7  }
0xfb: {  	[tilespmem:s23], [sflag:$0x1] =	stream.indirect.gather @!p2 [hbm4b:s1+s21], $0x80, s12, s21, $0xb8;
	[tilespmem:$0x1A480] =	vst v63  }
0xfc: {  	v11 =	vld [tilespmem:s0+$0x1680];
	_ =	sdelay $0x4  }
0xfd: {  	s12 =	sadd.s32 s6, s31;
	s21 =	simm.s32 $0x0;
	v9 =	vshll.u32 v11, $0x6  }
0xfe: {  	s31 =	sshll.u32 s4, $0xE;
	s1 =	sshll.u32 s12, $0x6;
	v10 =	vadd.s32 s21, v0;
	v9 =	vand.u32 $0x40, v9  }
0xff: {  	s23 =	simm.s32 $0x1;
	v19 =	vmov s1;
	v37 =	vand.u32 $0x3F, v10;
	v9 =	vor.u32 s31, v9  }
0x100: {  	v10 =	vor.u32 v19, v37;
	v20 =	vor.u32 v2, v9;
	v9 =	vadd.s32 s23, v0  }
0x101: {  	v12 =	vld [tilespmem:s0+$0x1690];
	v13 =	vor.u32 v37, v20;
	v9 =	vand.u32 $0x3F, v9  }
0x102: {  	v14 =	vor.u32 v19, v9  }
0x103: {  	v15 =	vor.u32 v9, v20;
	_ =	sdelay $0x1  }
0x104: {  	v10 =	vld.idx.msk [tilespmem:v10+s13+$0x0], $0xffff  }
0x105: {  	v17 =	vshll.u32 v12, $0x6;
	v13 =	vld.idx.msk [tilespmem:v13+s19+$0x0], $0xffff  }
0x106: {  	v18 =	vshll.u32 v11, $0x5;
	v17 =	vand.u32 $0x40, v17;
	v11 =	vld.idx.msk [tilespmem:v14+s13+$0x0], $0xffff  }
0x107: {  	v21 =	vand.u32 $0xFFFFFFC0, v18;
	v14 =	vor.u32 s31, v17;
	v15 =	vld.idx.msk [tilespmem:v15+s19+$0x0], $0xffff  }
0x108: {  	v16 =	vld [tilespmem:s0+$0x16A0];
	v23 =	vor.u32 v7, v14;
	v14 =	vor.u32 v21, v37  }
0x109: {  	v29 =	vld [tilespmem:s0+$0x16D0];
	v24 =	vor.u32 v21, v9;
	v22 =	vor.u32 v37, v23  }
0x10a: {  	v32 =	vld [tilespmem:s0+$0x16E0];
	v25 =	vor.u32 v9, v23  }
0x10b: {  	v26 =	vld [tilespmem:s0+$0x16F0];
	v13 =	vadd.f32 v13, v10  }
0x10c: {  	v18 =	vld [tilespmem:s0+$0x16C0];
	v15 =	vadd.f32 v15, v11  }
0x10d: {  	v27 =	vshll.u32 v16, $0x6;
	v17 =	vld [tilespmem:s0+$0x16B0];
	[tilespmem:v14+s20+$0x0] =	vst.idx.msk $0xffff, v13  }
0x10e: {  	v12 =	vshll.u32 v12, $0x5;
	v13 =	vand.u32 $0x40, v27;
	v14 =	vld.idx.msk [tilespmem:v22+s19+$0x0], $0xffff;
	[tilespmem:v24+s20+$0x0] =	vst.idx.msk $0xffff, v15  }
0x10f: {  	v13 =	vor.u32 s31, v13;
	v24 =	vand.u32 $0xFFFFFFC0, v12;
	v12 =	vld.idx.msk [tilespmem:v25+s19+$0x0], $0xffff  }
0x110: {  	v25 =	vor.u32 v8, v13;
	v13 =	vor.u32 v24, v37  }
0x111: {  	s4 =	simm.s32 $0x2;
	v27 =	vor.u32 v24, v9;
	v22 =	vor.u32 v37, v25  }
0x112: {  	v15 =	vadd.s32 s4, v0;
	v28 =	vor.u32 v9, v25  }
0x113: {  	s6 =	simm.s32 $0x3;
	v30 =	vshll.u32 v17, $0x6;
	v15 =	vand.u32 $0x3F, v15;
	v14 =	vadd.f32 v14, v10  }
0x114: {  	v31 =	vor.u32 v19, v15;
	v33 =	vadd.f32 v12, v11;
	v12 =	vadd.s32 s6, v0  }
0x115: {  	v30 =	vand.u32 $0x40, v30;
	v34 =	vor.u32 v15, v20;
	[tilespmem:v13+s20+$0x0] =	vst.idx.msk $0xffff, v14;
	v12 =	vand.u32 $0x3F, v12  }
0x116: {  	v13 =	vshll.u32 v16, $0x5;
	v14 =	vor.u32 s31, v30;
	v16 =	vld.idx.msk [tilespmem:v22+s19+$0x0], $0xffff;
	[tilespmem:v27+s20+$0x0] =	vst.idx.msk $0xffff, v33;
	v22 =	vor.u32 v19, v12  }
0x117: {  	v30 =	vor.u32 $0x1800, v2;
	v27 =	vand.u32 $0xFFFFFFC0, v13;
	v35 =	vor.u32 v12, v20;
	v33 =	vld.idx.msk [tilespmem:v28+s19+$0x0], $0xffff  }
0x118: {  	v28 =	vor.u32 v30, v14;
	v30 =	vor.u32 v27, v37  }
0x119: {  	v13 =	vld.idx.msk [tilespmem:v31+s13+$0x0], $0xffff;
	v36 =	vor.u32 v27, v9;
	v31 =	vor.u32 v37, v28  }
0x11a: {  	v53 =	vor.u32 $0x2800, v2;
	s21 =	simm.s32 $0x5;
	v34 =	vld.idx.msk [tilespmem:v34+s19+$0x0], $0xffff;
	v14 =	vshll.u32 v18, $0x6;
	v38 =	vor.u32 v9, v28  }
0x11b: {  	v47 =	vadd.s32 s21, v0;
	v39 =	vand.u32 $0x40, v14;
	v14 =	vld.idx.msk [tilespmem:v22+s13+$0x0], $0xffff;
	v16 =	vadd.f32 v16, v10  }
0x11c: {  	v63 =	vor.u32 v15, v23;
	v54 =	vor.u32 v24, v15;
	v35 =	vld.idx.msk [tilespmem:v35+s19+$0x0], $0xffff;
	v33 =	vadd.f32 v33, v11  }
0x11d: {  	v17 =	vshll.u32 v17, $0x5;
	v48 =	vor.u32 v21, v12;
	[tilespmem:v30+s20+$0x0] =	vst.idx.msk $0xffff, v16;
	v16 =	vor.u32 v21, v15  }
0x11e: {  	v49 =	vor.u32 v12, v23;
	v55 =	vor.u32 v24, v12;
	v40 =	vld.idx.msk [tilespmem:v31+s19+$0x0], $0xffff;
	[tilespmem:v36+s20+$0x0] =	vst.idx.msk $0xffff, v33  }
0x11f: {  	v39 =	vor.u32 s31, v39;
	v30 =	vand.u32 $0xFFFFFFC0, v17;
	v31 =	vor.u32 $0x2000, v2;
	v17 =	vld.idx.msk [tilespmem:v38+s19+$0x0], $0xffff  }
0x120: {  	v34 =	vadd.f32 v34, v13;
	v50 =	vor.u32 v30, v37;
	v31 =	vor.u32 v31, v39  }
0x121: {  	v42 =	vor.u32 v30, v9;
	v35 =	vadd.f32 v35, v14;
	v41 =	vor.u32 v37, v31  }
0x122: {  	v56 =	vor.u32 v12, v25;
	v22 =	vshll.u32 v29, $0x6;
	[tilespmem:v16+s20+$0x0] =	vst.idx.msk $0xffff, v34;
	v16 =	vor.u32 v9, v31  }
0x123: {  	v43 =	vshll.u32 v29, $0x5;
	v22 =	vand.u32 $0x40, v22;
	[tilespmem:v48+s20+$0x0] =	vst.idx.msk $0xffff, v35;
	v51 =	vld.idx.msk [tilespmem:v63+s19+$0x0], $0xffff;
	v52 =	vadd.f32 v40, v10  }
0x124: {  	v29 =	vshll.u32 v32, $0x6;
	v22 =	vor.u32 s31, v22;
	v36 =	vld.idx.msk [tilespmem:v49+s19+$0x0], $0xffff;
	v17 =	vadd.f32 v17, v11  }
0x125: {  	s12 =	simm.s32 $0x4;
	v18 =	vshll.u32 v18, $0x5;
	v33 =	vor.u32 v53, v22;
	v34 =	vand.u32 $0x40, v29;
	[tilespmem:v50+s20+$0x0] =	vst.idx.msk $0xffff, v52  }
0x126: {  	v29 =	vand.u32 $0xFFFFFFC0, v18;
	v18 =	vadd.s32 s12, v0;
	v39 =	vld.idx.msk [tilespmem:v41+s19+$0x0], $0xffff;
	[tilespmem:v42+s20+$0x0] =	vst.idx.msk $0xffff, v17;
	v17 =	vor.u32 v15, v25  }
0x127: {  	v61 =	vor.u32 v37, v33;
	v57 =	vor.u32 v9, v33;
	v22 =	vld.idx.msk [tilespmem:v16+s19+$0x0], $0xffff;
	v16 =	vand.u32 $0x3F, v18  }
0x128: {  	v58 =	vor.u32 v29, v37;
	v59 =	vor.u32 v19, v16;
	v18 =	vadd.f32 v51, v13  }
0x129: {  	v45 =	vor.u32 v29, v9;
	v60 =	vadd.f32 v36, v14;
	v46 =	vor.u32 v16, v20  }
0x12a: {  	v48 =	vshll.u32 v26, $0x6;
	v49 =	vor.u32 v12, v28;
	v51 =	vor.u32 v21, v16;
	[tilespmem:v54+s20+$0x0] =	vst.idx.msk $0xffff, v18  }
0x12b: {  	v52 =	vand.u32 $0x40, v48;
	v48 =	vor.u32 v16, v25;
	v18 =	vand.u32 $0x3F, v47;
	[tilespmem:v55+s20+$0x0] =	vst.idx.msk $0xffff, v60;
	v62 =	vld.idx.msk [tilespmem:v17+s19+$0x0], $0xffff  }
0x12c: {  	v60 =	vor.u32 v27, v12;
	v63 =	vadd.f32 v39, v10;
	v53 =	vor.u32 v19, v18;
	v54 =	vld.idx.msk [tilespmem:v56+s19+$0x0], $0xffff  }
0x12d: {  	v55 =	vor.u32 v18, v20;
	v56 =	vor.u32 v27, v15;
	v22 =	vadd.f32 v22, v11;
	v17 =	vld.idx.msk [tilespmem:v59+s13+$0x0], $0xffff  }
0x12e: {  	v39 =	vor.u32 s31, v52;
	v52 =	vor.u32 v16, v23;
	[tilespmem:v58+s20+$0x0] =	vst.idx.msk $0xffff, v63;
	v46 =	vld.idx.msk [tilespmem:v46+s19+$0x0], $0xffff  }
0x12f: {  	v58 =	vor.u32 s31, v34;
	v59 =	vor.u32 $0x3000, v2;
	v34 =	vand.u32 $0xFFFFFFC0, v43;
	v36 =	vld.idx.msk [tilespmem:v61+s19+$0x0], $0xffff;
	[tilespmem:v45+s20+$0x0] =	vst.idx.msk $0xffff, v22  }
0x130: {  	v61 =	vor.u32 v15, v28;
	v50 =	vor.u32 v34, v37;
	v35 =	vor.u32 v59, v58;
	v38 =	vld.idx.msk [tilespmem:v57+s19+$0x0], $0xffff  }
0x131: {  	v63 =	vor.u32 v34, v9;
	v59 =	vor.u32 $0x3800, v2;
	v47 =	vadd.f32 v62, v13;
	v22 =	vld.idx.msk [tilespmem:v53+s13+$0x0], $0xffff  }
0x132: {  	v57 =	vor.u32 v37, v35;
	v58 =	vor.u32 v9, v35;
	v62 =	vadd.f32 v54, v14;
	v42 =	vld.idx.msk [tilespmem:v55+s19+$0x0], $0xffff  }
0x133: {  	v44 =	vshll.u32 v32, $0x5;
	v32 =	vor.u32 v59, v39;
	v53 =	vor.u32 v21, v18;
	[tilespmem:v56+s20+$0x0] =	vst.idx.msk $0xffff, v47  }
0x134: {  	v55 =	vor.u32 v18, v23;
	[tilespmem:v60+s20+$0x0] =	vst.idx.msk $0xffff, v62;
	v46 =	vadd.f32 v46, v17  }
0x135: {  	v56 =	vor.u32 v30, v15;
	v62 =	vor.u32 v30, v12;
	v36 =	vadd.f32 v36, v10;
	v60 =	vld.idx.msk [tilespmem:v61+s19+$0x0], $0xffff  }
0x136: {  	v54 =	vld.idx.msk [tilespmem:v49+s19+$0x0], $0xffff;
	v49 =	vor.u32 v24, v18;
	v38 =	vadd.f32 v38, v11;
	[tilespmem:v51+s20+$0x0] =	vst.idx.msk $0xffff, v46  }
0x137: {  	v46 =	vor.u32 v29, v12;
	[tilespmem:v50+s20+$0x0] =	vst.idx.msk $0xffff, v36;
	v61 =	vadd.f32 v42, v22  }
0x138: {  	v42 =	vor.u32 v15, v31;
	v36 =	vand.u32 $0xFFFFFFC0, v44;
	[tilespmem:v63+s20+$0x0] =	vst.idx.msk $0xffff, v38;
	v41 =	vld.idx.msk [tilespmem:v57+s19+$0x0], $0xffff  }
0x139: {  	v50 =	vor.u32 v18, v25;
	v44 =	vor.u32 v29, v15;
	v57 =	vor.u32 v12, v31;
	v63 =	vld.idx.msk [tilespmem:v58+s19+$0x0], $0xffff  }
0x13a: {  	v58 =	vld.idx.msk [tilespmem:v52+s19+$0x0], $0xffff;
	[tilespmem:v53+s20+$0x0] =	vst.idx.msk $0xffff, v61;
	v59 =	vadd.f32 v60, v13;
	v60 =	vor.u32 v36, v37  }
0x13b: {  	v61 =	vor.u32 v37, v32;
	v53 =	vor.u32 v36, v9;
	v45 =	vld.idx.msk [tilespmem:v55+s19+$0x0], $0xffff;
	v39 =	vadd.f32 v54, v14  }
0x13c: {  	s23 =	simm.s32 $0x6;
	v26 =	vshll.u32 v26, $0x5;
	v54 =	vor.u32 v9, v32;
	v55 =	vor.u32 v24, v16;
	[tilespmem:v56+s20+$0x0] =	vst.idx.msk $0xffff, v59  }
0x13d: {  	v26 =	vand.u32 $0xFFFFFFC0, v26;
	v52 =	vadd.s32 s23, v0;
	[tilespmem:v62+s20+$0x0] =	vst.idx.msk $0xffff, v39;
	v42 =	vld.idx.msk [tilespmem:v42+s19+$0x0], $0xffff;
	v62 =	vadd.f32 v41, v10  }
0x13e: {  	s31 =	simm.s32 $0x7;
	v38 =	vor.u32 v26, v37;
	v37 =	vand.u32 $0x3F, v52;
	v43 =	vld.idx.msk [tilespmem:v57+s19+$0x0], $0xffff;
	v63 =	vadd.f32 v63, v11  }
0x13f: {  	v52 =	vor.u32 v19, v37;
	v41 =	vadd.s32 s31, v0;
	v47 =	vadd.f32 v58, v17;
	[tilespmem:v60+s20+$0x0] =	vst.idx.msk $0xffff, v62  }
0x140: {  	v51 =	vadd.f32 v45, v22;
	v45 =	vor.u32 v15, v33;
	v39 =	vld.idx.msk [tilespmem:v61+s19+$0x0], $0xffff;
	[tilespmem:v53+s20+$0x0] =	vst.idx.msk $0xffff, v63  }
0x141: {  	s0 =	simm.s32 $0x8;
	v53 =	vor.u32 v37, v20;
	[tilespmem:v55+s20+$0x0] =	vst.idx.msk $0xffff, v47;
	v47 =	vor.u32 v12, v33;
	v40 =	vld.idx.msk [tilespmem:v54+s19+$0x0], $0xffff  }
.LBB2_16:
0x142: {  	p0 =	slt.u32 s0, $0x3E;
	v41 =	vand.u32 $0x3F, v41;
	v48 =	vld.idx.msk [tilespmem:v48+s19+$0x0], $0xffff;
	[tilespmem:v49+s20+$0x0] =	vst.idx.msk $0xffff, v51;
	v42 =	vadd.f32 v42, v13;
	v49 =	vmov v15  }
0x143: {  	v43 =	vadd.f32 v43, v14;
	v51 =	vor.u32 v26, v9;
	v15 =	vor.u32 v19, v41;
	v50 =	vld.idx.msk [tilespmem:v50+s19+$0x0], $0xffff  }
0x144: {  	v9 =	vmov v12;
	v12 =	vmov v18;
	v54 =	vor.u32 v41, v20;
	v52 =	vld.idx.msk [tilespmem:v52+s13+$0x0], $0xffff;
	[tilespmem:v44+s20+$0x0] =	vst.idx.msk $0xffff, v42  }
0x145: {  	v42 =	vor.u32 v27, v16;
	v55 =	vadd.f32 v39, v10;
	v44 =	vld.idx.msk [tilespmem:v45+s19+$0x0], $0xffff;
	[tilespmem:v46+s20+$0x0] =	vst.idx.msk $0xffff, v43  }
0x146: {  	v39 =	vor.u32 v16, v28;
	v43 =	vor.u32 v27, v12;
	v11 =	vadd.f32 v40, v11;
	v45 =	vld.idx.msk [tilespmem:v47+s19+$0x0], $0xffff  }
0x147: {  	v18 =	vmov v41;
	v10 =	vmov v13;
	v46 =	vor.u32 v12, v28;
	v40 =	vld.idx.msk [tilespmem:v53+s19+$0x0], $0xffff;
	[tilespmem:v38+s20+$0x0] =	vst.idx.msk $0xffff, v55  }
0x148: {  	v53 =	vadd.f32 v48, v17;
	v38 =	vld.idx.msk [tilespmem:v15+s13+$0x0], $0xffff;
	v15 =	vor.u32 v34, v49;
	[tilespmem:v51+s20+$0x0] =	vst.idx.msk $0xffff, v11  }
0x149: {  	v48 =	vor.u32 v49, v35;
	v47 =	vadd.f32 v50, v22;
	v50 =	vor.u32 v34, v9;
	v41 =	vld.idx.msk [tilespmem:v54+s19+$0x0], $0xffff  }
0x14a: {  	v13 =	vmovc v17;
	v17 =	vmov v52;
	v11 =	vmov v14;
	[tilespmem:v42+s20+$0x0] =	vst.idx.msk $0xffff, v53;
	v42 =	vor.u32 v9, v35  }
0x14b: {  	v51 =	vor.u32 v21, v37;
	v52 =	vadd.f32 v44, v10;
	v39 =	vld.idx.msk [tilespmem:v39+s19+$0x0], $0xffff;
	[tilespmem:v43+s20+$0x0] =	vst.idx.msk $0xffff, v47  }
0x14c: {  	v44 =	vor.u32 v21, v18;
	v43 =	vor.u32 v37, v23;
	v45 =	vadd.f32 v45, v11;
	v46 =	vld.idx.msk [tilespmem:v46+s19+$0x0], $0xffff  }
0x14d: {  	v14 =	vmovc v22;
	v47 =	vor.u32 v18, v23;
	[tilespmem:v15+s20+$0x0] =	vst.idx.msk $0xffff, v52;
	v15 =	vmov v16;
	v16 =	vmov v37  }
0x14e: {  	v52 =	vadd.f32 v40, v17;
	v37 =	vor.u32 v30, v15;
	v40 =	vld.idx.msk [tilespmem:v48+s19+$0x0], $0xffff;
	[tilespmem:v50+s20+$0x0] =	vst.idx.msk $0xffff, v45  }
0x14f: {  	v41 =	vadd.f32 v41, v38;
	v45 =	vor.u32 v15, v31;
	v48 =	vor.u32 v30, v12;
	v50 =	vld.idx.msk [tilespmem:v42+s19+$0x0], $0xffff  }
0x150: {  	v22 =	vmov v38;
	[tilespmem:v51+s20+$0x0] =	vst.idx.msk $0xffff, v52;
	v51 =	vor.u32 v12, v31  }
0x151: {  	v38 =	vadd.f32 v39, v13;
	v39 =	vor.u32 v36, v49;
	v53 =	vld.idx.msk [tilespmem:v43+s19+$0x0], $0xffff;
	[tilespmem:v44+s20+$0x0] =	vst.idx.msk $0xffff, v41  }
0x152: {  	v43 =	vadd.f32 v46, v14;
	v46 =	vor.u32 v49, v32;
	v41 =	vld.idx.msk [tilespmem:v47+s19+$0x0], $0xffff;
	v47 =	vor.u32 v36, v9  }
0x153: {  	v54 =	vor.u32 v9, v32;
	v44 =	vadd.s32 s0, v0;
	[tilespmem:v37+s20+$0x0] =	vst.idx.msk $0xffff, v38;
	v38 =	vor.u32 v26, v49  }
0x154: {  	v55 =	vor.u32 v24, v16;
	v40 =	vadd.f32 v40, v10;
	v42 =	vld.idx.msk [tilespmem:v45+s19+$0x0], $0xffff;
	[tilespmem:v48+s20+$0x0] =	vst.idx.msk $0xffff, v43  }
.Ltmp12:
0x155: {  	v49 =	vor.u32 v24, v18;
	v48 =	vor.u32 v16, v25;
	v45 =	vadd.f32 v50, v11;
	v43 =	vld.idx.msk [tilespmem:v51+s19+$0x0], $0xffff;
	(pc) =	sbr.rel @p0 .LBB2_16-.Ltmp12, $4  }
0x156: {  	v37 =	vand.u32 $0x3F, v44;
	v44 =	vor.u32 v29, v15;
	v50 =	vor.u32 v18, v25;
	[tilespmem:v39+s20+$0x0] =	vst.idx.msk $0xffff, v40  }
0x157: {  	v52 =	vor.u32 v19, v37;
	v56 =	vadd.f32 v53, v17;
	v39 =	vld.idx.msk [tilespmem:v46+s19+$0x0], $0xffff;
	[tilespmem:v47+s20+$0x0] =	vst.idx.msk $0xffff, v45  }
0x158: {  	s1 =	sadd.s32 $0x1, s0;
	v51 =	vadd.f32 v41, v22;
	v45 =	vor.u32 v15, v33;
	v46 =	vor.u32 v29, v12;
	v40 =	vld.idx.msk [tilespmem:v54+s19+$0x0], $0xffff  }
0x159: {  	s0 =	sadd.s32 $0x2, s0;
	v53 =	vor.u32 v37, v20;
	v41 =	vadd.s32 s1, v0;
	v47 =	vor.u32 v12, v33;
	[tilespmem:v55+s20+$0x0] =	vst.idx.msk $0xffff, v56  }
0x15a: {  	v41 =	vand.u32 $0x3F, v41  }
0x15b: {  	v54 =	vor.u32 v19, v41  }
0x15c: {  	v55 =	vor.u32 v41, v20;
	_ =	sdelay $0x1  }
0x15d: {  	v61 =	vld.idx.msk [tilespmem:v53+s19+$0x0], $0xffff  }
0x15e: {  	v19 =	vld.idx.msk [tilespmem:v52+s13+$0x0], $0xffff  }
0x15f: {  	v20 =	vld.idx.msk [tilespmem:v54+s13+$0x0], $0xffff  }
0x160: {  	v62 =	vld.idx.msk [tilespmem:v55+s19+$0x0], $0xffff  }
0x161: {  	v63 =	vor.u32 v21, v37  }
0x162: {  	v57 =	vor.u32 v37, v23;
	v58 =	vor.u32 v21, v41  }
0x163: {  	v59 =	vor.u32 v41, v23  }
0x164: {  	v52 =	vadd.f32 v61, v19  }
0x165: {  	v53 =	vadd.f32 v62, v20  }
0x166: {  	[tilespmem:v63+s20+$0x0] =	vst.idx.msk $0xffff, v52  }
0x167: {  	v52 =	vld.idx.msk [tilespmem:v57+s19+$0x0], $0xffff;
	[tilespmem:v58+s20+$0x0] =	vst.idx.msk $0xffff, v53  }
0x168: {  	v21 =	vld.idx.msk [tilespmem:v59+s19+$0x0], $0xffff  }
0x169: {  	v60 =	vor.u32 v24, v37  }
0x16a: {  	v61 =	vor.u32 v37, v25;
	v62 =	vor.u32 v24, v41  }
0x16b: {  	v63 =	vor.u32 v41, v25  }
0x16c: {  	v52 =	vadd.f32 v52, v19  }
0x16d: {  	v48 =	vld.idx.msk [tilespmem:v48+s19+$0x0], $0xffff;
	[tilespmem:v49+s20+$0x0] =	vst.idx.msk $0xffff, v51;
	v21 =	vadd.f32 v21, v20  }
0x16e: {  	v49 =	vld.idx.msk [tilespmem:v50+s19+$0x0], $0xffff;
	[tilespmem:v60+s20+$0x0] =	vst.idx.msk $0xffff, v52  }
0x16f: {  	v56 =	vor.u32 v27, v16;
	v57 =	vld.idx.msk [tilespmem:v61+s19+$0x0], $0xffff;
	[tilespmem:v62+s20+$0x0] =	vst.idx.msk $0xffff, v21  }
0x170: {  	v58 =	vor.u32 v16, v28;
	v59 =	vor.u32 v27, v18;
	v25 =	vld.idx.msk [tilespmem:v63+s19+$0x0], $0xffff  }
0x171: {  	v60 =	vor.u32 v18, v28;
	v61 =	vor.u32 v27, v37  }
0x172: {  	v48 =	vadd.f32 v48, v17;
	v62 =	vor.u32 v37, v28;
	v63 =	vor.u32 v27, v41  }
0x173: {  	v49 =	vadd.f32 v49, v22;
	v54 =	vor.u32 v41, v28  }
0x174: {  	[tilespmem:v56+s20+$0x0] =	vst.idx.msk $0xffff, v48;
	v55 =	vadd.f32 v57, v19  }
0x175: {  	[tilespmem:v59+s20+$0x0] =	vst.idx.msk $0xffff, v49;
	v21 =	vld.idx.msk [tilespmem:v58+s19+$0x0], $0xffff;
	v56 =	vadd.f32 v25, v20  }
0x176: {  	v57 =	vld.idx.msk [tilespmem:v60+s19+$0x0], $0xffff;
	[tilespmem:v61+s20+$0x0] =	vst.idx.msk $0xffff, v55  }
0x177: {  	v58 =	vor.u32 v30, v16;
	v59 =	vld.idx.msk [tilespmem:v62+s19+$0x0], $0xffff;
	[tilespmem:v63+s20+$0x0] =	vst.idx.msk $0xffff, v56  }
0x178: {  	v60 =	vor.u32 v16, v31;
	v61 =	vor.u32 v30, v18;
	v28 =	vld.idx.msk [tilespmem:v54+s19+$0x0], $0xffff  }
0x179: {  	v62 =	vor.u32 v18, v31;
	v63 =	vor.u32 v30, v37  }
0x17a: {  	v55 =	vor.u32 v30, v41;
	v21 =	vadd.f32 v21, v17;
	v54 =	vor.u32 v37, v31  }
0x17b: {  	v25 =	vadd.f32 v57, v22;
	v56 =	vor.u32 v41, v31  }
0x17c: {  	[tilespmem:v58+s20+$0x0] =	vst.idx.msk $0xffff, v21;
	v57 =	vadd.f32 v59, v19  }
0x17d: {  	v23 =	vld.idx.msk [tilespmem:v60+s19+$0x0], $0xffff;
	[tilespmem:v61+s20+$0x0] =	vst.idx.msk $0xffff, v25;
	v58 =	vadd.f32 v28, v20  }
0x17e: {  	v60 =	vadd.f32 v43, v14;
	v27 =	vld.idx.msk [tilespmem:v62+s19+$0x0], $0xffff;
	[tilespmem:v63+s20+$0x0] =	vst.idx.msk $0xffff, v57  }
0x17f: {  	v61 =	vor.u32 v29, v16;
	v59 =	vadd.f32 v42, v13;
	v62 =	vld.idx.msk [tilespmem:v54+s19+$0x0], $0xffff;
	[tilespmem:v55+s20+$0x0] =	vst.idx.msk $0xffff, v58  }
0x180: {  	v48 =	vor.u32 v29, v18;
	[tilespmem:v46+s20+$0x0] =	vst.idx.msk $0xffff, v60;
	v63 =	vor.u32 v16, v33;
	v30 =	vld.idx.msk [tilespmem:v56+s19+$0x0], $0xffff  }
0x181: {  	v51 =	vor.u32 v29, v37;
	v50 =	vor.u32 v18, v33;
	v52 =	vld.idx.msk [tilespmem:v47+s19+$0x0], $0xffff;
	[tilespmem:v44+s20+$0x0] =	vst.idx.msk $0xffff, v59  }
0x182: {  	v53 =	vor.u32 v37, v33;
	v49 =	vld.idx.msk [tilespmem:v45+s19+$0x0], $0xffff;
	v23 =	vadd.f32 v23, v17;
	v54 =	vor.u32 v29, v41  }
0x183: {  	v57 =	vor.u32 v34, v12;
	v27 =	vadd.f32 v27, v22;
	v56 =	vor.u32 v41, v33  }
0x184: {  	[tilespmem:v61+s20+$0x0] =	vst.idx.msk $0xffff, v23;
	v55 =	vor.u32 v34, v15;
	v58 =	vadd.f32 v62, v19  }
0x185: {  	v61 =	vor.u32 v12, v35;
	[tilespmem:v48+s20+$0x0] =	vst.idx.msk $0xffff, v27;
	v24 =	vld.idx.msk [tilespmem:v63+s19+$0x0], $0xffff;
	v60 =	vadd.f32 v30, v20  }
0x186: {  	v59 =	vor.u32 v15, v35;
	v21 =	vld.idx.msk [tilespmem:v50+s19+$0x0], $0xffff;
	v63 =	vadd.f32 v52, v14;
	[tilespmem:v51+s20+$0x0] =	vst.idx.msk $0xffff, v58  }
0x187: {  	v48 =	vor.u32 v34, v16;
	v62 =	vadd.f32 v49, v13;
	v49 =	vld.idx.msk [tilespmem:v53+s19+$0x0], $0xffff;
	[tilespmem:v54+s20+$0x0] =	vst.idx.msk $0xffff, v60  }
0x188: {  	v50 =	vor.u32 v16, v35;
	[tilespmem:v57+s20+$0x0] =	vst.idx.msk $0xffff, v63;
	v51 =	vor.u32 v34, v18;
	v52 =	vld.idx.msk [tilespmem:v56+s19+$0x0], $0xffff  }
0x189: {  	[tilespmem:v55+s20+$0x0] =	vst.idx.msk $0xffff, v62;
	v53 =	vor.u32 v18, v35;
	v54 =	vor.u32 v34, v37  }
0x18a: {  	v55 =	vor.u32 v37, v35;
	v27 =	vld.idx.msk [tilespmem:v61+s19+$0x0], $0xffff;
	v24 =	vadd.f32 v24, v17;
	v56 =	vor.u32 v34, v41  }
0x18b: {  	v57 =	vor.u32 v41, v35;
	v28 =	vld.idx.msk [tilespmem:v59+s19+$0x0], $0xffff;
	v21 =	vadd.f32 v21, v22  }
0x18c: {  	v46 =	vor.u32 v36, v16;
	[tilespmem:v48+s20+$0x0] =	vst.idx.msk $0xffff, v24;
	v59 =	vadd.f32 v49, v19  }
0x18d: {  	v58 =	vor.u32 v36, v15;
	v25 =	vld.idx.msk [tilespmem:v50+s19+$0x0], $0xffff;
	[tilespmem:v51+s20+$0x0] =	vst.idx.msk $0xffff, v21;
	v61 =	vadd.f32 v52, v20  }
0x18e: {  	v62 =	vor.u32 v36, v12;
	v60 =	vor.u32 v15, v32;
	v23 =	vld.idx.msk [tilespmem:v53+s19+$0x0], $0xffff;
	[tilespmem:v54+s20+$0x0] =	vst.idx.msk $0xffff, v59  }
0x18f: {  	v63 =	vor.u32 v12, v32;
	v48 =	vor.u32 v16, v32;
	v33 =	vld.idx.msk [tilespmem:v55+s19+$0x0], $0xffff;
	[tilespmem:v56+s20+$0x0] =	vst.idx.msk $0xffff, v61  }
0x190: {  	v47 =	vadd.f32 v27, v14;
	v45 =	vadd.f32 v28, v13;
	v49 =	vor.u32 v36, v18;
	v35 =	vld.idx.msk [tilespmem:v57+s19+$0x0], $0xffff  }
0x191: {  	v50 =	vor.u32 v18, v32;
	v51 =	vor.u32 v36, v37;
	v53 =	vor.u32 v36, v41  }
0x192: {  	[tilespmem:v58+s20+$0x0] =	vst.idx.msk $0xffff, v45;
	v52 =	vor.u32 v37, v32;
	v25 =	vadd.f32 v25, v17  }
0x193: {  	[tilespmem:v62+s20+$0x0] =	vst.idx.msk $0xffff, v47;
	v31 =	vld.idx.msk [tilespmem:v60+s19+$0x0], $0xffff;
	v55 =	vor.u32 v41, v32;
	v54 =	vadd.f32 v23, v22  }
0x194: {  	v9 =	vor.u32 v26, v9;
	v29 =	vld.idx.msk [tilespmem:v63+s19+$0x0], $0xffff;
	[tilespmem:v46+s20+$0x0] =	vst.idx.msk $0xffff, v25;
	v56 =	vadd.f32 v33, v19  }
0x195: {  	v57 =	vor.u32 v26, v15;
	v27 =	vld.idx.msk [tilespmem:v48+s19+$0x0], $0xffff;
	[tilespmem:v49+s20+$0x0] =	vst.idx.msk $0xffff, v54;
	v58 =	vadd.f32 v35, v20  }
0x196: {  	v10 =	vadd.f32 v39, v10;
	v59 =	vor.u32 v26, v12;
	v24 =	vld.idx.msk [tilespmem:v50+s19+$0x0], $0xffff;
	[tilespmem:v51+s20+$0x0] =	vst.idx.msk $0xffff, v56  }
0x197: {  	v11 =	vadd.f32 v40, v11;
	v60 =	vor.u32 v26, v16;
	v25 =	vld.idx.msk [tilespmem:v52+s19+$0x0], $0xffff;
	[tilespmem:v53+s20+$0x0] =	vst.idx.msk $0xffff, v58  }
0x198: {  	[tilespmem:v38+s20+$0x0] =	vst.idx.msk $0xffff, v10;
	v61 =	vor.u32 v26, v18;
	v10 =	vadd.f32 v31, v13;
	v62 =	vld.idx.msk [tilespmem:v55+s19+$0x0], $0xffff  }
0x199: {  	[tilespmem:v9+s20+$0x0] =	vst.idx.msk $0xffff, v11;
	v11 =	vor.u32 v26, v37;
	v9 =	vadd.f32 v29, v14  }
0x19a: {  	v63 =	vor.u32 v26, v41;
	[tilespmem:v57+s20+$0x0] =	vst.idx.msk $0xffff, v10;
	v10 =	vadd.f32 v27, v17  }
0x19b: {  	[tilespmem:v59+s20+$0x0] =	vst.idx.msk $0xffff, v9;
	v9 =	vadd.f32 v24, v22  }
0x19c: {  	[tilespmem:v60+s20+$0x0] =	vst.idx.msk $0xffff, v10;
	v10 =	vadd.f32 v25, v19  }
0x19d: {  	[tilespmem:v61+s20+$0x0] =	vst.idx.msk $0xffff, v9;
	v9 =	vadd.f32 v62, v20  }
0x19e: {  	[tilespmem:v11+s20+$0x0] =	vst.idx.msk $0xffff, v10  }
0x19f: {  	[tilespmem:v63+s20+$0x0] =	vst.idx.msk $0xffff, v9  }
0x1a0: {  	p0 =	sge.u32 s30, s29  }
.Ltmp13:
0x1a1: {  	_ = 	snop;
	(pc) =	sbr.rel @!p0 .LBB2_9-.Ltmp13, $4  }
.Ltmp14:
0x1a2: {  	_ = 	snop;
	(pc) =	sbr.rel @p0 .LBB2_5-.Ltmp14, $4  }
0x1a3: {  	_ = 	snop  }
0x1a4: {  	_ = 	snop  }
0x1a5: {  	_ = 	snop  }
0x1a6: {  	_ = 	snop  }
.LBB2_7:
0x1a7: {  	_ =	sfence.sel $0x180000  }
0x1a8: {  	[bflag:$0x0] =	sbarrier.arrive $0xFFFF  }
0x1a9: {  	_ =	strace $0x90000047  }
0x1aa: {  	s0 =	stileid.u32;
	[bflag:$0x2] =	sbarrier.arrive $0xFFFF  }
0x1ab: {  	p0 =	sne.s32 s0, $0x0;
	s0 =	rddreg [dreg:$0x4]  }
0x1ac: {  	s0 =	sadd.s32 @!p0 $0x100000, s0  }
0x1ad: {  	[sflag:s0] =	ssyncadd.tile.s32 @!p0 $0x1;
	_ =	shalt  }
.Lfunc_end2:
_tile_overlayer_lowered:
.L_overlay_start_2:
0x1ae: {  	(tag) =	ssettag $0x2  }
0x1af: {  	s0 =	rddreg [dreg:$0x0];
	s2 =	stileid.u32  }
0x1b0: {  	s1 =	rddreg [dreg:$0x1];
	p0 =	sne.s32 s2, $0x0  }
0x1b1: {  	s3 =	rddreg [dreg:$0x2];
	[bflag:$0x3] =	sbarrier.arrive $0xFFFF;
	s2 =	simm.s32 @!p0 $0x1C04  }
0x1b2: {  	[timem:s3], [sflag:s2] =	dma.local @!p0 [hbm:s0], s1  }
0x1b3: {  	s0 =	simm.s32 @!p0 $0x4  }
0x1b4: {  	_ =	swait.ge @!p0 [sflag:s0], s1  }
0x1b5: {  	s1 =	ssub.s32 @!p0 $0x0, s1;
	[sflag:s0] =	ssyncset.done @!p0 $0x0  }
0x1b6: {  	[sflag:s0] =	ssyncadd.s32 @!p0 s1  }
0x1b7: {  	[bflag:$0x3] =	sbarrier.arrive $0xFFFF  }
0x1b8: {  	_ =	shalt  }

// kernel: sparse-core-data-format-call.cloned.1.call-start
scs
called_computation_lowered:
.L_overlay_start_0:
0x0: {  	s2 =	sld [smem:$0x3FD9]  }
0x1: {  	s3 =	sld [smem:$0x3FFE];
	_ =	sdelay $0x1  }
0x2: {  	s1 =	srdreg.scid  }
0x3: {  	s0 =	sand.u32 $0x1, s1  }
0x4: {  	s18 =	sshll.u32 s0, $0xA;
	s2 =	sadd.s32 s3, s2  }
0x5: {  	s2 =	sadd.s32 s2, s18  }
0x6: {  	[smem:$0x3FC2] =	sst s2  }
0x7: {  	_ = 	snop  }
0x8: {  	s2 =	sld [smem:$0x3FD0];
	(tm) =	ssettm $0x1  }
0x9: {  	s19 =	sld [smem:$0x3FFB];
	_ =	sdelay $0x3  }
0xa: {  	_ =	strace s19  }
0xb: {  	s3 =	sld [smem:$0x3FFC];
	_ =	sdelay $0x3  }
0xc: {  	_ =	strace s3  }
0xd: {  	s3 =	sld [smem:$0x3FFD];
	_ =	sdelay $0x3  }
0xe: {  	_ =	strace s3  }
0xf: {  	_ =	strace $0x8FFFFFFF  }
0x10: {  	s20 =	sld [smem:$0x3FDB];
	_ =	sdelay $0x1  }
0x11: {  	s4 =	simm.s32 $_scs_section_size  }
0x12: {  	s5 =	simm.s32 $_size__tile_overlayer_lowered;
	s6 =	simm.s32 $_tile_overlayer_lowered  }
0x13: {  	s23 =	simm.s32 $0x1BFF;
	s22 =	sshll.u32 s6, $0x1;
	s3 =	sadd.s32 s4, s20  }
0x14: {  	s7 =	simm.s32 $0x0;
	s21 =	sshll.u32 s5, $0x1;
	s5 =	sadd.s32 s22, s3  }
0x15: {  	[timem:s7], [sflag:s23] =	dma.local [hbm:s5], s21  }
0x16: {  	_ =	swait.ge [sflag:s23], s21  }
0x17: {  	s4 =	ssub.s32 $0x0, s21;
	[sflag:s23] =	ssyncset.done $0x0  }
0x18: {  	[sflag:s23] =	ssyncadd.s32 s4;
	_ =	sdelay $0x1  }
0x19: {  	s24 =	simm.s32 $0x1B8B  }
0x1a: {  	_ =	swait.ge [sflag:s24], $0x1  }
0x1b: {  	[sflag:s24] =	ssyncset.done $0x0  }
0x1c: {  	s26 =	simm.s32 $0x1B8E;
	s25 =	sld [smem:$0x3FFE];
	[sflag:s24] =	ssyncadd.s32 $0xFFFFFFFF  }
0x1d: {  	s27 =	simm.s32 $execute0_lowered;
	[smem:$0x3FD2] =	sst s26  }
0x1e: {  	s5 =	sshll.u32 s27, $0x1;
	_ =	strace $0x80000049;
	[dreg:$0x1] =	wrdreg $0xFFFFFFFF  }
0x1f: {  	s28 =	simm.s32 $_size_execute0_lowered;
	s3 =	sadd.s32 s3, s5;
	[dreg:$0x0] =	wrdreg $0x0  }
0x20: {  	s5 =	sshll.u32 s28, $0x1;
	[dreg:$0x2] =	wrdreg s3  }
0x21: {  	[dreg:$0x3] =	wrdreg s5  }
0x22: {  	[dreg:$0x4] =	wrdreg $0xC0  }
0x23: {  	_ =	task [dreg:s7], $0x5FFFF  }
0x24: {  	[dreg:$0x1] =	wrdreg $0xFFFFFFFF  }
0x25: {  	[dreg:$0x0] =	wrdreg $0x60  }
0x26: {  	[dreg:$0x2] =	wrdreg s25  }
0x27: {  	[dreg:$0x3] =	wrdreg s2  }
0x28: {  	[dreg:$0x4] =	wrdreg $0x9  }
0x29: {  	_ =	task.clear_ibuf [dreg:s7], $0x5FFFF;
	_ =	strace $0x90000049  }
0x2a: {  	s29 =	simm.s32 $0x9;
	_ =	strace $0x8000004B  }
0x2b: {  	_ =	swait.ge [sflag:s29], $0x1  }
0x2c: {  	[sflag:s29] =	ssyncadd.s32 $0xFFFFFFFF  }
0x2d: {  	_ =	strace $0x9000004B  }
0x2e: {  	_ =	sfence  }
0x2f: {  	s30 =	sld [smem:$0x0];
	_ =	sdelay $0x2  }
0x30: {  	s31 =	sshll.u32 s1, $0xD;
	s1 =	sshrl.u32 s1, $0x2  }
0x31: {  	s3 =	sand.u32 $0x4000, s31;
	s1 =	sadd.s32 s1, s30  }
0x32: {  	s0 =	sor.u32 s3, s0;
	s1 =	sshll.u32 s1, $0x11  }
0x33: {  	s0 =	sor.u32 s1, s0  }
0x34: {  	s0 =	sadd.s32 $0x8F2B, s0  }
0x35: {  	[sflag:s0] =	ssyncadd.remote.s32 $0x1  }
0x36: {  	_ =	sfence.sel $0xFFFF  }
0x37: {  	[dreg:$0x0] =	wrdreg $0xFFFFFFFF;
	(pc) =	sbr.abs _section_cstart, $3  }
0x38: {  	[dreg:$0x1] =	wrdreg $0xFFFFFFFF  }
0x39: {  	_ =	task.clear_ibuf [dreg:s7], $0x2FFFF;
	_ =	strace $0x9FFFFFFF  }
0x3a: {  	(tm) =	ssettm $0x7FFFFFFF  }
0x3b: {  	_ =	shalt  }
tec
execute0_lowered:
.L_overlay_start_1:
0x0: {  	(tag) =	ssettag $0x1  }
0x1: {  	s0 =	srdreg.scid  }
0x2: {  	s1 =	sshll.u32 s0, $0x4  }
0x3: {  	s4 =	rddreg [dreg:$0x0];
	s0 =	stileid.u32;
	s1 =	sand.u32 $0x10, s1  }
0x4: {  	s2 =	rddreg [dreg:$0x1];
	s7 =	simm.s32 $0x1;
	s1 =	sor.u32 s0, s1  }
0x5: {  	s8 =	simm.s32 $0x2;
	s11 =	simm.s32 $0x0;
	s3 =	sshll.u32 s1, $0x7  }
0x6: {  	s10 =	simm.s32 $0x0;
	s4 =	sadd.s32 $0x2400, s4;
	s6 =	ssub.s32 $0x50000, s3  }
.Ltmp0:
0x7: {  	s1 =	rddreg [dreg:$0x2];
	s5 =	sand.u32 $0xF80, s6;
	(pc) =	sbr.rel .LBB1_1-.Ltmp0, $4  }
0x8: {  	_ =	strace $0x8000004A;
	s9 =	smov.u32 s3;
	p0 =	sne.s32 s5, $0x0  }
0x9: {  	s6 =	sshrl.u32 s6, $0xC;
	s5 =	simm.s32 $0x1;
	s7 =	simm.s32 @!p0 $0x0  }
0xa: {  	[sflag:s5] =	ssyncpa.u1 $0x0;
	p0 =	por $0x0, $0x0;
	s6 =	sadd.s32 s7, s6  }
0xb: {  	[sflag:s8] =	ssyncpa.u1 $0x0;
	s8 =	simm.s32 $0x280000;
	s7 =	sadd.s32 $0x1, s6  }
.LBB1_4:
0xc: {  	s14 =	sshll.u32 s11, $0x3  }
0xd: {  	s30 =	sand.u32 $0x7F, s11;
	s15 =	sand.u32 $0xFFFFFC00, s14  }
0xe: {  	s11 =	sor.u32 s30, s15  }
0xf: {  	s15 =	smulhi.u32 $0xCCCCCCCD, s11  }
0x10: {  	s14 =	smulhi.u32 $0xCCCCCCCD, s14  }
0x11: {  	s15 =	sshrl.u32 s15, $0x12  }
0x12: {  	s14 =	sshrl.u32 s14, $0x12;
	s15 =	smul.u32 $0x50000, s15  }
0x13: {  	s14 =	sand.u32 $0x3F, s14  }
0x14: {  	s14 =	smul.u32 $0xA000, s14;
	s11 =	ssub.s32 s11, s15  }
0x15: {  	[tilespmem:s13+$0x810 ss:$0x81] =	vst.msk $0xffff, v2;
	s15 =	sand.u32 $0x7, s11  }
0x16: {  	[tilespmem:s13+$0x1020 ss:$0x81] =	vst.msk $0xffff, v0;
	s14 =	sadd.s32 s2, s14;
	s11 =	sshrl.u32 s11, $0x3;
	s15 =	sshll.u32 s15, $0x12  }
0x17: {  	[tilespmem:s13+$0x0 ss:$0x81] =	vst.msk $0xffff, v1;
	s11 =	sadd.s32 s11, s14;
	s31 =	sor.u32 $0x400, s15  }
0x18: {  	[hbm4b:s11+s31] =	stream.strided.scatter [tilespmem:s12], [sflag:$0x2], $0x2000, s8, s31, $0x20;
	[tilespmem:$0x8080] =	vst v63  }
.LBB1_5:
0x19: {  	s13 =	sadd.s32 $0x1000, s9  }
0x1a: {  	p2 =	sgt.s32 s13, $0x4FFFF  }
0x1b: {  	s13 =	smov.u32 @p2 s3;
	p2 =	sne.s32 s10, s7  }
.Ltmp1:
0x1c: {  	p1 =	slt.u32 s10, $0x2;
	(pc) =	sbr.rel @!p2 .LBB1_6-.Ltmp1, $4  }
0x1d: {  	s12 =	simm.s32 @!p1 $0x2  }
0x1e: {  	s14 =	sadd.s32 $0x1, s10;
	_ =	swait.ge @!p1 [sflag:s12], $0x2000  }
0x1f: {  	s11 =	smov.u32 s9;
	p0 =	por !p0, !p0;
	[sflag:s12] =	ssyncset.done @!p1 $0x0  }
0x20: {  	s10 =	smov.u32 s14;
	s9 =	smov.u32 s13;
	[sflag:s12] =	ssyncadd.s32 @!p1 $0xFFFFE000  }
.LBB1_1:
0x21: {  	p1 =	sge.u32 s10, s6  }
0x22: {  	s12 =	sand.u32 @!p1 $0x1FFFFFF, s9  }
0x23: {  	s13 =	smulhi.u32 @!p1 $0xCCCCCD, s12;
	_ =	sdelay $0x1  }
0x24: {  	s13 =	sshrl.u32 @!p1 s13, $0xA  }
0x25: {  	s13 =	smul.u32 @!p1 $0x50000, s13;
	_ =	sdelay $0x1  }
0x26: {  	s31 =	sadd.s32 $0xFFFFFFFF, s10;
	s14 =	sxor.u32 @!p1 $0xFFFFFFFF, s10;
	s12 =	ssub.s32 @!p1 s12, s13  }
0x27: {  	s15 =	simm.s32 @!p1 $0x80;
	s14 =	sshll.u32 @!p1 s14, $0xD;
	s12 =	sshll.u32 @!p1 s12, $0x4  }
0x28: {  	s13 =	sand.u32 @!p1 $0x2000, s14;
	s14 =	simm.s32 @!p1 $0x40;
	s12 =	sadd.s32 @!p1 s4, s12  }
0x29: {  	[tilespmem:s13], [sflag:$0x1] =	stream.strided.gather @!p1 [hbm4b:s12+s14], $0x2000, s15, s14, $0x38;
	[tilespmem:$0x8080] =	vst v63  }
0x2a: {  	p1 =	sge.u32 s31, s6  }
.Ltmp2:
0x2b: {  	_ = 	snop;
	(pc) =	sbr.rel @p1 .LBB1_5-.Ltmp2, $1  }
0x2c: {  	_ =	sdelay $0x3  }
0x2d: {  	s12 =	simm.s32 $0x1  }
0x2e: {  	_ =	swait.ge [sflag:s5], $0x2000;
	s12 =	simm.s32 @!p0 $0x0  }
0x2f: {  	[sflag:s5] =	ssyncset.done $0x0;
	s13 =	sshll.u32 s12, $0xD  }
0x30: {  	[sflag:s5] =	ssyncadd.s32 $0xFFFFE000;
	s16 =	sor.u32 $0x20, s13  }
0x31: {  	s12 =	smul.u32 $0x8100, s12;
	v3 =	vld [tilespmem:s16+$0x10]  }
0x32: {  	s30 =	sand.u32 $0x1, s10;
	v2 =	vld [tilespmem:s16+$0xFFFFFFF0]  }
0x33: {  	s13 =	smul.u32 $0x8100, s30;
	s12 =	sshrl.u32 s12, $0x2;
	v0 =	vld [tilespmem:s16+$0x0]  }
0x34: {  	v1 =	vld [tilespmem:s16+$0xFFFFFFE0];
	s14 =	sor.u32 $0x4000, s12  }
0x35: {  	s31 =	sshrl.u32 s13, $0x2;
	s13 =	sadd.s32 $0x0, s14  }
0x36: {  	s15 =	simm.s32 $0x4;
	s16 =	sadd.s32 $0x40, s16;
	s12 =	sor.u32 $0x4000, s31;
	[tilespmem:s13+$0x1830 ss:$0x81] =	vst.msk $0xffff, v3  }
.LBB1_3:
0x37: {  	v3 =	vld [tilespmem:s16+$0x10];
	p1 =	sne.s32 s15, $0x1FC;
	[tilespmem:s13+$0x810 ss:$0x81] =	vst.msk $0xffff, v2;
	s17 =	smov.u32 s15;
	s15 =	sadd.s32 $0x4, s15  }
.Ltmp3:
0x38: {  	v2 =	vld [tilespmem:s16+$0xFFFFFFF0];
	[tilespmem:s13+$0x1020 ss:$0x81] =	vst.msk $0xffff, v0;
	(pc) =	sbr.rel @p1 .LBB1_3-.Ltmp3, $4  }
0x39: {  	v0 =	vld [tilespmem:s16+$0x0];
	[tilespmem:s13+$0x0 ss:$0x81] =	vst.msk $0xffff, v1  }
0x3a: {  	s13 =	sshra.s32 s17, $0x2;
	v1 =	vld [tilespmem:s16+$0xFFFFFFE0]  }
0x3b: {  	s13 =	sadd.s32 s13, s14  }
0x3c: {  	s16 =	sadd.s32 $0x40, s16;
	[tilespmem:s13+$0x1830 ss:$0x81] =	vst.msk $0xffff, v3  }
.Ltmp4:
0x3d: {  	_ = 	snop;
	(pc) =	sbr.rel .LBB1_4-.Ltmp4, $1  }
0x3e: {  	_ =	sdelay $0x3  }
.LBB1_6:
0x3f: {  	_ =	sfence.sel $0x180000  }
0x40: {  	s2 =	simm.s32 $0x1;
	[bflag:$0x0] =	sbarrier.arrive $0xFFFF  }
0x41: {  	s31 =	simm.s32 $0x2;
	[sflag:s2] =	ssyncpa.u1 $0x1  }
0x42: {  	[sflag:s31] =	ssyncpa.u1 $0x1  }
0x43: {  	p0 =	sne.s32 s0, $0x0;
	_ =	strace $0x9000004A  }
0x44: {  	s0 =	sadd.s32 @!p0 $0x100000, s1;
	[bflag:$0x2] =	sbarrier.arrive $0xFFFF  }
0x45: {  	[sflag:s0] =	ssyncadd.tile.s32 @!p0 $0x1;
	_ =	shalt  }
.Lfunc_end1:
_tile_overlayer_lowered:
.L_overlay_start_2:
0x46: {  	(tag) =	ssettag $0x2  }
0x47: {  	s0 =	rddreg [dreg:$0x0];
	s2 =	stileid.u32  }
0x48: {  	s1 =	rddreg [dreg:$0x1];
	p0 =	sne.s32 s2, $0x0  }
0x49: {  	s3 =	rddreg [dreg:$0x2];
	[bflag:$0x3] =	sbarrier.arrive $0xFFFF;
	s2 =	simm.s32 @!p0 $0x1C01  }
0x4a: {  	[timem:s3], [sflag:s2] =	dma.local @!p0 [hbm:s0], s1  }
0x4b: {  	s0 =	simm.s32 @!p0 $0x1  }
0x4c: {  	_ =	swait.ge @!p0 [sflag:s0], s1  }
0x4d: {  	s1 =	ssub.s32 @!p0 $0x0, s1;
	[sflag:s0] =	ssyncset.done @!p0 $0x0  }
0x4e: {  	[sflag:s0] =	ssyncadd.s32 @!p0 s1  }
0x4f: {  	[bflag:$0x3] =	sbarrier.arrive $0xFFFF  }
0x50: {  	_ =	shalt  }

</sc_bundles>
